<compile_context>
chip_gen: v7x
topology: tpu7x:2x2x1
jax: 0.10.2.dev20260603
libtpu: 0.0.44.dev20260713+nightly
codegen_flags: <defaults>
</compile_context>

<pallas_src>
import functools

import jax
import jax.numpy as jnp
from jax import lax
from jax.experimental import pallas as pl
from jax.experimental.pallas import tpu as pltpu
from jax.experimental.pallas import tpu_sc as plsc

N = 10000
E = 320000
D_IN = 128
H = 64

NC = 2
NS = 16
NW = NC * NS
EPT = E // NW
GROUPS = 20
GLEN = EPT // GROUPS
NPAD = 10240
RPT = NPAD // NS

_mesh = plsc.VectorSubcoreMesh(core_axis_name="c", subcore_axis_name="s")


@functools.partial(
    pl.kernel,
    out_type=jax.ShapeDtypeStruct((NC, NPAD), jnp.float32),
    mesh=_mesh,
    compiler_params=pltpu.CompilerParams(needs_layout_passes=False),
    scratch_types=[
        pltpu.VMEM((EPT,), jnp.int32),
        pltpu.VMEM((NPAD,), jnp.float32),
        pltpu.VMEM((NS, RPT), jnp.float32),
        pltpu.VMEM((RPT,), jnp.float32),
        pltpu.VMEM_SHARED((NS, NPAD), jnp.float32),
    ],
)
def _deg_kernel(dst_hbm, deg_out, dst_v, hist_v, red_v, out_v, deg_sh):
    c = lax.axis_index("c")
    s = lax.axis_index("s")
    wid = s * NC + c

    zeros16 = jnp.zeros((16,), jnp.float32)
    ones16 = jnp.ones((16,), jnp.float32)

    def _zero(i, carry):
        hist_v[pl.ds(i * 16, 16)] = zeros16
        return carry

    lax.fori_loop(0, NPAD // 16, _zero, 0)

    pltpu.sync_copy(dst_hbm.at[wid], dst_v)

    def _hist(i, carry):
        for g in range(5):
            idx = dst_v[pl.ds((i * 5 + g) * 16, 16)]
            plsc.addupdate_scatter(hist_v, [idx], ones16)
        return carry

    lax.fori_loop(0, EPT // 80, _hist, 0)

    pltpu.sync_copy(hist_v, deg_sh.at[s])
    plsc.subcore_barrier()

    for r in range(NS):
        pltpu.sync_copy(deg_sh.at[r, pl.ds(s * RPT, RPT)], red_v.at[r])

    def _red(i, carry):
        acc = red_v[0, pl.ds(i * 16, 16)]
        for r in range(1, NS):
            acc = acc + red_v[r, pl.ds(i * 16, 16)]
        out_v[pl.ds(i * 16, 16)] = acc
        return carry

    lax.fori_loop(0, RPT // 16, _red, 0)

    pltpu.sync_copy(out_v, deg_out.at[c, pl.ds(s * RPT, RPT)])


@functools.partial(
    pl.kernel,
    out_type=jax.ShapeDtypeStruct((NC, NPAD, H), jnp.bfloat16),
    mesh=_mesh,
    compiler_params=pltpu.CompilerParams(
        needs_layout_passes=False, use_tc_tiling_on_sc=False),
    scratch_types=[
        pltpu.VMEM((GROUPS, GLEN), jnp.int32),
        pltpu.VMEM((GROUPS, GLEN), jnp.int32),
        [pltpu.VMEM((GLEN, H), jnp.bfloat16)] * 2,
        pltpu.VMEM_SHARED((NPAD, H), jnp.bfloat16),
        [pltpu.SemaphoreType.DMA] * 2,
    ],
)
def _msg_kernel(y_hbm, src_hbm, dst_hbm, acc_out,
                src_v, dst_v, bufs, acc_sh, gsems):
    c = lax.axis_index("c")
    s = lax.axis_index("s")
    wid = s * NC + c

    zeros32 = jnp.zeros((32,), jnp.bfloat16)

    def _zero(i, carry):
        for j in range(H // 32):
            bufs[0][i, pl.ds(j * 32, 32)] = zeros32
        return carry

    lax.fori_loop(0, RPT // 2, _zero, 0)
    for k in range(2):
        pltpu.sync_copy(bufs[0].at[pl.ds(0, RPT // 2)],
                        acc_sh.at[pl.ds(s * RPT + k * (RPT // 2), RPT // 2)])
    plsc.subcore_barrier()

    pltpu.sync_copy(src_hbm.at[wid], src_v)
    pltpu.sync_copy(dst_hbm.at[wid], dst_v)

    def _gather(g, k):
        pltpu.async_copy(y_hbm.at[src_v.at[g]], bufs[k], gsems[k])

    def _wait_gather(g, k):
        pltpu.make_async_copy(y_hbm.at[src_v.at[g]], bufs[k], gsems[k]).wait()

    _gather(0, 0)

    def _body(i, carry):
        for par in range(2):
            g = 2 * i + par
            k, kk = (par, 1 - par)

            @pl.when(g + 1 < GROUPS)
            def _():
                _gather(g + 1, kk)

            _wait_gather(g, k)
            pltpu.sync_copy(bufs[k], acc_sh.at[dst_v.at[g]], add=True)
        return carry

    lax.fori_loop(0, GROUPS // 2, _body, 0)
    plsc.subcore_barrier()

    pltpu.sync_copy(acc_sh.at[pl.ds(s * RPT, RPT)],
                    acc_out.at[c, pl.ds(s * RPT, RPT)])


def _tc1_body(x_ref, w_ref, d_ref, y_ref, dinv_ref):
    deg = d_ref[0] + d_ref[1] + 1.0
    dinv = lax.rsqrt(deg)
    xw = jnp.dot(x_ref[...], w_ref[...], preferred_element_type=jnp.float32)
    y_ref[...] = (xw * dinv).astype(jnp.bfloat16)
    dinv_ref[...] = dinv


_BLK1 = 2000


def _tc1(xb, Wb, deg3):
    return pl.pallas_call(
        _tc1_body,
        grid=(N // _BLK1,),
        in_specs=[
            pl.BlockSpec((_BLK1, D_IN), lambda i: (i, 0)),
            pl.BlockSpec((D_IN, H), lambda i: (0, 0)),
            pl.BlockSpec((NC, _BLK1, 1), lambda i: (0, i, 0)),
        ],
        out_specs=[
            pl.BlockSpec((_BLK1, H), lambda i: (i, 0)),
            pl.BlockSpec((_BLK1, 1), lambda i: (i, 0)),
        ],
        out_shape=[
            jax.ShapeDtypeStruct((N, H), jnp.bfloat16),
            jax.ShapeDtypeStruct((N, 1), jnp.float32),
        ],
    )(xb, Wb, deg3)


def _tc2_body(acc_ref, y_ref, dinv_ref, h_ref, b_ref,
              wri, wzi, wni, wrh, wzh, wnh,
              bri, bzi, bni, brh, bzh, bnh, o_ref):
    dinv = dinv_ref[...]
    f32sum = (acc_ref[0].astype(jnp.float32) + acc_ref[1].astype(jnp.float32)
              + y_ref[...].astype(jnp.float32))
    gcn = dinv * f32sum + b_ref[...]
    h = h_ref[...]
    f32 = jnp.float32
    i_r = jnp.dot(gcn, wri[...], preferred_element_type=f32) + bri[...]
    i_z = jnp.dot(gcn, wzi[...], preferred_element_type=f32) + bzi[...]
    i_n = jnp.dot(gcn, wni[...], preferred_element_type=f32) + bni[...]
    h_r = jnp.dot(h, wrh[...], preferred_element_type=f32) + brh[...]
    h_z = jnp.dot(h, wzh[...], preferred_element_type=f32) + bzh[...]
    h_n = jnp.dot(h, wnh[...], preferred_element_type=f32) + bnh[...]
    r = jax.nn.sigmoid(i_r + h_r)
    z = jax.nn.sigmoid(i_z + h_z)
    n = jnp.tanh(i_n + r * h_n)
    o_ref[...] = (1.0 - z) * n + z * h


_BLK2 = 2000


def _tc2(acc, y, dinv, h_mem, b, ws, bs):
    row = lambda i: (i, 0)
    full = lambda i: (0, 0)
    return pl.pallas_call(
        _tc2_body,
        grid=(N // _BLK2,),
        in_specs=[
            pl.BlockSpec((NC, _BLK2, H), lambda i: (0, i, 0)),
            pl.BlockSpec((_BLK2, H), row),
            pl.BlockSpec((_BLK2, 1), row),
            pl.BlockSpec((_BLK2, H), row),
            pl.BlockSpec((1, H), full),
        ]
        + [pl.BlockSpec((H, H), full)] * 6
        + [pl.BlockSpec((1, H), full)] * 6,
        out_specs=pl.BlockSpec((_BLK2, H), row),
        out_shape=jax.ShapeDtypeStruct((N, H), jnp.float32),
    )(acc, y, dinv, h_mem, b, *ws, *bs)


def kernel(x, edge_index, W, b, W_ih, W_hh, b_ih, b_hh, h_mem):
    ei = edge_index.astype(jnp.int32)
    srcp = ei[0].reshape(NW, GROUPS, GLEN)
    dstp = ei[1].reshape(NW, GROUPS, GLEN)
    dstf = ei[1].reshape(NW, EPT)

    deg2 = _deg_kernel(dstf)
    deg3 = deg2[:, :, None]

    y, dinv = _tc1(x.astype(jnp.bfloat16), W.astype(jnp.bfloat16),
                   deg3)

    acc = _msg_kernel(y, srcp, dstp)

    WiT = W_ih.T
    WhT = W_hh.T
    ws = (WiT[:, :H], WiT[:, H:2 * H], WiT[:, 2 * H:],
          WhT[:, :H], WhT[:, H:2 * H], WhT[:, 2 * H:])
    bs = (b_ih[None, :H], b_ih[None, H:2 * H], b_ih[None, 2 * H:],
          b_hh[None, :H], b_hh[None, H:2 * H], b_hh[None, 2 * H:])

    return _tc2(acc, y, dinv, h_mem, b[None, :], ws, bs)

# --- scband reference (transcript-rebuilt; emitter-appended) ---
"""Pipeline reference for scband-diy-tgcn-18159121727862 (READ-ONLY COPY).

The authoritative reference and input builder live on the scoring server;
editing this copy changes nothing except your own understanding.
"""

import jax, jax.numpy as jnp
import numpy as np

N = 10000
E = 320000
D_IN = 128
H = 64


def setup_inputs(seed: int = 0) -> dict:
    key = jax.random.key(seed)
    k = jax.random.split(key, 8)
    x = jax.random.normal(k[0], (N, D_IN), dtype=jnp.float32)
    edge_index = jax.random.randint(k[1], (2, E), 0, N, dtype=jnp.int64)
    # GCNConv params (PyG default: glorot weight, zero bias)
    W = jax.random.normal(k[2], (D_IN, H), dtype=jnp.float32) * (1.0 / np.sqrt(D_IN))
    b = jnp.zeros((H,), dtype=jnp.float32)
    # GRUCell params (torch layout: weight_ih [3H, H_in], weight_hh [3H, H])
    s = 1.0 / np.sqrt(H)
    W_ih = jax.random.uniform(k[3], (3 * H, H), dtype=jnp.float32, minval=-s, maxval=s)
    W_hh = jax.random.uniform(k[4], (3 * H, H), dtype=jnp.float32, minval=-s, maxval=s)
    b_ih = jax.random.uniform(k[5], (3 * H,), dtype=jnp.float32, minval=-s, maxval=s)
    b_hh = jax.random.uniform(k[6], (3 * H,), dtype=jnp.float32, minval=-s, maxval=s)
    h_mem = jnp.zeros((N, H), dtype=jnp.float32)
    return {"x": x, "edge_index": edge_index, "W": W, "b": b,
            "W_ih": W_ih, "W_hh": W_hh, "b_ih": b_ih, "b_hh": b_hh, "h_mem": h_mem}


def _gcn_conv(x, edge_index, W, b):
    n = x.shape[0]
    loop = jnp.arange(n, dtype=edge_index.dtype)
    src = jnp.concatenate([edge_index[0], loop])
    dst = jnp.concatenate([edge_index[1], loop])
    ew = jnp.ones(src.shape[0], dtype=x.dtype)
    deg = jnp.zeros((n,), dtype=x.dtype).at[dst].add(ew)
    dinv = jnp.where(deg > 0, 1.0 / jnp.sqrt(deg), 0.0)
    norm = dinv[src] * ew * dinv[dst]
    xw = x @ W
    msg = xw[src] * norm[:, None]
    out = jnp.zeros((n, xw.shape[1]), dtype=x.dtype).at[dst].add(msg)
    return out + b


def _gru_cell(inp, h, W_ih, W_hh, b_ih, b_hh):
    gi = inp @ W_ih.T + b_ih
    gh = h @ W_hh.T + b_hh
    i_r, i_z, i_n = jnp.split(gi, 3, axis=1)
    h_r, h_z, h_n = jnp.split(gh, 3, axis=1)
    r = jax.nn.sigmoid(i_r + h_r)
    z = jax.nn.sigmoid(i_z + h_z)
    nng = jnp.tanh(i_n + r * h_n)
    return (1.0 - z) * nng + z * h


def reference(x, edge_index, W, b, W_ih, W_hh, b_ih, b_hh, h_mem):
    gcn_out = _gcn_conv(x, edge_index, W, b)
    h_new = _gru_cell(gcn_out, h_mem, W_ih, W_hh, b_ih, b_hh)
    return h_new

if __name__ == "__main__":
    import jax
    _d = setup_inputs()
    print(jax.jit(kernel)(*tuple(_d.values())))

</pallas_src>

<mosaic_0001>
#map = affine_map<(d0, d1) -> (0, 0)>
#map1 = affine_map<(d0, d1) -> (0, 0, 0)>
module attributes {stable_mosaic.version = 14 : i64} {
  func.func @_msg_kernel(%arg0: i32, %arg1: i32, %arg2: memref<10000x64xbf16, #tpu.memory_space<hbm>>, %arg3: memref<32x20x500xi32, #tpu.memory_space<hbm>>, %arg4: memref<32x20x500xi32, #tpu.memory_space<hbm>>, %arg5: memref<2x10240x64xbf16, #tpu.memory_space<hbm>>, %arg6: memref<20x500xi32, #tpu.memory_space<vmem>>, %arg7: memref<20x500xi32, #tpu.memory_space<vmem>>, %arg8: memref<500x64xbf16, #tpu.memory_space<vmem>>, %arg9: memref<500x64xbf16, #tpu.memory_space<vmem>>, %arg10: memref<10240x64xbf16, #tpu.memory_space<vmem_shared>>, %arg11: memref<!tpu.dma_semaphore, #tpu.memory_space<semaphore_mem>>, %arg12: memref<!tpu.dma_semaphore, #tpu.memory_space<semaphore_mem>>) attributes {dimension_semantics = [#tpu.dimension_semantics<core_parallel>, #tpu.dimension_semantics<subcore_parallel>], iteration_bounds = array<i64: 2, 16>, scalar_prefetch = 0 : i64, scratch_operands = 7 : i64, tpu.core_type = #tpu.core_type<sc_vector_subcore>, window_params = [{transform_indices = #map}, {transform_indices = #map1}, {transform_indices = #map1}, {transform_indices = #map1}]} {
    %mul3A = arith.constant 2 : i32
    %mul3A_0 = arith.muli %arg1, %mul3A : i32
    %add3A = arith.addi %mul3A_0, %arg0 : i32
    %broadcast_in_dim3A = arith.constant 0.000000e+00 : bf16
    %broadcast_in_dim3A_1 = vector.broadcast %broadcast_in_dim3A : bf16 to vector<32xbf16>
    %scan3A = arith.constant 0 : i32
    %scan3A_2 = arith.constant 0 : i32
    %scan3A_3 = arith.constant 320 : i32
    %scan3A_4 = arith.addi %scan3A_2, %scan3A_3 : i32
    %scan3A_5 = arith.constant 1 : i32
    scf.for %scan3A_32 = %scan3A_2 to %scan3A_4 step %scan3A_5  : i32 {
      %swap3A = arith.index_cast %scan3A_32 : i32 to index
      %swap3A_33 = arith.constant 0 : index
      %swap3A_34 = tpu.vector_load %arg8[%swap3A, %swap3A_33] {strides = array<i32>} : memref<500x64xbf16, #tpu.memory_space<vmem>>, vector<32xbf16>,
      tpu.vector_store %arg8[%swap3A, %swap3A_33], %broadcast_in_dim3A_1 {strides = array<i32>} : memref<500x64xbf16, #tpu.memory_space<vmem>>, vector<32xbf16>,
      %swap3A_35 = arith.index_cast %scan3A_32 : i32 to index
      %swap3A_36 = arith.constant 32 : index
      %swap3A_37 = tpu.vector_load %arg8[%swap3A_35, %swap3A_36] {strides = array<i32>} : memref<500x64xbf16, #tpu.memory_space<vmem>>, vector<32xbf16>,
      tpu.vector_store %arg8[%swap3A_35, %swap3A_36], %broadcast_in_dim3A_1 {strides = array<i32>} : memref<500x64xbf16, #tpu.memory_space<vmem>>, vector<32xbf16>,
    }
    %scan3A_6 = arith.constant 320 : i32
    %mul3A_7 = arith.constant 640 : i32
    %mul3A_8 = arith.muli %arg1, %mul3A_7 : i32
    %add3A_9 = arith.constant 0 : i32
    %add3A_10 = arith.addi %mul3A_8, %add3A_9 : i32
    "tpu.region"() ({
      %run_scoped3A = tpu.sem_alloc : memref<!tpu.dma_semaphore, #tpu.memory_space<semaphore_mem>>
      %dma_start3A_32 = arith.constant 0 : i32
      %dma_start3A_33 = arith.constant 0 : i32
      %dma_start3A_34 = tpu.memref_slice %arg8[%dma_start3A_32, %dma_start3A_33] : memref<500x64xbf16, #tpu.memory_space<vmem>> -> memref<320x64xbf16, #tpu.memory_space<vmem>>
      %dma_start3A_35 = arith.constant 0 : i32
      %dma_start3A_36 = tpu.memref_slice %arg10[%add3A_10, %dma_start3A_35] : memref<10240x64xbf16, #tpu.memory_space<vmem_shared>> -> memref<320x64xbf16, #tpu.memory_space<vmem_shared>>
      %dma_start3A_37 = arith.constant 0 : i32
      %dma_start3A_38 = tpu.memref_slice %arg10[%add3A_10, %dma_start3A_37] : memref<10240x64xbf16, #tpu.memory_space<vmem_shared>> -> memref<320x64xbf16, #tpu.memory_space<vmem_shared>>
      %dma_start3A_39 = arith.constant 0 : i32
      %dma_start3A_40 = arith.constant 0 : i32
      %dma_start3A_41 = tpu.memref_slice %arg8[%dma_start3A_39, %dma_start3A_40] : memref<500x64xbf16, #tpu.memory_space<vmem>> -> memref<320x64xbf16, #tpu.memory_space<vmem>>
      tpu.enqueue_dma source(%dma_start3A_41 : memref<320x64xbf16, #tpu.memory_space<vmem>>) target(%dma_start3A_38 : memref<320x64xbf16, #tpu.memory_space<vmem_shared>>) target_semaphore(%run_scoped3A : memref<!tpu.dma_semaphore, #tpu.memory_space<semaphore_mem>>)
      %dma_wait3A = arith.constant 0 : i32
      %dma_wait3A_42 = arith.constant 0 : i32
      %dma_wait3A_43 = tpu.memref_slice %arg8[%dma_wait3A, %dma_wait3A_42] : memref<500x64xbf16, #tpu.memory_space<vmem>> -> memref<320x64xbf16, #tpu.memory_space<vmem>>
      %dma_wait3A_44 = arith.constant 0 : i32
      %dma_wait3A_45 = tpu.memref_slice %arg10[%add3A_10, %dma_wait3A_44] : memref<10240x64xbf16, #tpu.memory_space<vmem_shared>> -> memref<320x64xbf16, #tpu.memory_space<vmem_shared>>
      %dma_wait3A_46 = arith.constant 0 : i32
      %dma_wait3A_47 = tpu.memref_slice %arg10[%add3A_10, %dma_wait3A_46] : memref<10240x64xbf16, #tpu.memory_space<vmem_shared>> -> memref<320x64xbf16, #tpu.memory_space<vmem_shared>>
      %dma_wait3A_48 = arith.constant 0 : i32
      %dma_wait3A_49 = arith.constant 0 : i32
      %dma_wait3A_50 = tpu.memref_slice %arg8[%dma_wait3A_48, %dma_wait3A_49] : memref<500x64xbf16, #tpu.memory_space<vmem>> -> memref<320x64xbf16, #tpu.memory_space<vmem>>
      tpu.wait_dma2 semaphore(%run_scoped3A : memref<!tpu.dma_semaphore, #tpu.memory_space<semaphore_mem>>) src(%dma_wait3A_50 : memref<320x64xbf16, #tpu.memory_space<vmem>>) dst(%dma_wait3A_47 : memref<320x64xbf16, #tpu.memory_space<vmem_shared>>)
      tpu.yield
    }) : () -> ()
    %mul3A_11 = arith.constant 640 : i32
    %mul3A_12 = arith.muli %arg1, %mul3A_11 : i32
    %add3A_13 = arith.constant 320 : i32
    %add3A_14 = arith.addi %mul3A_12, %add3A_13 : i32
    "tpu.region"() ({
      %run_scoped3A = tpu.sem_alloc : memref<!tpu.dma_semaphore, #tpu.memory_space<semaphore_mem>>
      %dma_start3A_32 = arith.constant 0 : i32
      %dma_start3A_33 = arith.constant 0 : i32
      %dma_start3A_34 = tpu.memref_slice %arg8[%dma_start3A_32, %dma_start3A_33] : memref<500x64xbf16, #tpu.memory_space<vmem>> -> memref<320x64xbf16, #tpu.memory_space<vmem>>
      %dma_start3A_35 = arith.constant 0 : i32
      %dma_start3A_36 = tpu.memref_slice %arg10[%add3A_14, %dma_start3A_35] : memref<10240x64xbf16, #tpu.memory_space<vmem_shared>> -> memref<320x64xbf16, #tpu.memory_space<vmem_shared>>
      %dma_start3A_37 = arith.constant 0 : i32
      %dma_start3A_38 = tpu.memref_slice %arg10[%add3A_14, %dma_start3A_37] : memref<10240x64xbf16, #tpu.memory_space<vmem_shared>> -> memref<320x64xbf16, #tpu.memory_space<vmem_shared>>
      %dma_start3A_39 = arith.constant 0 : i32
      %dma_start3A_40 = arith.constant 0 : i32
      %dma_start3A_41 = tpu.memref_slice %arg8[%dma_start3A_39, %dma_start3A_40] : memref<500x64xbf16, #tpu.memory_space<vmem>> -> memref<320x64xbf16, #tpu.memory_space<vmem>>
      tpu.enqueue_dma source(%dma_start3A_41 : memref<320x64xbf16, #tpu.memory_space<vmem>>) target(%dma_start3A_38 : memref<320x64xbf16, #tpu.memory_space<vmem_shared>>) target_semaphore(%run_scoped3A : memref<!tpu.dma_semaphore, #tpu.memory_space<semaphore_mem>>)
      %dma_wait3A = arith.constant 0 : i32
      %dma_wait3A_42 = arith.constant 0 : i32
      %dma_wait3A_43 = tpu.memref_slice %arg8[%dma_wait3A, %dma_wait3A_42] : memref<500x64xbf16, #tpu.memory_space<vmem>> -> memref<320x64xbf16, #tpu.memory_space<vmem>>
      %dma_wait3A_44 = arith.constant 0 : i32
      %dma_wait3A_45 = tpu.memref_slice %arg10[%add3A_14, %dma_wait3A_44] : memref<10240x64xbf16, #tpu.memory_space<vmem_shared>> -> memref<320x64xbf16, #tpu.memory_space<vmem_shared>>
      %dma_wait3A_46 = arith.constant 0 : i32
      %dma_wait3A_47 = tpu.memref_slice %arg10[%add3A_14, %dma_wait3A_46] : memref<10240x64xbf16, #tpu.memory_space<vmem_shared>> -> memref<320x64xbf16, #tpu.memory_space<vmem_shared>>
      %dma_wait3A_48 = arith.constant 0 : i32
      %dma_wait3A_49 = arith.constant 0 : i32
      %dma_wait3A_50 = tpu.memref_slice %arg8[%dma_wait3A_48, %dma_wait3A_49] : memref<500x64xbf16, #tpu.memory_space<vmem>> -> memref<320x64xbf16, #tpu.memory_space<vmem>>
      tpu.wait_dma2 semaphore(%run_scoped3A : memref<!tpu.dma_semaphore, #tpu.memory_space<semaphore_mem>>) src(%dma_wait3A_50 : memref<320x64xbf16, #tpu.memory_space<vmem>>) dst(%dma_wait3A_47 : memref<320x64xbf16, #tpu.memory_space<vmem_shared>>)
      tpu.yield
    }) : () -> ()
    %barrier3A = arith.constant 0 : index
    tpu.barrier barrier_id(%barrier3A)
    "tpu.region"() ({
      %run_scoped3A = tpu.sem_alloc : memref<!tpu.dma_semaphore, #tpu.memory_space<semaphore_mem>>
      %dma_start3A_32 = arith.constant 0 : i32
      %dma_start3A_33 = arith.constant 0 : i32
      %dma_start3A_34 = tpu.memref_slice %arg3[%add3A, %dma_start3A_32, %dma_start3A_33] : memref<32x20x500xi32, #tpu.memory_space<hbm>> -> memref<1x20x500xi32, #tpu.memory_space<hbm>>
      %dma_start3A_35 = tpu.memref_squeeze %dma_start3A_34 : memref<1x20x500xi32, #tpu.memory_space<hbm>> -> memref<20x500xi32, #tpu.memory_space<hbm>>
      %dma_start3A_36 = arith.constant 0 : i32
      %dma_start3A_37 = arith.constant 0 : i32
      %dma_start3A_38 = tpu.memref_slice %arg3[%add3A, %dma_start3A_36, %dma_start3A_37] : memref<32x20x500xi32, #tpu.memory_space<hbm>> -> memref<1x20x500xi32, #tpu.memory_space<hbm>>
      %dma_start3A_39 = tpu.memref_squeeze %dma_start3A_38 : memref<1x20x500xi32, #tpu.memory_space<hbm>> -> memref<20x500xi32, #tpu.memory_space<hbm>>
      tpu.enqueue_dma source(%dma_start3A_39 : memref<20x500xi32, #tpu.memory_space<hbm>>) target(%arg6 : memref<20x500xi32, #tpu.memory_space<vmem>>) target_semaphore(%run_scoped3A : memref<!tpu.dma_semaphore, #tpu.memory_space<semaphore_mem>>)
      %dma_wait3A = arith.constant 0 : i32
      %dma_wait3A_40 = arith.constant 0 : i32
      %dma_wait3A_41 = tpu.memref_slice %arg3[%add3A, %dma_wait3A, %dma_wait3A_40] : memref<32x20x500xi32, #tpu.memory_space<hbm>> -> memref<1x20x500xi32, #tpu.memory_space<hbm>>
      %dma_wait3A_42 = tpu.memref_squeeze %dma_wait3A_41 : memref<1x20x500xi32, #tpu.memory_space<hbm>> -> memref<20x500xi32, #tpu.memory_space<hbm>>
      %dma_wait3A_43 = arith.constant 0 : i32
      %dma_wait3A_44 = arith.constant 0 : i32
      %dma_wait3A_45 = tpu.memref_slice %arg3[%add3A, %dma_wait3A_43, %dma_wait3A_44] : memref<32x20x500xi32, #tpu.memory_space<hbm>> -> memref<1x20x500xi32, #tpu.memory_space<hbm>>
      %dma_wait3A_46 = tpu.memref_squeeze %dma_wait3A_45 : memref<1x20x500xi32, #tpu.memory_space<hbm>> -> memref<20x500xi32, #tpu.memory_space<hbm>>
      tpu.wait_dma2 semaphore(%run_scoped3A : memref<!tpu.dma_semaphore, #tpu.memory_space<semaphore_mem>>) src(%dma_wait3A_46 : memref<20x500xi32, #tpu.memory_space<hbm>>) dst(%arg6 : memref<20x500xi32, #tpu.memory_space<vmem>>)
      tpu.yield
    }) : () -> ()
    "tpu.region"() ({
      %run_scoped3A = tpu.sem_alloc : memref<!tpu.dma_semaphore, #tpu.memory_space<semaphore_mem>>
      %dma_start3A_32 = arith.constant 0 : i32
      %dma_start3A_33 = arith.constant 0 : i32
      %dma_start3A_34 = tpu.memref_slice %arg4[%add3A, %dma_start3A_32, %dma_start3A_33] : memref<32x20x500xi32, #tpu.memory_space<hbm>> -> memref<1x20x500xi32, #tpu.memory_space<hbm>>
      %dma_start3A_35 = tpu.memref_squeeze %dma_start3A_34 : memref<1x20x500xi32, #tpu.memory_space<hbm>> -> memref<20x500xi32, #tpu.memory_space<hbm>>
      %dma_start3A_36 = arith.constant 0 : i32
      %dma_start3A_37 = arith.constant 0 : i32
      %dma_start3A_38 = tpu.memref_slice %arg4[%add3A, %dma_start3A_36, %dma_start3A_37] : memref<32x20x500xi32, #tpu.memory_space<hbm>> -> memref<1x20x500xi32, #tpu.memory_space<hbm>>
      %dma_start3A_39 = tpu.memref_squeeze %dma_start3A_38 : memref<1x20x500xi32, #tpu.memory_space<hbm>> -> memref<20x500xi32, #tpu.memory_space<hbm>>
      tpu.enqueue_dma source(%dma_start3A_39 : memref<20x500xi32, #tpu.memory_space<hbm>>) target(%arg7 : memref<20x500xi32, #tpu.memory_space<vmem>>) target_semaphore(%run_scoped3A : memref<!tpu.dma_semaphore, #tpu.memory_space<semaphore_mem>>)
      %dma_wait3A = arith.constant 0 : i32
      %dma_wait3A_40 = arith.constant 0 : i32
      %dma_wait3A_41 = tpu.memref_slice %arg4[%add3A, %dma_wait3A, %dma_wait3A_40] : memref<32x20x500xi32, #tpu.memory_space<hbm>> -> memref<1x20x500xi32, #tpu.memory_space<hbm>>
      %dma_wait3A_42 = tpu.memref_squeeze %dma_wait3A_41 : memref<1x20x500xi32, #tpu.memory_space<hbm>> -> memref<20x500xi32, #tpu.memory_space<hbm>>
      %dma_wait3A_43 = arith.constant 0 : i32
      %dma_wait3A_44 = arith.constant 0 : i32
      %dma_wait3A_45 = tpu.memref_slice %arg4[%add3A, %dma_wait3A_43, %dma_wait3A_44] : memref<32x20x500xi32, #tpu.memory_space<hbm>> -> memref<1x20x500xi32, #tpu.memory_space<hbm>>
      %dma_wait3A_46 = tpu.memref_squeeze %dma_wait3A_45 : memref<1x20x500xi32, #tpu.memory_space<hbm>> -> memref<20x500xi32, #tpu.memory_space<hbm>>
      tpu.wait_dma2 semaphore(%run_scoped3A : memref<!tpu.dma_semaphore, #tpu.memory_space<semaphore_mem>>) src(%dma_wait3A_46 : memref<20x500xi32, #tpu.memory_space<hbm>>) dst(%arg7 : memref<20x500xi32, #tpu.memory_space<vmem>>)
      tpu.yield
    }) : () -> ()
    %dma_start3A = arith.constant 0 : i32
    %dma_start3A_15 = arith.constant 0 : i32
    %dma_start3A_16 = tpu.memref_slice %arg6[%dma_start3A, %dma_start3A_15] : memref<20x500xi32, #tpu.memory_space<vmem>> -> memref<1x500xi32, #tpu.memory_space<vmem>>
    %dma_start3A_17 = tpu.memref_squeeze %dma_start3A_16 : memref<1x500xi32, #tpu.memory_space<vmem>> -> memref<500xi32, #tpu.memory_space<vmem>>
    %dma_start3A_18 = arith.constant 0 : i32
    %dma_start3A_19 = arith.constant 0 : i32
    %dma_start3A_20 = tpu.memref_slice %arg2[%dma_start3A_18, %dma_start3A_19] : memref<10000x64xbf16, #tpu.memory_space<hbm>> -> memref<10000x64xbf16, #tpu.memory_space<hbm>>
    tpu.enqueue_indirect_dma source(%dma_start3A_20 : memref<10000x64xbf16, #tpu.memory_space<hbm>>) target(%arg8 : memref<500x64xbf16, #tpu.memory_space<vmem>>) offsets(%dma_start3A_17 : memref<500xi32, #tpu.memory_space<vmem>>) semaphore(%arg11 : memref<!tpu.dma_semaphore, #tpu.memory_space<semaphore_mem>>)
    %scan3A_21 = arith.constant 0 : i32
    %scan3A_22 = arith.constant 0 : i32
    %scan3A_23 = arith.constant 10 : i32
    %scan3A_24 = arith.addi %scan3A_22, %scan3A_23 : i32
    %scan3A_25 = arith.constant 1 : i32
    scf.for %scan3A_32 = %scan3A_22 to %scan3A_24 step %scan3A_25  : i32 {
      %mul3A_33 = arith.constant 2 : i32
      %mul3A_34 = arith.muli %mul3A_33, %scan3A_32 : i32
      %add3A_35 = arith.constant 0 : i32
      %add3A_36 = arith.addi %mul3A_34, %add3A_35 : i32
      %add3A_37 = arith.constant 1 : i32
      %add3A_38 = arith.addi %add3A_36, %add3A_37 : i32
      %lt3A = arith.constant 20 : i32
      %lt3A_39 = arith.cmpi slt, %add3A_38, %lt3A : i32
      %convert_element_type3A = arith.extui %lt3A_39 : i1 to i32
      %cond3A = arith.constant 0 : i32
      %cond3A_40 = arith.cmpi ne, %convert_element_type3A, %cond3A : i32
      scf.if %cond3A_40 {
        %add3A_63 = arith.constant 1 : i32
        %add3A_64 = arith.addi %add3A_36, %add3A_63 : i32
        %dma_start3A_65 = arith.constant 0 : i32
        %dma_start3A_66 = tpu.memref_slice %arg6[%add3A_64, %dma_start3A_65] : memref<20x500xi32, #tpu.memory_space<vmem>> -> memref<1x500xi32, #tpu.memory_space<vmem>>
        %dma_start3A_67 = tpu.memref_squeeze %dma_start3A_66 : memref<1x500xi32, #tpu.memory_space<vmem>> -> memref<500xi32, #tpu.memory_space<vmem>>
        %dma_start3A_68 = arith.constant 0 : i32
        %dma_start3A_69 = arith.constant 0 : i32
        %dma_start3A_70 = tpu.memref_slice %arg2[%dma_start3A_68, %dma_start3A_69] : memref<10000x64xbf16, #tpu.memory_space<hbm>> -> memref<10000x64xbf16, #tpu.memory_space<hbm>>
        tpu.enqueue_indirect_dma source(%dma_start3A_70 : memref<10000x64xbf16, #tpu.memory_space<hbm>>) target(%arg9 : memref<500x64xbf16, #tpu.memory_space<vmem>>) offsets(%dma_start3A_67 : memref<500xi32, #tpu.memory_space<vmem>>) semaphore(%arg12 : memref<!tpu.dma_semaphore, #tpu.memory_space<semaphore_mem>>)
      } else {
      }
      %dma_wait3A = arith.constant 0 : i32
      %dma_wait3A_41 = tpu.memref_slice %arg6[%add3A_36, %dma_wait3A] : memref<20x500xi32, #tpu.memory_space<vmem>> -> memref<1x500xi32, #tpu.memory_space<vmem>>
      %dma_wait3A_42 = tpu.memref_squeeze %dma_wait3A_41 : memref<1x500xi32, #tpu.memory_space<vmem>> -> memref<500xi32, #tpu.memory_space<vmem>>
      %dma_wait3A_43 = arith.constant 0 : i32
      %dma_wait3A_44 = arith.constant 0 : i32
      %dma_wait3A_45 = tpu.memref_slice %arg2[%dma_wait3A_43, %dma_wait3A_44] : memref<10000x64xbf16, #tpu.memory_space<hbm>> -> memref<10000x64xbf16, #tpu.memory_space<hbm>>
      tpu.wait_indirect_dma semaphore(%arg11 : memref<!tpu.dma_semaphore, #tpu.memory_space<semaphore_mem>>) src(%dma_wait3A_45 : memref<10000x64xbf16, #tpu.memory_space<hbm>>) dst(%arg8 : memref<500x64xbf16, #tpu.memory_space<vmem>>)
      "tpu.region"() ({
        %run_scoped3A = tpu.sem_alloc : memref<!tpu.dma_semaphore, #tpu.memory_space<semaphore_mem>>
        %dma_start3A_63 = arith.constant 0 : i32
        %dma_start3A_64 = tpu.memref_slice %arg7[%add3A_36, %dma_start3A_63] : memref<20x500xi32, #tpu.memory_space<vmem>> -> memref<1x500xi32, #tpu.memory_space<vmem>>
        %dma_start3A_65 = tpu.memref_squeeze %dma_start3A_64 : memref<1x500xi32, #tpu.memory_space<vmem>> -> memref<500xi32, #tpu.memory_space<vmem>>
        %dma_start3A_66 = arith.constant 0 : i32
        %dma_start3A_67 = arith.constant 0 : i32
        %dma_start3A_68 = tpu.memref_slice %arg10[%dma_start3A_66, %dma_start3A_67] : memref<10240x64xbf16, #tpu.memory_space<vmem_shared>> -> memref<10240x64xbf16, #tpu.memory_space<vmem_shared>>
        tpu.enqueue_indirect_dma source(%arg8 : memref<500x64xbf16, #tpu.memory_space<vmem>>) target(%dma_start3A_68 : memref<10240x64xbf16, #tpu.memory_space<vmem_shared>>) offsets(%dma_start3A_65 : memref<500xi32, #tpu.memory_space<vmem>>) semaphore(%run_scoped3A : memref<!tpu.dma_semaphore, #tpu.memory_space<semaphore_mem>>) {add = true}
        %dma_wait3A_69 = arith.constant 0 : i32
        %dma_wait3A_70 = tpu.memref_slice %arg7[%add3A_36, %dma_wait3A_69] : memref<20x500xi32, #tpu.memory_space<vmem>> -> memref<1x500xi32, #tpu.memory_space<vmem>>
        %dma_wait3A_71 = tpu.memref_squeeze %dma_wait3A_70 : memref<1x500xi32, #tpu.memory_space<vmem>> -> memref<500xi32, #tpu.memory_space<vmem>>
        %dma_wait3A_72 = arith.constant 0 : i32
        %dma_wait3A_73 = arith.constant 0 : i32
        %dma_wait3A_74 = tpu.memref_slice %arg10[%dma_wait3A_72, %dma_wait3A_73] : memref<10240x64xbf16, #tpu.memory_space<vmem_shared>> -> memref<10240x64xbf16, #tpu.memory_space<vmem_shared>>
        tpu.wait_indirect_dma semaphore(%run_scoped3A : memref<!tpu.dma_semaphore, #tpu.memory_space<semaphore_mem>>) src(%arg8 : memref<500x64xbf16, #tpu.memory_space<vmem>>) dst(%dma_wait3A_74 : memref<10240x64xbf16, #tpu.memory_space<vmem_shared>>)
        tpu.yield
      }) : () -> ()
      %mul3A_46 = arith.constant 2 : i32
      %mul3A_47 = arith.muli %mul3A_46, %scan3A_32 : i32
      %add3A_48 = arith.constant 1 : i32
      %add3A_49 = arith.addi %mul3A_47, %add3A_48 : i32
      %add3A_50 = arith.constant 1 : i32
      %add3A_51 = arith.addi %add3A_49, %add3A_50 : i32
      %lt3A_52 = arith.constant 20 : i32
      %lt3A_53 = arith.cmpi slt, %add3A_51, %lt3A_52 : i32
      %convert_element_type3A_54 = arith.extui %lt3A_53 : i1 to i32
      %cond3A_55 = arith.constant 0 : i32
      %cond3A_56 = arith.cmpi ne, %convert_element_type3A_54, %cond3A_55 : i32
      scf.if %cond3A_56 {
        %add3A_63 = arith.constant 1 : i32
        %add3A_64 = arith.addi %add3A_49, %add3A_63 : i32
        %dma_start3A_65 = arith.constant 0 : i32
        %dma_start3A_66 = tpu.memref_slice %arg6[%add3A_64, %dma_start3A_65] : memref<20x500xi32, #tpu.memory_space<vmem>> -> memref<1x500xi32, #tpu.memory_space<vmem>>
        %dma_start3A_67 = tpu.memref_squeeze %dma_start3A_66 : memref<1x500xi32, #tpu.memory_space<vmem>> -> memref<500xi32, #tpu.memory_space<vmem>>
        %dma_start3A_68 = arith.constant 0 : i32
        %dma_start3A_69 = arith.constant 0 : i32
        %dma_start3A_70 = tpu.memref_slice %arg2[%dma_start3A_68, %dma_start3A_69] : memref<10000x64xbf16, #tpu.memory_space<hbm>> -> memref<10000x64xbf16, #tpu.memory_space<hbm>>
        tpu.enqueue_indirect_dma source(%dma_start3A_70 : memref<10000x64xbf16, #tpu.memory_space<hbm>>) target(%arg8 : memref<500x64xbf16, #tpu.memory_space<vmem>>) offsets(%dma_start3A_67 : memref<500xi32, #tpu.memory_space<vmem>>) semaphore(%arg11 : memref<!tpu.dma_semaphore, #tpu.memory_space<semaphore_mem>>)
      } else {
      }
      %dma_wait3A_57 = arith.constant 0 : i32
      %dma_wait3A_58 = tpu.memref_slice %arg6[%add3A_49, %dma_wait3A_57] : memref<20x500xi32, #tpu.memory_space<vmem>> -> memref<1x500xi32, #tpu.memory_space<vmem>>
      %dma_wait3A_59 = tpu.memref_squeeze %dma_wait3A_58 : memref<1x500xi32, #tpu.memory_space<vmem>> -> memref<500xi32, #tpu.memory_space<vmem>>
      %dma_wait3A_60 = arith.constant 0 : i32
      %dma_wait3A_61 = arith.constant 0 : i32
      %dma_wait3A_62 = tpu.memref_slice %arg2[%dma_wait3A_60, %dma_wait3A_61] : memref<10000x64xbf16, #tpu.memory_space<hbm>> -> memref<10000x64xbf16, #tpu.memory_space<hbm>>
      tpu.wait_indirect_dma semaphore(%arg12 : memref<!tpu.dma_semaphore, #tpu.memory_space<semaphore_mem>>) src(%dma_wait3A_62 : memref<10000x64xbf16, #tpu.memory_space<hbm>>) dst(%arg9 : memref<500x64xbf16, #tpu.memory_space<vmem>>)
      "tpu.region"() ({
        %run_scoped3A = tpu.sem_alloc : memref<!tpu.dma_semaphore, #tpu.memory_space<semaphore_mem>>
        %dma_start3A_63 = arith.constant 0 : i32
        %dma_start3A_64 = tpu.memref_slice %arg7[%add3A_49, %dma_start3A_63] : memref<20x500xi32, #tpu.memory_space<vmem>> -> memref<1x500xi32, #tpu.memory_space<vmem>>
        %dma_start3A_65 = tpu.memref_squeeze %dma_start3A_64 : memref<1x500xi32, #tpu.memory_space<vmem>> -> memref<500xi32, #tpu.memory_space<vmem>>
        %dma_start3A_66 = arith.constant 0 : i32
        %dma_start3A_67 = arith.constant 0 : i32
        %dma_start3A_68 = tpu.memref_slice %arg10[%dma_start3A_66, %dma_start3A_67] : memref<10240x64xbf16, #tpu.memory_space<vmem_shared>> -> memref<10240x64xbf16, #tpu.memory_space<vmem_shared>>
        tpu.enqueue_indirect_dma source(%arg9 : memref<500x64xbf16, #tpu.memory_space<vmem>>) target(%dma_start3A_68 : memref<10240x64xbf16, #tpu.memory_space<vmem_shared>>) offsets(%dma_start3A_65 : memref<500xi32, #tpu.memory_space<vmem>>) semaphore(%run_scoped3A : memref<!tpu.dma_semaphore, #tpu.memory_space<semaphore_mem>>) {add = true}
        %dma_wait3A_69 = arith.constant 0 : i32
        %dma_wait3A_70 = tpu.memref_slice %arg7[%add3A_49, %dma_wait3A_69] : memref<20x500xi32, #tpu.memory_space<vmem>> -> memref<1x500xi32, #tpu.memory_space<vmem>>
        %dma_wait3A_71 = tpu.memref_squeeze %dma_wait3A_70 : memref<1x500xi32, #tpu.memory_space<vmem>> -> memref<500xi32, #tpu.memory_space<vmem>>
        %dma_wait3A_72 = arith.constant 0 : i32
        %dma_wait3A_73 = arith.constant 0 : i32
        %dma_wait3A_74 = tpu.memref_slice %arg10[%dma_wait3A_72, %dma_wait3A_73] : memref<10240x64xbf16, #tpu.memory_space<vmem_shared>> -> memref<10240x64xbf16, #tpu.memory_space<vmem_shared>>
        tpu.wait_indirect_dma semaphore(%run_scoped3A : memref<!tpu.dma_semaphore, #tpu.memory_space<semaphore_mem>>) src(%arg9 : memref<500x64xbf16, #tpu.memory_space<vmem>>) dst(%dma_wait3A_74 : memref<10240x64xbf16, #tpu.memory_space<vmem_shared>>)
        tpu.yield
      }) : () -> ()
    }
    %scan3A_26 = arith.constant 10 : i32
    %barrier3A_27 = arith.constant 0 : index
    tpu.barrier barrier_id(%barrier3A_27)
    %mul3A_28 = arith.constant 640 : i32
    %mul3A_29 = arith.muli %arg1, %mul3A_28 : i32
    %mul3A_30 = arith.constant 640 : i32
    %mul3A_31 = arith.muli %arg1, %mul3A_30 : i32
    "tpu.region"() ({
      %run_scoped3A = tpu.sem_alloc : memref<!tpu.dma_semaphore, #tpu.memory_space<semaphore_mem>>
      %dma_start3A_32 = arith.constant 0 : i32
      %dma_start3A_33 = tpu.memref_slice %arg5[%arg0, %mul3A_31, %dma_start3A_32] : memref<2x10240x64xbf16, #tpu.memory_space<hbm>> -> memref<1x640x64xbf16, #tpu.memory_space<hbm>>
      %dma_start3A_34 = tpu.memref_squeeze %dma_start3A_33 : memref<1x640x64xbf16, #tpu.memory_space<hbm>> -> memref<640x64xbf16, #tpu.memory_space<hbm>>
      %dma_start3A_35 = arith.constant 0 : i32
      %dma_start3A_36 = tpu.memref_slice %arg10[%mul3A_29, %dma_start3A_35] : memref<10240x64xbf16, #tpu.memory_space<vmem_shared>> -> memref<640x64xbf16, #tpu.memory_space<vmem_shared>>
      tpu.enqueue_dma source(%dma_start3A_36 : memref<640x64xbf16, #tpu.memory_space<vmem_shared>>) target(%dma_start3A_34 : memref<640x64xbf16, #tpu.memory_space<hbm>>) target_semaphore(%run_scoped3A : memref<!tpu.dma_semaphore, #tpu.memory_space<semaphore_mem>>)
      %dma_wait3A = arith.constant 0 : i32
      %dma_wait3A_37 = tpu.memref_slice %arg5[%arg0, %mul3A_31, %dma_wait3A] : memref<2x10240x64xbf16, #tpu.memory_space<hbm>> -> memref<1x640x64xbf16, #tpu.memory_space<hbm>>
      %dma_wait3A_38 = tpu.memref_squeeze %dma_wait3A_37 : memref<1x640x64xbf16, #tpu.memory_space<hbm>> -> memref<640x64xbf16, #tpu.memory_space<hbm>>
      %dma_wait3A_39 = arith.constant 0 : i32
      %dma_wait3A_40 = tpu.memref_slice %arg10[%mul3A_29, %dma_wait3A_39] : memref<10240x64xbf16, #tpu.memory_space<vmem_shared>> -> memref<640x64xbf16, #tpu.memory_space<vmem_shared>>
      tpu.wait_dma2 semaphore(%run_scoped3A : memref<!tpu.dma_semaphore, #tpu.memory_space<semaphore_mem>>) src(%dma_wait3A_40 : memref<640x64xbf16, #tpu.memory_space<vmem_shared>>) dst(%dma_wait3A_38 : memref<640x64xbf16, #tpu.memory_space<hbm>>)
      tpu.yield
    }) : () -> ()
    return
  }
}

#map = affine_map<(d0, d1) -> (0, 0)>
module attributes {stable_mosaic.version = 14 : i64} {
  func.func @_deg_kernel(%arg0: i32, %arg1: i32, %arg2: memref<32x10000xi32, #tpu.memory_space<hbm>>, %arg3: memref<2x10240xf32, #tpu.memory_space<hbm>>, %arg4: memref<10000xi32, #tpu.memory_space<vmem>>, %arg5: memref<10240xf32, #tpu.memory_space<vmem>>, %arg6: memref<16x640xf32, #tpu.memory_space<vmem>>, %arg7: memref<640xf32, #tpu.memory_space<vmem>>, %arg8: memref<16x10240xf32, #tpu.memory_space<vmem_shared>>) attributes {dimension_semantics = [#tpu.dimension_semantics<core_parallel>, #tpu.dimension_semantics<subcore_parallel>], iteration_bounds = array<i64: 2, 16>, scalar_prefetch = 0 : i64, scratch_operands = 5 : i64, tpu.core_type = #tpu.core_type<sc_vector_subcore>, window_params = [{transform_indices = #map}, {transform_indices = #map}]} {
    %mul3A = arith.constant 2 : i32
    %mul3A_0 = arith.muli %arg1, %mul3A : i32
    %add3A = arith.addi %mul3A_0, %arg0 : i32
    %broadcast_in_dim3A = arith.constant 0.000000e+00 : f32
    %broadcast_in_dim3A_1 = vector.broadcast %broadcast_in_dim3A : f32 to vector<16xf32>
    %broadcast_in_dim3A_2 = arith.constant 1.000000e+00 : f32
    %broadcast_in_dim3A_3 = vector.broadcast %broadcast_in_dim3A_2 : f32 to vector<16xf32>
    %scan3A = arith.constant 0 : i32
    %scan3A_4 = arith.constant 0 : i32
    %scan3A_5 = arith.constant 640 : i32
    %scan3A_6 = arith.addi %scan3A_4, %scan3A_5 : i32
    %scan3A_7 = arith.constant 1 : i32
    scf.for %scan3A_86 = %scan3A_4 to %scan3A_6 step %scan3A_7  : i32 {
      %mul3A_87 = arith.constant 16 : i32
      %mul3A_88 = arith.muli %scan3A_86, %mul3A_87 : i32
      %swap3A = arith.index_cast %mul3A_88 : i32 to index
      %swap3A_89 = tpu.vector_load %arg5[%swap3A] {strides = array<i32>} : memref<10240xf32, #tpu.memory_space<vmem>>, vector<16xf32>,
      tpu.vector_store %arg5[%swap3A], %broadcast_in_dim3A_1 {strides = array<i32>} : memref<10240xf32, #tpu.memory_space<vmem>>, vector<16xf32>,
    }
    %scan3A_8 = arith.constant 640 : i32
    "tpu.region"() ({
      %run_scoped3A_86 = tpu.sem_alloc : memref<!tpu.dma_semaphore, #tpu.memory_space<semaphore_mem>>
      %dma_start3A = arith.constant 0 : i32
      %dma_start3A_87 = tpu.memref_slice %arg2[%add3A, %dma_start3A] : memref<32x10000xi32, #tpu.memory_space<hbm>> -> memref<1x10000xi32, #tpu.memory_space<hbm>>
      %dma_start3A_88 = tpu.memref_squeeze %dma_start3A_87 : memref<1x10000xi32, #tpu.memory_space<hbm>> -> memref<10000xi32, #tpu.memory_space<hbm>>
      %dma_start3A_89 = arith.constant 0 : i32
      %dma_start3A_90 = tpu.memref_slice %arg2[%add3A, %dma_start3A_89] : memref<32x10000xi32, #tpu.memory_space<hbm>> -> memref<1x10000xi32, #tpu.memory_space<hbm>>
      %dma_start3A_91 = tpu.memref_squeeze %dma_start3A_90 : memref<1x10000xi32, #tpu.memory_space<hbm>> -> memref<10000xi32, #tpu.memory_space<hbm>>
      tpu.enqueue_dma source(%dma_start3A_91 : memref<10000xi32, #tpu.memory_space<hbm>>) target(%arg4 : memref<10000xi32, #tpu.memory_space<vmem>>) target_semaphore(%run_scoped3A_86 : memref<!tpu.dma_semaphore, #tpu.memory_space<semaphore_mem>>)
      %dma_wait3A = arith.constant 0 : i32
      %dma_wait3A_92 = tpu.memref_slice %arg2[%add3A, %dma_wait3A] : memref<32x10000xi32, #tpu.memory_space<hbm>> -> memref<1x10000xi32, #tpu.memory_space<hbm>>
      %dma_wait3A_93 = tpu.memref_squeeze %dma_wait3A_92 : memref<1x10000xi32, #tpu.memory_space<hbm>> -> memref<10000xi32, #tpu.memory_space<hbm>>
      %dma_wait3A_94 = arith.constant 0 : i32
      %dma_wait3A_95 = tpu.memref_slice %arg2[%add3A, %dma_wait3A_94] : memref<32x10000xi32, #tpu.memory_space<hbm>> -> memref<1x10000xi32, #tpu.memory_space<hbm>>
      %dma_wait3A_96 = tpu.memref_squeeze %dma_wait3A_95 : memref<1x10000xi32, #tpu.memory_space<hbm>> -> memref<10000xi32, #tpu.memory_space<hbm>>
      tpu.wait_dma2 semaphore(%run_scoped3A_86 : memref<!tpu.dma_semaphore, #tpu.memory_space<semaphore_mem>>) src(%dma_wait3A_96 : memref<10000xi32, #tpu.memory_space<hbm>>) dst(%arg4 : memref<10000xi32, #tpu.memory_space<vmem>>)
      tpu.yield
    }) : () -> ()
    %scan3A_9 = arith.constant 0 : i32
    %scan3A_10 = arith.constant 0 : i32
    %scan3A_11 = arith.constant 125 : i32
    %scan3A_12 = arith.addi %scan3A_10, %scan3A_11 : i32
    %scan3A_13 = arith.constant 1 : i32
    scf.for %scan3A_86 = %scan3A_10 to %scan3A_12 step %scan3A_13  : i32 {
      %mul3A_87 = arith.constant 5 : i32
      %mul3A_88 = arith.muli %scan3A_86, %mul3A_87 : i32
      %add3A_89 = arith.constant 0 : i32
      %add3A_90 = arith.addi %mul3A_88, %add3A_89 : i32
      %mul3A_91 = arith.constant 16 : i32
      %mul3A_92 = arith.muli %add3A_90, %mul3A_91 : i32
      %get3A = arith.index_cast %mul3A_92 : i32 to index
      %get3A_93 = tpu.vector_load %arg4[%get3A] {strides = array<i32>} : memref<10000xi32, #tpu.memory_space<vmem>>, vector<16xi32>,
      tpu.vector_store_idx %arg5[%get3A_93], %broadcast_in_dim3A_3 {add = true} : memref<10240xf32, #tpu.memory_space<vmem>>[vector<16xi32>], vector<16xf32>,
      %mul3A_94 = arith.constant 5 : i32
      %mul3A_95 = arith.muli %scan3A_86, %mul3A_94 : i32
      %add3A_96 = arith.constant 1 : i32
      %add3A_97 = arith.addi %mul3A_95, %add3A_96 : i32
      %mul3A_98 = arith.constant 16 : i32
      %mul3A_99 = arith.muli %add3A_97, %mul3A_98 : i32
      %get3A_100 = arith.index_cast %mul3A_99 : i32 to index
      %get3A_101 = tpu.vector_load %arg4[%get3A_100] {strides = array<i32>} : memref<10000xi32, #tpu.memory_space<vmem>>, vector<16xi32>,
      tpu.vector_store_idx %arg5[%get3A_101], %broadcast_in_dim3A_3 {add = true} : memref<10240xf32, #tpu.memory_space<vmem>>[vector<16xi32>], vector<16xf32>,
      %mul3A_102 = arith.constant 5 : i32
      %mul3A_103 = arith.muli %scan3A_86, %mul3A_102 : i32
      %add3A_104 = arith.constant 2 : i32
      %add3A_105 = arith.addi %mul3A_103, %add3A_104 : i32
      %mul3A_106 = arith.constant 16 : i32
      %mul3A_107 = arith.muli %add3A_105, %mul3A_106 : i32
      %get3A_108 = arith.index_cast %mul3A_107 : i32 to index
      %get3A_109 = tpu.vector_load %arg4[%get3A_108] {strides = array<i32>} : memref<10000xi32, #tpu.memory_space<vmem>>, vector<16xi32>,
      tpu.vector_store_idx %arg5[%get3A_109], %broadcast_in_dim3A_3 {add = true} : memref<10240xf32, #tpu.memory_space<vmem>>[vector<16xi32>], vector<16xf32>,
      %mul3A_110 = arith.constant 5 : i32
      %mul3A_111 = arith.muli %scan3A_86, %mul3A_110 : i32
      %add3A_112 = arith.constant 3 : i32
      %add3A_113 = arith.addi %mul3A_111, %add3A_112 : i32
      %mul3A_114 = arith.constant 16 : i32
      %mul3A_115 = arith.muli %add3A_113, %mul3A_114 : i32
      %get3A_116 = arith.index_cast %mul3A_115 : i32 to index
      %get3A_117 = tpu.vector_load %arg4[%get3A_116] {strides = array<i32>} : memref<10000xi32, #tpu.memory_space<vmem>>, vector<16xi32>,
      tpu.vector_store_idx %arg5[%get3A_117], %broadcast_in_dim3A_3 {add = true} : memref<10240xf32, #tpu.memory_space<vmem>>[vector<16xi32>], vector<16xf32>,
      %mul3A_118 = arith.constant 5 : i32
      %mul3A_119 = arith.muli %scan3A_86, %mul3A_118 : i32
      %add3A_120 = arith.constant 4 : i32
      %add3A_121 = arith.addi %mul3A_119, %add3A_120 : i32
      %mul3A_122 = arith.constant 16 : i32
      %mul3A_123 = arith.muli %add3A_121, %mul3A_122 : i32
      %get3A_124 = arith.index_cast %mul3A_123 : i32 to index
      %get3A_125 = tpu.vector_load %arg4[%get3A_124] {strides = array<i32>} : memref<10000xi32, #tpu.memory_space<vmem>>, vector<16xi32>,
      tpu.vector_store_idx %arg5[%get3A_125], %broadcast_in_dim3A_3 {add = true} : memref<10240xf32, #tpu.memory_space<vmem>>[vector<16xi32>], vector<16xf32>,
    }
    %scan3A_14 = arith.constant 125 : i32
    "tpu.region"() ({
      %run_scoped3A_86 = tpu.sem_alloc : memref<!tpu.dma_semaphore, #tpu.memory_space<semaphore_mem>>
      %dma_start3A = arith.constant 0 : i32
      %dma_start3A_87 = tpu.memref_slice %arg8[%arg1, %dma_start3A] : memref<16x10240xf32, #tpu.memory_space<vmem_shared>> -> memref<1x10240xf32, #tpu.memory_space<vmem_shared>>
      %dma_start3A_88 = tpu.memref_squeeze %dma_start3A_87 : memref<1x10240xf32, #tpu.memory_space<vmem_shared>> -> memref<10240xf32, #tpu.memory_space<vmem_shared>>
      %dma_start3A_89 = arith.constant 0 : i32
      %dma_start3A_90 = tpu.memref_slice %arg8[%arg1, %dma_start3A_89] : memref<16x10240xf32, #tpu.memory_space<vmem_shared>> -> memref<1x10240xf32, #tpu.memory_space<vmem_shared>>
      %dma_start3A_91 = tpu.memref_squeeze %dma_start3A_90 : memref<1x10240xf32, #tpu.memory_space<vmem_shared>> -> memref<10240xf32, #tpu.memory_space<vmem_shared>>
      tpu.enqueue_dma source(%arg5 : memref<10240xf32, #tpu.memory_space<vmem>>) target(%dma_start3A_91 : memref<10240xf32, #tpu.memory_space<vmem_shared>>) target_semaphore(%run_scoped3A_86 : memref<!tpu.dma_semaphore, #tpu.memory_space<semaphore_mem>>)
      %dma_wait3A = arith.constant 0 : i32
      %dma_wait3A_92 = tpu.memref_slice %arg8[%arg1, %dma_wait3A] : memref<16x10240xf32, #tpu.memory_space<vmem_shared>> -> memref<1x10240xf32, #tpu.memory_space<vmem_shared>>
      %dma_wait3A_93 = tpu.memref_squeeze %dma_wait3A_92 : memref<1x10240xf32, #tpu.memory_space<vmem_shared>> -> memref<10240xf32, #tpu.memory_space<vmem_shared>>
      %dma_wait3A_94 = arith.constant 0 : i32
      %dma_wait3A_95 = tpu.memref_slice %arg8[%arg1, %dma_wait3A_94] : memref<16x10240xf32, #tpu.memory_space<vmem_shared>> -> memref<1x10240xf32, #tpu.memory_space<vmem_shared>>
      %dma_wait3A_96 = tpu.memref_squeeze %dma_wait3A_95 : memref<1x10240xf32, #tpu.memory_space<vmem_shared>> -> memref<10240xf32, #tpu.memory_space<vmem_shared>>
      tpu.wait_dma2 semaphore(%run_scoped3A_86 : memref<!tpu.dma_semaphore, #tpu.memory_space<semaphore_mem>>) src(%arg5 : memref<10240xf32, #tpu.memory_space<vmem>>) dst(%dma_wait3A_96 : memref<10240xf32, #tpu.memory_space<vmem_shared>>)
      tpu.yield
    }) : () -> ()
    %barrier3A = arith.constant 0 : index
    tpu.barrier barrier_id(%barrier3A)
    %mul3A_15 = arith.constant 640 : i32
    %mul3A_16 = arith.muli %arg1, %mul3A_15 : i32
    %run_scoped3A = arith.constant 0 : i32
    %run_scoped3A_17 = arith.constant 0 : i32
    "tpu.region"() ({
      %run_scoped3A_86 = tpu.sem_alloc : memref<!tpu.dma_semaphore, #tpu.memory_space<semaphore_mem>>
      %dma_start3A = arith.constant 0 : i32
      %dma_start3A_87 = tpu.memref_slice %arg6[%run_scoped3A_17, %dma_start3A] : memref<16x640xf32, #tpu.memory_space<vmem>> -> memref<1x640xf32, #tpu.memory_space<vmem>>
      %dma_start3A_88 = tpu.memref_squeeze %dma_start3A_87 : memref<1x640xf32, #tpu.memory_space<vmem>> -> memref<640xf32, #tpu.memory_space<vmem>>
      %dma_start3A_89 = tpu.memref_slice %arg8[%run_scoped3A, %mul3A_16] : memref<16x10240xf32, #tpu.memory_space<vmem_shared>> -> memref<1x640xf32, #tpu.memory_space<vmem_shared>>
      %dma_start3A_90 = tpu.memref_squeeze %dma_start3A_89 : memref<1x640xf32, #tpu.memory_space<vmem_shared>> -> memref<640xf32, #tpu.memory_space<vmem_shared>>
      %dma_start3A_91 = arith.constant 0 : i32
      %dma_start3A_92 = tpu.memref_slice %arg6[%run_scoped3A_17, %dma_start3A_91] : memref<16x640xf32, #tpu.memory_space<vmem>> -> memref<1x640xf32, #tpu.memory_space<vmem>>
      %dma_start3A_93 = tpu.memref_squeeze %dma_start3A_92 : memref<1x640xf32, #tpu.memory_space<vmem>> -> memref<640xf32, #tpu.memory_space<vmem>>
      %dma_start3A_94 = tpu.memref_slice %arg8[%run_scoped3A, %mul3A_16] : memref<16x10240xf32, #tpu.memory_space<vmem_shared>> -> memref<1x640xf32, #tpu.memory_space<vmem_shared>>
      %dma_start3A_95 = tpu.memref_squeeze %dma_start3A_94 : memref<1x640xf32, #tpu.memory_space<vmem_shared>> -> memref<640xf32, #tpu.memory_space<vmem_shared>>
      tpu.enqueue_dma source(%dma_start3A_95 : memref<640xf32, #tpu.memory_space<vmem_shared>>) target(%dma_start3A_93 : memref<640xf32, #tpu.memory_space<vmem>>) target_semaphore(%run_scoped3A_86 : memref<!tpu.dma_semaphore, #tpu.memory_space<semaphore_mem>>)
      %dma_wait3A = arith.constant 0 : i32
      %dma_wait3A_96 = tpu.memref_slice %arg6[%run_scoped3A_17, %dma_wait3A] : memref<16x640xf32, #tpu.memory_space<vmem>> -> memref<1x640xf32, #tpu.memory_space<vmem>>
      %dma_wait3A_97 = tpu.memref_squeeze %dma_wait3A_96 : memref<1x640xf32, #tpu.memory_space<vmem>> -> memref<640xf32, #tpu.memory_space<vmem>>
      %dma_wait3A_98 = tpu.memref_slice %arg8[%run_scoped3A, %mul3A_16] : memref<16x10240xf32, #tpu.memory_space<vmem_shared>> -> memref<1x640xf32, #tpu.memory_space<vmem_shared>>
      %dma_wait3A_99 = tpu.memref_squeeze %dma_wait3A_98 : memref<1x640xf32, #tpu.memory_space<vmem_shared>> -> memref<640xf32, #tpu.memory_space<vmem_shared>>
      %dma_wait3A_100 = arith.constant 0 : i32
      %dma_wait3A_101 = tpu.memref_slice %arg6[%run_scoped3A_17, %dma_wait3A_100] : memref<16x640xf32, #tpu.memory_space<vmem>> -> memref<1x640xf32, #tpu.memory_space<vmem>>
      %dma_wait3A_102 = tpu.memref_squeeze %dma_wait3A_101 : memref<1x640xf32, #tpu.memory_space<vmem>> -> memref<640xf32, #tpu.memory_space<vmem>>
      %dma_wait3A_103 = tpu.memref_slice %arg8[%run_scoped3A, %mul3A_16] : memref<16x10240xf32, #tpu.memory_space<vmem_shared>> -> memref<1x640xf32, #tpu.memory_space<vmem_shared>>
      %dma_wait3A_104 = tpu.memref_squeeze %dma_wait3A_103 : memref<1x640xf32, #tpu.memory_space<vmem_shared>> -> memref<640xf32, #tpu.memory_space<vmem_shared>>
      tpu.wait_dma2 semaphore(%run_scoped3A_86 : memref<!tpu.dma_semaphore, #tpu.memory_space<semaphore_mem>>) src(%dma_wait3A_104 : memref<640xf32, #tpu.memory_space<vmem_shared>>) dst(%dma_wait3A_102 : memref<640xf32, #tpu.memory_space<vmem>>)
      tpu.yield
    }) : () -> ()
    %mul3A_18 = arith.constant 640 : i32
    %mul3A_19 = arith.muli %arg1, %mul3A_18 : i32
    %run_scoped3A_20 = arith.constant 1 : i32
    %run_scoped3A_21 = arith.constant 1 : i32
    "tpu.region"() ({
      %run_scoped3A_86 = tpu.sem_alloc : memref<!tpu.dma_semaphore, #tpu.memory_space<semaphore_mem>>
      %dma_start3A = arith.constant 0 : i32
      %dma_start3A_87 = tpu.memref_slice %arg6[%run_scoped3A_21, %dma_start3A] : memref<16x640xf32, #tpu.memory_space<vmem>> -> memref<1x640xf32, #tpu.memory_space<vmem>>
      %dma_start3A_88 = tpu.memref_squeeze %dma_start3A_87 : memref<1x640xf32, #tpu.memory_space<vmem>> -> memref<640xf32, #tpu.memory_space<vmem>>
      %dma_start3A_89 = tpu.memref_slice %arg8[%run_scoped3A_20, %mul3A_19] : memref<16x10240xf32, #tpu.memory_space<vmem_shared>> -> memref<1x640xf32, #tpu.memory_space<vmem_shared>>
      %dma_start3A_90 = tpu.memref_squeeze %dma_start3A_89 : memref<1x640xf32, #tpu.memory_space<vmem_shared>> -> memref<640xf32, #tpu.memory_space<vmem_shared>>
      %dma_start3A_91 = arith.constant 0 : i32
      %dma_start3A_92 = tpu.memref_slice %arg6[%run_scoped3A_21, %dma_start3A_91] : memref<16x640xf32, #tpu.memory_space<vmem>> -> memref<1x640xf32, #tpu.memory_space<vmem>>
      %dma_start3A_93 = tpu.memref_squeeze %dma_start3A_92 : memref<1x640xf32, #tpu.memory_space<vmem>> -> memref<640xf32, #tpu.memory_space<vmem>>
      %dma_start3A_94 = tpu.memref_slice %arg8[%run_scoped3A_20, %mul3A_19] : memref<16x10240xf32, #tpu.memory_space<vmem_shared>> -> memref<1x640xf32, #tpu.memory_space<vmem_shared>>
      %dma_start3A_95 = tpu.memref_squeeze %dma_start3A_94 : memref<1x640xf32, #tpu.memory_space<vmem_shared>> -> memref<640xf32, #tpu.memory_space<vmem_shared>>
      tpu.enqueue_dma source(%dma_start3A_95 : memref<640xf32, #tpu.memory_space<vmem_shared>>) target(%dma_start3A_93 : memref<640xf32, #tpu.memory_space<vmem>>) target_semaphore(%run_scoped3A_86 : memref<!tpu.dma_semaphore, #tpu.memory_space<semaphore_mem>>)
      %dma_wait3A = arith.constant 0 : i32
      %dma_wait3A_96 = tpu.memref_slice %arg6[%run_scoped3A_21, %dma_wait3A] : memref<16x640xf32, #tpu.memory_space<vmem>> -> memref<1x640xf32, #tpu.memory_space<vmem>>
      %dma_wait3A_97 = tpu.memref_squeeze %dma_wait3A_96 : memref<1x640xf32, #tpu.memory_space<vmem>> -> memref<640xf32, #tpu.memory_space<vmem>>
      %dma_wait3A_98 = tpu.memref_slice %arg8[%run_scoped3A_20, %mul3A_19] : memref<16x10240xf32, #tpu.memory_space<vmem_shared>> -> memref<1x640xf32, #tpu.memory_space<vmem_shared>>
      %dma_wait3A_99 = tpu.memref_squeeze %dma_wait3A_98 : memref<1x640xf32, #tpu.memory_space<vmem_shared>> -> memref<640xf32, #tpu.memory_space<vmem_shared>>
      %dma_wait3A_100 = arith.constant 0 : i32
      %dma_wait3A_101 = tpu.memref_slice %arg6[%run_scoped3A_21, %dma_wait3A_100] : memref<16x640xf32, #tpu.memory_space<vmem>> -> memref<1x640xf32, #tpu.memory_space<vmem>>
      %dma_wait3A_102 = tpu.memref_squeeze %dma_wait3A_101 : memref<1x640xf32, #tpu.memory_space<vmem>> -> memref<640xf32, #tpu.memory_space<vmem>>
      %dma_wait3A_103 = tpu.memref_slice %arg8[%run_scoped3A_20, %mul3A_19] : memref<16x10240xf32, #tpu.memory_space<vmem_shared>> -> memref<1x640xf32, #tpu.memory_space<vmem_shared>>
      %dma_wait3A_104 = tpu.memref_squeeze %dma_wait3A_103 : memref<1x640xf32, #tpu.memory_space<vmem_shared>> -> memref<640xf32, #tpu.memory_space<vmem_shared>>
      tpu.wait_dma2 semaphore(%run_scoped3A_86 : memref<!tpu.dma_semaphore, #tpu.memory_space<semaphore_mem>>) src(%dma_wait3A_104 : memref<640xf32, #tpu.memory_space<vmem_shared>>) dst(%dma_wait3A_102 : memref<640xf32, #tpu.memory_space<vmem>>)
      tpu.yield
    }) : () -> ()
    %mul3A_22 = arith.constant 640 : i32
    %mul3A_23 = arith.muli %arg1, %mul3A_22 : i32
    %run_scoped3A_24 = arith.constant 2 : i32
    %run_scoped3A_25 = arith.constant 2 : i32
    "tpu.region"() ({
      %run_scoped3A_86 = tpu.sem_alloc : memref<!tpu.dma_semaphore, #tpu.memory_space<semaphore_mem>>
      %dma_start3A = arith.constant 0 : i32
      %dma_start3A_87 = tpu.memref_slice %arg6[%run_scoped3A_25, %dma_start3A] : memref<16x640xf32, #tpu.memory_space<vmem>> -> memref<1x640xf32, #tpu.memory_space<vmem>>
      %dma_start3A_88 = tpu.memref_squeeze %dma_start3A_87 : memref<1x640xf32, #tpu.memory_space<vmem>> -> memref<640xf32, #tpu.memory_space<vmem>>
      %dma_start3A_89 = tpu.memref_slice %arg8[%run_scoped3A_24, %mul3A_23] : memref<16x10240xf32, #tpu.memory_space<vmem_shared>> -> memref<1x640xf32, #tpu.memory_space<vmem_shared>>
      %dma_start3A_90 = tpu.memref_squeeze %dma_start3A_89 : memref<1x640xf32, #tpu.memory_space<vmem_shared>> -> memref<640xf32, #tpu.memory_space<vmem_shared>>
      %dma_start3A_91 = arith.constant 0 : i32
      %dma_start3A_92 = tpu.memref_slice %arg6[%run_scoped3A_25, %dma_start3A_91] : memref<16x640xf32, #tpu.memory_space<vmem>> -> memref<1x640xf32, #tpu.memory_space<vmem>>
      %dma_start3A_93 = tpu.memref_squeeze %dma_start3A_92 : memref<1x640xf32, #tpu.memory_space<vmem>> -> memref<640xf32, #tpu.memory_space<vmem>>
      %dma_start3A_94 = tpu.memref_slice %arg8[%run_scoped3A_24, %mul3A_23] : memref<16x10240xf32, #tpu.memory_space<vmem_shared>> -> memref<1x640xf32, #tpu.memory_space<vmem_shared>>
      %dma_start3A_95 = tpu.memref_squeeze %dma_start3A_94 : memref<1x640xf32, #tpu.memory_space<vmem_shared>> -> memref<640xf32, #tpu.memory_space<vmem_shared>>
      tpu.enqueue_dma source(%dma_start3A_95 : memref<640xf32, #tpu.memory_space<vmem_shared>>) target(%dma_start3A_93 : memref<640xf32, #tpu.memory_space<vmem>>) target_semaphore(%run_scoped3A_86 : memref<!tpu.dma_semaphore, #tpu.memory_space<semaphore_mem>>)
      %dma_wait3A = arith.constant 0 : i32
      %dma_wait3A_96 = tpu.memref_slice %arg6[%run_scoped3A_25, %dma_wait3A] : memref<16x640xf32, #tpu.memory_space<vmem>> -> memref<1x640xf32, #tpu.memory_space<vmem>>
      %dma_wait3A_97 = tpu.memref_squeeze %dma_wait3A_96 : memref<1x640xf32, #tpu.memory_space<vmem>> -> memref<640xf32, #tpu.memory_space<vmem>>
      %dma_wait3A_98 = tpu.memref_slice %arg8[%run_scoped3A_24, %mul3A_23] : memref<16x10240xf32, #tpu.memory_space<vmem_shared>> -> memref<1x640xf32, #tpu.memory_space<vmem_shared>>
      %dma_wait3A_99 = tpu.memref_squeeze %dma_wait3A_98 : memref<1x640xf32, #tpu.memory_space<vmem_shared>> -> memref<640xf32, #tpu.memory_space<vmem_shared>>
      %dma_wait3A_100 = arith.constant 0 : i32
      %dma_wait3A_101 = tpu.memref_slice %arg6[%run_scoped3A_25, %dma_wait3A_100] : memref<16x640xf32, #tpu.memory_space<vmem>> -> memref<1x640xf32, #tpu.memory_space<vmem>>
      %dma_wait3A_102 = tpu.memref_squeeze %dma_wait3A_101 : memref<1x640xf32, #tpu.memory_space<vmem>> -> memref<640xf32, #tpu.memory_space<vmem>>
      %dma_wait3A_103 = tpu.memref_slice %arg8[%run_scoped3A_24, %mul3A_23] : memref<16x10240xf32, #tpu.memory_space<vmem_shared>> -> memref<1x640xf32, #tpu.memory_space<vmem_shared>>
      %dma_wait3A_104 = tpu.memref_squeeze %dma_wait3A_103 : memref<1x640xf32, #tpu.memory_space<vmem_shared>> -> memref<640xf32, #tpu.memory_space<vmem_shared>>
      tpu.wait_dma2 semaphore(%run_scoped3A_86 : memref<!tpu.dma_semaphore, #tpu.memory_space<semaphore_mem>>) src(%dma_wait3A_104 : memref<640xf32, #tpu.memory_space<vmem_shared>>) dst(%dma_wait3A_102 : memref<640xf32, #tpu.memory_space<vmem>>)
      tpu.yield
    }) : () -> ()
    %mul3A_26 = arith.constant 640 : i32
    %mul3A_27 = arith.muli %arg1, %mul3A_26 : i32
    %run_scoped3A_28 = arith.constant 3 : i32
    %run_scoped3A_29 = arith.constant 3 : i32
    "tpu.region"() ({
      %run_scoped3A_86 = tpu.sem_alloc : memref<!tpu.dma_semaphore, #tpu.memory_space<semaphore_mem>>
      %dma_start3A = arith.constant 0 : i32
      %dma_start3A_87 = tpu.memref_slice %arg6[%run_scoped3A_29, %dma_start3A] : memref<16x640xf32, #tpu.memory_space<vmem>> -> memref<1x640xf32, #tpu.memory_space<vmem>>
      %dma_start3A_88 = tpu.memref_squeeze %dma_start3A_87 : memref<1x640xf32, #tpu.memory_space<vmem>> -> memref<640xf32, #tpu.memory_space<vmem>>
      %dma_start3A_89 = tpu.memref_slice %arg8[%run_scoped3A_28, %mul3A_27] : memref<16x10240xf32, #tpu.memory_space<vmem_shared>> -> memref<1x640xf32, #tpu.memory_space<vmem_shared>>
      %dma_start3A_90 = tpu.memref_squeeze %dma_start3A_89 : memref<1x640xf32, #tpu.memory_space<vmem_shared>> -> memref<640xf32, #tpu.memory_space<vmem_shared>>
      %dma_start3A_91 = arith.constant 0 : i32
      %dma_start3A_92 = tpu.memref_slice %arg6[%run_scoped3A_29, %dma_start3A_91] : memref<16x640xf32, #tpu.memory_space<vmem>> -> memref<1x640xf32, #tpu.memory_space<vmem>>
      %dma_start3A_93 = tpu.memref_squeeze %dma_start3A_92 : memref<1x640xf32, #tpu.memory_space<vmem>> -> memref<640xf32, #tpu.memory_space<vmem>>
      %dma_start3A_94 = tpu.memref_slice %arg8[%run_scoped3A_28, %mul3A_27] : memref<16x10240xf32, #tpu.memory_space<vmem_shared>> -> memref<1x640xf32, #tpu.memory_space<vmem_shared>>
      %dma_start3A_95 = tpu.memref_squeeze %dma_start3A_94 : memref<1x640xf32, #tpu.memory_space<vmem_shared>> -> memref<640xf32, #tpu.memory_space<vmem_shared>>
      tpu.enqueue_dma source(%dma_start3A_95 : memref<640xf32, #tpu.memory_space<vmem_shared>>) target(%dma_start3A_93 : memref<640xf32, #tpu.memory_space<vmem>>) target_semaphore(%run_scoped3A_86 : memref<!tpu.dma_semaphore, #tpu.memory_space<semaphore_mem>>)
      %dma_wait3A = arith.constant 0 : i32
      %dma_wait3A_96 = tpu.memref_slice %arg6[%run_scoped3A_29, %dma_wait3A] : memref<16x640xf32, #tpu.memory_space<vmem>> -> memref<1x640xf32, #tpu.memory_space<vmem>>
      %dma_wait3A_97 = tpu.memref_squeeze %dma_wait3A_96 : memref<1x640xf32, #tpu.memory_space<vmem>> -> memref<640xf32, #tpu.memory_space<vmem>>
      %dma_wait3A_98 = tpu.memref_slice %arg8[%run_scoped3A_28, %mul3A_27] : memref<16x10240xf32, #tpu.memory_space<vmem_shared>> -> memref<1x640xf32, #tpu.memory_space<vmem_shared>>
      %dma_wait3A_99 = tpu.memref_squeeze %dma_wait3A_98 : memref<1x640xf32, #tpu.memory_space<vmem_shared>> -> memref<640xf32, #tpu.memory_space<vmem_shared>>
      %dma_wait3A_100 = arith.constant 0 : i32
      %dma_wait3A_101 = tpu.memref_slice %arg6[%run_scoped3A_29, %dma_wait3A_100] : memref<16x640xf32, #tpu.memory_space<vmem>> -> memref<1x640xf32, #tpu.memory_space<vmem>>
      %dma_wait3A_102 = tpu.memref_squeeze %dma_wait3A_101 : memref<1x640xf32, #tpu.memory_space<vmem>> -> memref<640xf32, #tpu.memory_space<vmem>>
      %dma_wait3A_103 = tpu.memref_slice %arg8[%run_scoped3A_28, %mul3A_27] : memref<16x10240xf32, #tpu.memory_space<vmem_shared>> -> memref<1x640xf32, #tpu.memory_space<vmem_shared>>
      %dma_wait3A_104 = tpu.memref_squeeze %dma_wait3A_103 : memref<1x640xf32, #tpu.memory_space<vmem_shared>> -> memref<640xf32, #tpu.memory_space<vmem_shared>>
      tpu.wait_dma2 semaphore(%run_scoped3A_86 : memref<!tpu.dma_semaphore, #tpu.memory_space<semaphore_mem>>) src(%dma_wait3A_104 : memref<640xf32, #tpu.memory_space<vmem_shared>>) dst(%dma_wait3A_102 : memref<640xf32, #tpu.memory_space<vmem>>)
      tpu.yield
    }) : () -> ()
    %mul3A_30 = arith.constant 640 : i32
    %mul3A_31 = arith.muli %arg1, %mul3A_30 : i32
    %run_scoped3A_32 = arith.constant 4 : i32
    %run_scoped3A_33 = arith.constant 4 : i32
    "tpu.region"() ({
      %run_scoped3A_86 = tpu.sem_alloc : memref<!tpu.dma_semaphore, #tpu.memory_space<semaphore_mem>>
      %dma_start3A = arith.constant 0 : i32
      %dma_start3A_87 = tpu.memref_slice %arg6[%run_scoped3A_33, %dma_start3A] : memref<16x640xf32, #tpu.memory_space<vmem>> -> memref<1x640xf32, #tpu.memory_space<vmem>>
      %dma_start3A_88 = tpu.memref_squeeze %dma_start3A_87 : memref<1x640xf32, #tpu.memory_space<vmem>> -> memref<640xf32, #tpu.memory_space<vmem>>
      %dma_start3A_89 = tpu.memref_slice %arg8[%run_scoped3A_32, %mul3A_31] : memref<16x10240xf32, #tpu.memory_space<vmem_shared>> -> memref<1x640xf32, #tpu.memory_space<vmem_shared>>
      %dma_start3A_90 = tpu.memref_squeeze %dma_start3A_89 : memref<1x640xf32, #tpu.memory_space<vmem_shared>> -> memref<640xf32, #tpu.memory_space<vmem_shared>>
      %dma_start3A_91 = arith.constant 0 : i32
      %dma_start3A_92 = tpu.memref_slice %arg6[%run_scoped3A_33, %dma_start3A_91] : memref<16x640xf32, #tpu.memory_space<vmem>> -> memref<1x640xf32, #tpu.memory_space<vmem>>
      %dma_start3A_93 = tpu.memref_squeeze %dma_start3A_92 : memref<1x640xf32, #tpu.memory_space<vmem>> -> memref<640xf32, #tpu.memory_space<vmem>>
      %dma_start3A_94 = tpu.memref_slice %arg8[%run_scoped3A_32, %mul3A_31] : memref<16x10240xf32, #tpu.memory_space<vmem_shared>> -> memref<1x640xf32, #tpu.memory_space<vmem_shared>>
      %dma_start3A_95 = tpu.memref_squeeze %dma_start3A_94 : memref<1x640xf32, #tpu.memory_space<vmem_shared>> -> memref<640xf32, #tpu.memory_space<vmem_shared>>
      tpu.enqueue_dma source(%dma_start3A_95 : memref<640xf32, #tpu.memory_space<vmem_shared>>) target(%dma_start3A_93 : memref<640xf32, #tpu.memory_space<vmem>>) target_semaphore(%run_scoped3A_86 : memref<!tpu.dma_semaphore, #tpu.memory_space<semaphore_mem>>)
      %dma_wait3A = arith.constant 0 : i32
      %dma_wait3A_96 = tpu.memref_slice %arg6[%run_scoped3A_33, %dma_wait3A] : memref<16x640xf32, #tpu.memory_space<vmem>> -> memref<1x640xf32, #tpu.memory_space<vmem>>
      %dma_wait3A_97 = tpu.memref_squeeze %dma_wait3A_96 : memref<1x640xf32, #tpu.memory_space<vmem>> -> memref<640xf32, #tpu.memory_space<vmem>>
      %dma_wait3A_98 = tpu.memref_slice %arg8[%run_scoped3A_32, %mul3A_31] : memref<16x10240xf32, #tpu.memory_space<vmem_shared>> -> memref<1x640xf32, #tpu.memory_space<vmem_shared>>
      %dma_wait3A_99 = tpu.memref_squeeze %dma_wait3A_98 : memref<1x640xf32, #tpu.memory_space<vmem_shared>> -> memref<640xf32, #tpu.memory_space<vmem_shared>>
      %dma_wait3A_100 = arith.constant 0 : i32
      %dma_wait3A_101 = tpu.memref_slice %arg6[%run_scoped3A_33, %dma_wait3A_100] : memref<16x640xf32, #tpu.memory_space<vmem>> -> memref<1x640xf32, #tpu.memory_space<vmem>>
      %dma_wait3A_102 = tpu.memref_squeeze %dma_wait3A_101 : memref<1x640xf32, #tpu.memory_space<vmem>> -> memref<640xf32, #tpu.memory_space<vmem>>
      %dma_wait3A_103 = tpu.memref_slice %arg8[%run_scoped3A_32, %mul3A_31] : memref<16x10240xf32, #tpu.memory_space<vmem_shared>> -> memref<1x640xf32, #tpu.memory_space<vmem_shared>>
      %dma_wait3A_104 = tpu.memref_squeeze %dma_wait3A_103 : memref<1x640xf32, #tpu.memory_space<vmem_shared>> -> memref<640xf32, #tpu.memory_space<vmem_shared>>
      tpu.wait_dma2 semaphore(%run_scoped3A_86 : memref<!tpu.dma_semaphore, #tpu.memory_space<semaphore_mem>>) src(%dma_wait3A_104 : memref<640xf32, #tpu.memory_space<vmem_shared>>) dst(%dma_wait3A_102 : memref<640xf32, #tpu.memory_space<vmem>>)
      tpu.yield
    }) : () -> ()
    %mul3A_34 = arith.constant 640 : i32
    %mul3A_35 = arith.muli %arg1, %mul3A_34 : i32
    %run_scoped3A_36 = arith.constant 5 : i32
    %run_scoped3A_37 = arith.constant 5 : i32
    "tpu.region"() ({
      %run_scoped3A_86 = tpu.sem_alloc : memref<!tpu.dma_semaphore, #tpu.memory_space<semaphore_mem>>
      %dma_start3A = arith.constant 0 : i32
      %dma_start3A_87 = tpu.memref_slice %arg6[%run_scoped3A_37, %dma_start3A] : memref<16x640xf32, #tpu.memory_space<vmem>> -> memref<1x640xf32, #tpu.memory_space<vmem>>
      %dma_start3A_88 = tpu.memref_squeeze %dma_start3A_87 : memref<1x640xf32, #tpu.memory_space<vmem>> -> memref<640xf32, #tpu.memory_space<vmem>>
      %dma_start3A_89 = tpu.memref_slice %arg8[%run_scoped3A_36, %mul3A_35] : memref<16x10240xf32, #tpu.memory_space<vmem_shared>> -> memref<1x640xf32, #tpu.memory_space<vmem_shared>>
      %dma_start3A_90 = tpu.memref_squeeze %dma_start3A_89 : memref<1x640xf32, #tpu.memory_space<vmem_shared>> -> memref<640xf32, #tpu.memory_space<vmem_shared>>
      %dma_start3A_91 = arith.constant 0 : i32
      %dma_start3A_92 = tpu.memref_slice %arg6[%run_scoped3A_37, %dma_start3A_91] : memref<16x640xf32, #tpu.memory_space<vmem>> -> memref<1x640xf32, #tpu.memory_space<vmem>>
      %dma_start3A_93 = tpu.memref_squeeze %dma_start3A_92 : memref<1x640xf32, #tpu.memory_space<vmem>> -> memref<640xf32, #tpu.memory_space<vmem>>
      %dma_start3A_94 = tpu.memref_slice %arg8[%run_scoped3A_36, %mul3A_35] : memref<16x10240xf32, #tpu.memory_space<vmem_shared>> -> memref<1x640xf32, #tpu.memory_space<vmem_shared>>
      %dma_start3A_95 = tpu.memref_squeeze %dma_start3A_94 : memref<1x640xf32, #tpu.memory_space<vmem_shared>> -> memref<640xf32, #tpu.memory_space<vmem_shared>>
      tpu.enqueue_dma source(%dma_start3A_95 : memref<640xf32, #tpu.memory_space<vmem_shared>>) target(%dma_start3A_93 : memref<640xf32, #tpu.memory_space<vmem>>) target_semaphore(%run_scoped3A_86 : memref<!tpu.dma_semaphore, #tpu.memory_space<semaphore_mem>>)
      %dma_wait3A = arith.constant 0 : i32
      %dma_wait3A_96 = tpu.memref_slice %arg6[%run_scoped3A_37, %dma_wait3A] : memref<16x640xf32, #tpu.memory_space<vmem>> -> memref<1x640xf32, #tpu.memory_space<vmem>>
      %dma_wait3A_97 = tpu.memref_squeeze %dma_wait3A_96 : memref<1x640xf32, #tpu.memory_space<vmem>> -> memref<640xf32, #tpu.memory_space<vmem>>
      %dma_wait3A_98 = tpu.memref_slice %arg8[%run_scoped3A_36, %mul3A_35] : memref<16x10240xf32, #tpu.memory_space<vmem_shared>> -> memref<1x640xf32, #tpu.memory_space<vmem_shared>>
      %dma_wait3A_99 = tpu.memref_squeeze %dma_wait3A_98 : memref<1x640xf32, #tpu.memory_space<vmem_shared>> -> memref<640xf32, #tpu.memory_space<vmem_shared>>
      %dma_wait3A_100 = arith.constant 0 : i32
      %dma_wait3A_101 = tpu.memref_slice %arg6[%run_scoped3A_37, %dma_wait3A_100] : memref<16x640xf32, #tpu.memory_space<vmem>> -> memref<1x640xf32, #tpu.memory_space<vmem>>
      %dma_wait3A_102 = tpu.memref_squeeze %dma_wait3A_101 : memref<1x640xf32, #tpu.memory_space<vmem>> -> memref<640xf32, #tpu.memory_space<vmem>>
      %dma_wait3A_103 = tpu.memref_slice %arg8[%run_scoped3A_36, %mul3A_35] : memref<16x10240xf32, #tpu.memory_space<vmem_shared>> -> memref<1x640xf32, #tpu.memory_space<vmem_shared>>
      %dma_wait3A_104 = tpu.memref_squeeze %dma_wait3A_103 : memref<1x640xf32, #tpu.memory_space<vmem_shared>> -> memref<640xf32, #tpu.memory_space<vmem_shared>>
      tpu.wait_dma2 semaphore(%run_scoped3A_86 : memref<!tpu.dma_semaphore, #tpu.memory_space<semaphore_mem>>) src(%dma_wait3A_104 : memref<640xf32, #tpu.memory_space<vmem_shared>>) dst(%dma_wait3A_102 : memref<640xf32, #tpu.memory_space<vmem>>)
      tpu.yield
    }) : () -> ()
    %mul3A_38 = arith.constant 640 : i32
    %mul3A_39 = arith.muli %arg1, %mul3A_38 : i32
    %run_scoped3A_40 = arith.constant 6 : i32
    %run_scoped3A_41 = arith.constant 6 : i32
    "tpu.region"() ({
      %run_scoped3A_86 = tpu.sem_alloc : memref<!tpu.dma_semaphore, #tpu.memory_space<semaphore_mem>>
      %dma_start3A = arith.constant 0 : i32
      %dma_start3A_87 = tpu.memref_slice %arg6[%run_scoped3A_41, %dma_start3A] : memref<16x640xf32, #tpu.memory_space<vmem>> -> memref<1x640xf32, #tpu.memory_space<vmem>>
      %dma_start3A_88 = tpu.memref_squeeze %dma_start3A_87 : memref<1x640xf32, #tpu.memory_space<vmem>> -> memref<640xf32, #tpu.memory_space<vmem>>
      %dma_start3A_89 = tpu.memref_slice %arg8[%run_scoped3A_40, %mul3A_39] : memref<16x10240xf32, #tpu.memory_space<vmem_shared>> -> memref<1x640xf32, #tpu.memory_space<vmem_shared>>
      %dma_start3A_90 = tpu.memref_squeeze %dma_start3A_89 : memref<1x640xf32, #tpu.memory_space<vmem_shared>> -> memref<640xf32, #tpu.memory_space<vmem_shared>>
      %dma_start3A_91 = arith.constant 0 : i32
      %dma_start3A_92 = tpu.memref_slice %arg6[%run_scoped3A_41, %dma_start3A_91] : memref<16x640xf32, #tpu.memory_space<vmem>> -> memref<1x640xf32, #tpu.memory_space<vmem>>
      %dma_start3A_93 = tpu.memref_squeeze %dma_start3A_92 : memref<1x640xf32, #tpu.memory_space<vmem>> -> memref<640xf32, #tpu.memory_space<vmem>>
      %dma_start3A_94 = tpu.memref_slice %arg8[%run_scoped3A_40, %mul3A_39] : memref<16x10240xf32, #tpu.memory_space<vmem_shared>> -> memref<1x640xf32, #tpu.memory_space<vmem_shared>>
      %dma_start3A_95 = tpu.memref_squeeze %dma_start3A_94 : memref<1x640xf32, #tpu.memory_space<vmem_shared>> -> memref<640xf32, #tpu.memory_space<vmem_shared>>
      tpu.enqueue_dma source(%dma_start3A_95 : memref<640xf32, #tpu.memory_space<vmem_shared>>) target(%dma_start3A_93 : memref<640xf32, #tpu.memory_space<vmem>>) target_semaphore(%run_scoped3A_86 : memref<!tpu.dma_semaphore, #tpu.memory_space<semaphore_mem>>)
      %dma_wait3A = arith.constant 0 : i32
      %dma_wait3A_96 = tpu.memref_slice %arg6[%run_scoped3A_41, %dma_wait3A] : memref<16x640xf32, #tpu.memory_space<vmem>> -> memref<1x640xf32, #tpu.memory_space<vmem>>
      %dma_wait3A_97 = tpu.memref_squeeze %dma_wait3A_96 : memref<1x640xf32, #tpu.memory_space<vmem>> -> memref<640xf32, #tpu.memory_space<vmem>>
      %dma_wait3A_98 = tpu.memref_slice %arg8[%run_scoped3A_40, %mul3A_39] : memref<16x10240xf32, #tpu.memory_space<vmem_shared>> -> memref<1x640xf32, #tpu.memory_space<vmem_shared>>
      %dma_wait3A_99 = tpu.memref_squeeze %dma_wait3A_98 : memref<1x640xf32, #tpu.memory_space<vmem_shared>> -> memref<640xf32, #tpu.memory_space<vmem_shared>>
      %dma_wait3A_100 = arith.constant 0 : i32
      %dma_wait3A_101 = tpu.memref_slice %arg6[%run_scoped3A_41, %dma_wait3A_100] : memref<16x640xf32, #tpu.memory_space<vmem>> -> memref<1x640xf32, #tpu.memory_space<vmem>>
      %dma_wait3A_102 = tpu.memref_squeeze %dma_wait3A_101 : memref<1x640xf32, #tpu.memory_space<vmem>> -> memref<640xf32, #tpu.memory_space<vmem>>
      %dma_wait3A_103 = tpu.memref_slice %arg8[%run_scoped3A_40, %mul3A_39] : memref<16x10240xf32, #tpu.memory_space<vmem_shared>> -> memref<1x640xf32, #tpu.memory_space<vmem_shared>>
      %dma_wait3A_104 = tpu.memref_squeeze %dma_wait3A_103 : memref<1x640xf32, #tpu.memory_space<vmem_shared>> -> memref<640xf32, #tpu.memory_space<vmem_shared>>
      tpu.wait_dma2 semaphore(%run_scoped3A_86 : memref<!tpu.dma_semaphore, #tpu.memory_space<semaphore_mem>>) src(%dma_wait3A_104 : memref<640xf32, #tpu.memory_space<vmem_shared>>) dst(%dma_wait3A_102 : memref<640xf32, #tpu.memory_space<vmem>>)
      tpu.yield
    }) : () -> ()
    %mul3A_42 = arith.constant 640 : i32
    %mul3A_43 = arith.muli %arg1, %mul3A_42 : i32
    %run_scoped3A_44 = arith.constant 7 : i32
    %run_scoped3A_45 = arith.constant 7 : i32
    "tpu.region"() ({
      %run_scoped3A_86 = tpu.sem_alloc : memref<!tpu.dma_semaphore, #tpu.memory_space<semaphore_mem>>
      %dma_start3A = arith.constant 0 : i32
      %dma_start3A_87 = tpu.memref_slice %arg6[%run_scoped3A_45, %dma_start3A] : memref<16x640xf32, #tpu.memory_space<vmem>> -> memref<1x640xf32, #tpu.memory_space<vmem>>
      %dma_start3A_88 = tpu.memref_squeeze %dma_start3A_87 : memref<1x640xf32, #tpu.memory_space<vmem>> -> memref<640xf32, #tpu.memory_space<vmem>>
      %dma_start3A_89 = tpu.memref_slice %arg8[%run_scoped3A_44, %mul3A_43] : memref<16x10240xf32, #tpu.memory_space<vmem_shared>> -> memref<1x640xf32, #tpu.memory_space<vmem_shared>>
      %dma_start3A_90 = tpu.memref_squeeze %dma_start3A_89 : memref<1x640xf32, #tpu.memory_space<vmem_shared>> -> memref<640xf32, #tpu.memory_space<vmem_shared>>
      %dma_start3A_91 = arith.constant 0 : i32
      %dma_start3A_92 = tpu.memref_slice %arg6[%run_scoped3A_45, %dma_start3A_91] : memref<16x640xf32, #tpu.memory_space<vmem>> -> memref<1x640xf32, #tpu.memory_space<vmem>>
      %dma_start3A_93 = tpu.memref_squeeze %dma_start3A_92 : memref<1x640xf32, #tpu.memory_space<vmem>> -> memref<640xf32, #tpu.memory_space<vmem>>
      %dma_start3A_94 = tpu.memref_slice %arg8[%run_scoped3A_44, %mul3A_43] : memref<16x10240xf32, #tpu.memory_space<vmem_shared>> -> memref<1x640xf32, #tpu.memory_space<vmem_shared>>
      %dma_start3A_95 = tpu.memref_squeeze %dma_start3A_94 : memref<1x640xf32, #tpu.memory_space<vmem_shared>> -> memref<640xf32, #tpu.memory_space<vmem_shared>>
      tpu.enqueue_dma source(%dma_start3A_95 : memref<640xf32, #tpu.memory_space<vmem_shared>>) target(%dma_start3A_93 : memref<640xf32, #tpu.memory_space<vmem>>) target_semaphore(%run_scoped3A_86 : memref<!tpu.dma_semaphore, #tpu.memory_space<semaphore_mem>>)
      %dma_wait3A = arith.constant 0 : i32
      %dma_wait3A_96 = tpu.memref_slice %arg6[%run_scoped3A_45, %dma_wait3A] : memref<16x640xf32, #tpu.memory_space<vmem>> -> memref<1x640xf32, #tpu.memory_space<vmem>>
      %dma_wait3A_97 = tpu.memref_squeeze %dma_wait3A_96 : memref<1x640xf32, #tpu.memory_space<vmem>> -> memref<640xf32, #tpu.memory_space<vmem>>
      %dma_wait3A_98 = tpu.memref_slice %arg8[%run_scoped3A_44, %mul3A_43] : memref<16x10240xf32, #tpu.memory_space<vmem_shared>> -> memref<1x640xf32, #tpu.memory_space<vmem_shared>>
      %dma_wait3A_99 = tpu.memref_squeeze %dma_wait3A_98 : memref<1x640xf32, #tpu.memory_space<vmem_shared>> -> memref<640xf32, #tpu.memory_space<vmem_shared>>
      %dma_wait3A_100 = arith.constant 0 : i32
      %dma_wait3A_101 = tpu.memref_slice %arg6[%run_scoped3A_45, %dma_wait3A_100] : memref<16x640xf32, #tpu.memory_space<vmem>> -> memref<1x640xf32, #tpu.memory_space<vmem>>
      %dma_wait3A_102 = tpu.memref_squeeze %dma_wait3A_101 : memref<1x640xf32, #tpu.memory_space<vmem>> -> memref<640xf32, #tpu.memory_space<vmem>>
      %dma_wait3A_103 = tpu.memref_slice %arg8[%run_scoped3A_44, %mul3A_43] : memref<16x10240xf32, #tpu.memory_space<vmem_shared>> -> memref<1x640xf32, #tpu.memory_space<vmem_shared>>
      %dma_wait3A_104 = tpu.memref_squeeze %dma_wait3A_103 : memref<1x640xf32, #tpu.memory_space<vmem_shared>> -> memref<640xf32, #tpu.memory_space<vmem_shared>>
      tpu.wait_dma2 semaphore(%run_scoped3A_86 : memref<!tpu.dma_semaphore, #tpu.memory_space<semaphore_mem>>) src(%dma_wait3A_104 : memref<640xf32, #tpu.memory_space<vmem_shared>>) dst(%dma_wait3A_102 : memref<640xf32, #tpu.memory_space<vmem>>)
      tpu.yield
    }) : () -> ()
    %mul3A_46 = arith.constant 640 : i32
    %mul3A_47 = arith.muli %arg1, %mul3A_46 : i32
    %run_scoped3A_48 = arith.constant 8 : i32
    %run_scoped3A_49 = arith.constant 8 : i32
    "tpu.region"() ({
      %run_scoped3A_86 = tpu.sem_alloc : memref<!tpu.dma_semaphore, #tpu.memory_space<semaphore_mem>>
      %dma_start3A = arith.constant 0 : i32
      %dma_start3A_87 = tpu.memref_slice %arg6[%run_scoped3A_49, %dma_start3A] : memref<16x640xf32, #tpu.memory_space<vmem>> -> memref<1x640xf32, #tpu.memory_space<vmem>>
      %dma_start3A_88 = tpu.memref_squeeze %dma_start3A_87 : memref<1x640xf32, #tpu.memory_space<vmem>> -> memref<640xf32, #tpu.memory_space<vmem>>
      %dma_start3A_89 = tpu.memref_slice %arg8[%run_scoped3A_48, %mul3A_47] : memref<16x10240xf32, #tpu.memory_space<vmem_shared>> -> memref<1x640xf32, #tpu.memory_space<vmem_shared>>
      %dma_start3A_90 = tpu.memref_squeeze %dma_start3A_89 : memref<1x640xf32, #tpu.memory_space<vmem_shared>> -> memref<640xf32, #tpu.memory_space<vmem_shared>>
      %dma_start3A_91 = arith.constant 0 : i32
      %dma_start3A_92 = tpu.memref_slice %arg6[%run_scoped3A_49, %dma_start3A_91] : memref<16x640xf32, #tpu.memory_space<vmem>> -> memref<1x640xf32, #tpu.memory_space<vmem>>
      %dma_start3A_93 = tpu.memref_squeeze %dma_start3A_92 : memref<1x640xf32, #tpu.memory_space<vmem>> -> memref<640xf32, #tpu.memory_space<vmem>>
      %dma_start3A_94 = tpu.memref_slice %arg8[%run_scoped3A_48, %mul3A_47] : memref<16x10240xf32, #tpu.memory_space<vmem_shared>> -> memref<1x640xf32, #tpu.memory_space<vmem_shared>>
      %dma_start3A_95 = tpu.memref_squeeze %dma_start3A_94 : memref<1x640xf32, #tpu.memory_space<vmem_shared>> -> memref<640xf32, #tpu.memory_space<vmem_shared>>
      tpu.enqueue_dma source(%dma_start3A_95 : memref<640xf32, #tpu.memory_space<vmem_shared>>) target(%dma_start3A_93 : memref<640xf32, #tpu.memory_space<vmem>>) target_semaphore(%run_scoped3A_86 : memref<!tpu.dma_semaphore, #tpu.memory_space<semaphore_mem>>)
      %dma_wait3A = arith.constant 0 : i32
      %dma_wait3A_96 = tpu.memref_slice %arg6[%run_scoped3A_49, %dma_wait3A] : memref<16x640xf32, #tpu.memory_space<vmem>> -> memref<1x640xf32, #tpu.memory_space<vmem>>
      %dma_wait3A_97 = tpu.memref_squeeze %dma_wait3A_96 : memref<1x640xf32, #tpu.memory_space<vmem>> -> memref<640xf32, #tpu.memory_space<vmem>>
      %dma_wait3A_98 = tpu.memref_slice %arg8[%run_scoped3A_48, %mul3A_47] : memref<16x10240xf32, #tpu.memory_space<vmem_shared>> -> memref<1x640xf32, #tpu.memory_space<vmem_shared>>
      %dma_wait3A_99 = tpu.memref_squeeze %dma_wait3A_98 : memref<1x640xf32, #tpu.memory_space<vmem_shared>> -> memref<640xf32, #tpu.memory_space<vmem_shared>>
      %dma_wait3A_100 = arith.constant 0 : i32
      %dma_wait3A_101 = tpu.memref_slice %arg6[%run_scoped3A_49, %dma_wait3A_100] : memref<16x640xf32, #tpu.memory_space<vmem>> -> memref<1x640xf32, #tpu.memory_space<vmem>>
      %dma_wait3A_102 = tpu.memref_squeeze %dma_wait3A_101 : memref<1x640xf32, #tpu.memory_space<vmem>> -> memref<640xf32, #tpu.memory_space<vmem>>
      %dma_wait3A_103 = tpu.memref_slice %arg8[%run_scoped3A_48, %mul3A_47] : memref<16x10240xf32, #tpu.memory_space<vmem_shared>> -> memref<1x640xf32, #tpu.memory_space<vmem_shared>>
      %dma_wait3A_104 = tpu.memref_squeeze %dma_wait3A_103 : memref<1x640xf32, #tpu.memory_space<vmem_shared>> -> memref<640xf32, #tpu.memory_space<vmem_shared>>
      tpu.wait_dma2 semaphore(%run_scoped3A_86 : memref<!tpu.dma_semaphore, #tpu.memory_space<semaphore_mem>>) src(%dma_wait3A_104 : memref<640xf32, #tpu.memory_space<vmem_shared>>) dst(%dma_wait3A_102 : memref<640xf32, #tpu.memory_space<vmem>>)
      tpu.yield
    }) : () -> ()
    %mul3A_50 = arith.constant 640 : i32
    %mul3A_51 = arith.muli %arg1, %mul3A_50 : i32
    %run_scoped3A_52 = arith.constant 9 : i32
    %run_scoped3A_53 = arith.constant 9 : i32
    "tpu.region"() ({
      %run_scoped3A_86 = tpu.sem_alloc : memref<!tpu.dma_semaphore, #tpu.memory_space<semaphore_mem>>
      %dma_start3A = arith.constant 0 : i32
      %dma_start3A_87 = tpu.memref_slice %arg6[%run_scoped3A_53, %dma_start3A] : memref<16x640xf32, #tpu.memory_space<vmem>> -> memref<1x640xf32, #tpu.memory_space<vmem>>
      %dma_start3A_88 = tpu.memref_squeeze %dma_start3A_87 : memref<1x640xf32, #tpu.memory_space<vmem>> -> memref<640xf32, #tpu.memory_space<vmem>>
      %dma_start3A_89 = tpu.memref_slice %arg8[%run_scoped3A_52, %mul3A_51] : memref<16x10240xf32, #tpu.memory_space<vmem_shared>> -> memref<1x640xf32, #tpu.memory_space<vmem_shared>>
      %dma_start3A_90 = tpu.memref_squeeze %dma_start3A_89 : memref<1x640xf32, #tpu.memory_space<vmem_shared>> -> memref<640xf32, #tpu.memory_space<vmem_shared>>
      %dma_start3A_91 = arith.constant 0 : i32
      %dma_start3A_92 = tpu.memref_slice %arg6[%run_scoped3A_53, %dma_start3A_91] : memref<16x640xf32, #tpu.memory_space<vmem>> -> memref<1x640xf32, #tpu.memory_space<vmem>>
      %dma_start3A_93 = tpu.memref_squeeze %dma_start3A_92 : memref<1x640xf32, #tpu.memory_space<vmem>> -> memref<640xf32, #tpu.memory_space<vmem>>
      %dma_start3A_94 = tpu.memref_slice %arg8[%run_scoped3A_52, %mul3A_51] : memref<16x10240xf32, #tpu.memory_space<vmem_shared>> -> memref<1x640xf32, #tpu.memory_space<vmem_shared>>
      %dma_start3A_95 = tpu.memref_squeeze %dma_start3A_94 : memref<1x640xf32, #tpu.memory_space<vmem_shared>> -> memref<640xf32, #tpu.memory_space<vmem_shared>>
      tpu.enqueue_dma source(%dma_start3A_95 : memref<640xf32, #tpu.memory_space<vmem_shared>>) target(%dma_start3A_93 : memref<640xf32, #tpu.memory_space<vmem>>) target_semaphore(%run_scoped3A_86 : memref<!tpu.dma_semaphore, #tpu.memory_space<semaphore_mem>>)
      %dma_wait3A = arith.constant 0 : i32
      %dma_wait3A_96 = tpu.memref_slice %arg6[%run_scoped3A_53, %dma_wait3A] : memref<16x640xf32, #tpu.memory_space<vmem>> -> memref<1x640xf32, #tpu.memory_space<vmem>>
      %dma_wait3A_97 = tpu.memref_squeeze %dma_wait3A_96 : memref<1x640xf32, #tpu.memory_space<vmem>> -> memref<640xf32, #tpu.memory_space<vmem>>
      %dma_wait3A_98 = tpu.memref_slice %arg8[%run_scoped3A_52, %mul3A_51] : memref<16x10240xf32, #tpu.memory_space<vmem_shared>> -> memref<1x640xf32, #tpu.memory_space<vmem_shared>>
      %dma_wait3A_99 = tpu.memref_squeeze %dma_wait3A_98 : memref<1x640xf32, #tpu.memory_space<vmem_shared>> -> memref<640xf32, #tpu.memory_space<vmem_shared>>
      %dma_wait3A_100 = arith.constant 0 : i32
      %dma_wait3A_101 = tpu.memref_slice %arg6[%run_scoped3A_53, %dma_wait3A_100] : memref<16x640xf32, #tpu.memory_space<vmem>> -> memref<1x640xf32, #tpu.memory_space<vmem>>
      %dma_wait3A_102 = tpu.memref_squeeze %dma_wait3A_101 : memref<1x640xf32, #tpu.memory_space<vmem>> -> memref<640xf32, #tpu.memory_space<vmem>>
      %dma_wait3A_103 = tpu.memref_slice %arg8[%run_scoped3A_52, %mul3A_51] : memref<16x10240xf32, #tpu.memory_space<vmem_shared>> -> memref<1x640xf32, #tpu.memory_space<vmem_shared>>
      %dma_wait3A_104 = tpu.memref_squeeze %dma_wait3A_103 : memref<1x640xf32, #tpu.memory_space<vmem_shared>> -> memref<640xf32, #tpu.memory_space<vmem_shared>>
      tpu.wait_dma2 semaphore(%run_scoped3A_86 : memref<!tpu.dma_semaphore, #tpu.memory_space<semaphore_mem>>) src(%dma_wait3A_104 : memref<640xf32, #tpu.memory_space<vmem_shared>>) dst(%dma_wait3A_102 : memref<640xf32, #tpu.memory_space<vmem>>)
      tpu.yield
    }) : () -> ()
    %mul3A_54 = arith.constant 640 : i32
    %mul3A_55 = arith.muli %arg1, %mul3A_54 : i32
    %run_scoped3A_56 = arith.constant 10 : i32
    %run_scoped3A_57 = arith.constant 10 : i32
    "tpu.region"() ({
      %run_scoped3A_86 = tpu.sem_alloc : memref<!tpu.dma_semaphore, #tpu.memory_space<semaphore_mem>>
      %dma_start3A = arith.constant 0 : i32
      %dma_start3A_87 = tpu.memref_slice %arg6[%run_scoped3A_57, %dma_start3A] : memref<16x640xf32, #tpu.memory_space<vmem>> -> memref<1x640xf32, #tpu.memory_space<vmem>>
      %dma_start3A_88 = tpu.memref_squeeze %dma_start3A_87 : memref<1x640xf32, #tpu.memory_space<vmem>> -> memref<640xf32, #tpu.memory_space<vmem>>
      %dma_start3A_89 = tpu.memref_slice %arg8[%run_scoped3A_56, %mul3A_55] : memref<16x10240xf32, #tpu.memory_space<vmem_shared>> -> memref<1x640xf32, #tpu.memory_space<vmem_shared>>
      %dma_start3A_90 = tpu.memref_squeeze %dma_start3A_89 : memref<1x640xf32, #tpu.memory_space<vmem_shared>> -> memref<640xf32, #tpu.memory_space<vmem_shared>>
      %dma_start3A_91 = arith.constant 0 : i32
      %dma_start3A_92 = tpu.memref_slice %arg6[%run_scoped3A_57, %dma_start3A_91] : memref<16x640xf32, #tpu.memory_space<vmem>> -> memref<1x640xf32, #tpu.memory_space<vmem>>
      %dma_start3A_93 = tpu.memref_squeeze %dma_start3A_92 : memref<1x640xf32, #tpu.memory_space<vmem>> -> memref<640xf32, #tpu.memory_space<vmem>>
      %dma_start3A_94 = tpu.memref_slice %arg8[%run_scoped3A_56, %mul3A_55] : memref<16x10240xf32, #tpu.memory_space<vmem_shared>> -> memref<1x640xf32, #tpu.memory_space<vmem_shared>>
      %dma_start3A_95 = tpu.memref_squeeze %dma_start3A_94 : memref<1x640xf32, #tpu.memory_space<vmem_shared>> -> memref<640xf32, #tpu.memory_space<vmem_shared>>
      tpu.enqueue_dma source(%dma_start3A_95 : memref<640xf32, #tpu.memory_space<vmem_shared>>) target(%dma_start3A_93 : memref<640xf32, #tpu.memory_space<vmem>>) target_semaphore(%run_scoped3A_86 : memref<!tpu.dma_semaphore, #tpu.memory_space<semaphore_mem>>)
      %dma_wait3A = arith.constant 0 : i32
      %dma_wait3A_96 = tpu.memref_slice %arg6[%run_scoped3A_57, %dma_wait3A] : memref<16x640xf32, #tpu.memory_space<vmem>> -> memref<1x640xf32, #tpu.memory_space<vmem>>
      %dma_wait3A_97 = tpu.memref_squeeze %dma_wait3A_96 : memref<1x640xf32, #tpu.memory_space<vmem>> -> memref<640xf32, #tpu.memory_space<vmem>>
      %dma_wait3A_98 = tpu.memref_slice %arg8[%run_scoped3A_56, %mul3A_55] : memref<16x10240xf32, #tpu.memory_space<vmem_shared>> -> memref<1x640xf32, #tpu.memory_space<vmem_shared>>
      %dma_wait3A_99 = tpu.memref_squeeze %dma_wait3A_98 : memref<1x640xf32, #tpu.memory_space<vmem_shared>> -> memref<640xf32, #tpu.memory_space<vmem_shared>>
      %dma_wait3A_100 = arith.constant 0 : i32
      %dma_wait3A_101 = tpu.memref_slice %arg6[%run_scoped3A_57, %dma_wait3A_100] : memref<16x640xf32, #tpu.memory_space<vmem>> -> memref<1x640xf32, #tpu.memory_space<vmem>>
      %dma_wait3A_102 = tpu.memref_squeeze %dma_wait3A_101 : memref<1x640xf32, #tpu.memory_space<vmem>> -> memref<640xf32, #tpu.memory_space<vmem>>
      %dma_wait3A_103 = tpu.memref_slice %arg8[%run_scoped3A_56, %mul3A_55] : memref<16x10240xf32, #tpu.memory_space<vmem_shared>> -> memref<1x640xf32, #tpu.memory_space<vmem_shared>>
      %dma_wait3A_104 = tpu.memref_squeeze %dma_wait3A_103 : memref<1x640xf32, #tpu.memory_space<vmem_shared>> -> memref<640xf32, #tpu.memory_space<vmem_shared>>
      tpu.wait_dma2 semaphore(%run_scoped3A_86 : memref<!tpu.dma_semaphore, #tpu.memory_space<semaphore_mem>>) src(%dma_wait3A_104 : memref<640xf32, #tpu.memory_space<vmem_shared>>) dst(%dma_wait3A_102 : memref<640xf32, #tpu.memory_space<vmem>>)
      tpu.yield
    }) : () -> ()
    %mul3A_58 = arith.constant 640 : i32
    %mul3A_59 = arith.muli %arg1, %mul3A_58 : i32
    %run_scoped3A_60 = arith.constant 11 : i32
    %run_scoped3A_61 = arith.constant 11 : i32
    "tpu.region"() ({
      %run_scoped3A_86 = tpu.sem_alloc : memref<!tpu.dma_semaphore, #tpu.memory_space<semaphore_mem>>
      %dma_start3A = arith.constant 0 : i32
      %dma_start3A_87 = tpu.memref_slice %arg6[%run_scoped3A_61, %dma_start3A] : memref<16x640xf32, #tpu.memory_space<vmem>> -> memref<1x640xf32, #tpu.memory_space<vmem>>
      %dma_start3A_88 = tpu.memref_squeeze %dma_start3A_87 : memref<1x640xf32, #tpu.memory_space<vmem>> -> memref<640xf32, #tpu.memory_space<vmem>>
      %dma_start3A_89 = tpu.memref_slice %arg8[%run_scoped3A_60, %mul3A_59] : memref<16x10240xf32, #tpu.memory_space<vmem_shared>> -> memref<1x640xf32, #tpu.memory_space<vmem_shared>>
      %dma_start3A_90 = tpu.memref_squeeze %dma_start3A_89 : memref<1x640xf32, #tpu.memory_space<vmem_shared>> -> memref<640xf32, #tpu.memory_space<vmem_shared>>
      %dma_start3A_91 = arith.constant 0 : i32
      %dma_start3A_92 = tpu.memref_slice %arg6[%run_scoped3A_61, %dma_start3A_91] : memref<16x640xf32, #tpu.memory_space<vmem>> -> memref<1x640xf32, #tpu.memory_space<vmem>>
      %dma_start3A_93 = tpu.memref_squeeze %dma_start3A_92 : memref<1x640xf32, #tpu.memory_space<vmem>> -> memref<640xf32, #tpu.memory_space<vmem>>
      %dma_start3A_94 = tpu.memref_slice %arg8[%run_scoped3A_60, %mul3A_59] : memref<16x10240xf32, #tpu.memory_space<vmem_shared>> -> memref<1x640xf32, #tpu.memory_space<vmem_shared>>
      %dma_start3A_95 = tpu.memref_squeeze %dma_start3A_94 : memref<1x640xf32, #tpu.memory_space<vmem_shared>> -> memref<640xf32, #tpu.memory_space<vmem_shared>>
      tpu.enqueue_dma source(%dma_start3A_95 : memref<640xf32, #tpu.memory_space<vmem_shared>>) target(%dma_start3A_93 : memref<640xf32, #tpu.memory_space<vmem>>) target_semaphore(%run_scoped3A_86 : memref<!tpu.dma_semaphore, #tpu.memory_space<semaphore_mem>>)
      %dma_wait3A = arith.constant 0 : i32
      %dma_wait3A_96 = tpu.memref_slice %arg6[%run_scoped3A_61, %dma_wait3A] : memref<16x640xf32, #tpu.memory_space<vmem>> -> memref<1x640xf32, #tpu.memory_space<vmem>>
      %dma_wait3A_97 = tpu.memref_squeeze %dma_wait3A_96 : memref<1x640xf32, #tpu.memory_space<vmem>> -> memref<640xf32, #tpu.memory_space<vmem>>
      %dma_wait3A_98 = tpu.memref_slice %arg8[%run_scoped3A_60, %mul3A_59] : memref<16x10240xf32, #tpu.memory_space<vmem_shared>> -> memref<1x640xf32, #tpu.memory_space<vmem_shared>>
      %dma_wait3A_99 = tpu.memref_squeeze %dma_wait3A_98 : memref<1x640xf32, #tpu.memory_space<vmem_shared>> -> memref<640xf32, #tpu.memory_space<vmem_shared>>
      %dma_wait3A_100 = arith.constant 0 : i32
      %dma_wait3A_101 = tpu.memref_slice %arg6[%run_scoped3A_61, %dma_wait3A_100] : memref<16x640xf32, #tpu.memory_space<vmem>> -> memref<1x640xf32, #tpu.memory_space<vmem>>
      %dma_wait3A_102 = tpu.memref_squeeze %dma_wait3A_101 : memref<1x640xf32, #tpu.memory_space<vmem>> -> memref<640xf32, #tpu.memory_space<vmem>>
      %dma_wait3A_103 = tpu.memref_slice %arg8[%run_scoped3A_60, %mul3A_59] : memref<16x10240xf32, #tpu.memory_space<vmem_shared>> -> memref<1x640xf32, #tpu.memory_space<vmem_shared>>
      %dma_wait3A_104 = tpu.memref_squeeze %dma_wait3A_103 : memref<1x640xf32, #tpu.memory_space<vmem_shared>> -> memref<640xf32, #tpu.memory_space<vmem_shared>>
      tpu.wait_dma2 semaphore(%run_scoped3A_86 : memref<!tpu.dma_semaphore, #tpu.memory_space<semaphore_mem>>) src(%dma_wait3A_104 : memref<640xf32, #tpu.memory_space<vmem_shared>>) dst(%dma_wait3A_102 : memref<640xf32, #tpu.memory_space<vmem>>)
      tpu.yield
    }) : () -> ()
    %mul3A_62 = arith.constant 640 : i32
    %mul3A_63 = arith.muli %arg1, %mul3A_62 : i32
    %run_scoped3A_64 = arith.constant 12 : i32
    %run_scoped3A_65 = arith.constant 12 : i32
    "tpu.region"() ({
      %run_scoped3A_86 = tpu.sem_alloc : memref<!tpu.dma_semaphore, #tpu.memory_space<semaphore_mem>>
      %dma_start3A = arith.constant 0 : i32
      %dma_start3A_87 = tpu.memref_slice %arg6[%run_scoped3A_65, %dma_start3A] : memref<16x640xf32, #tpu.memory_space<vmem>> -> memref<1x640xf32, #tpu.memory_space<vmem>>
      %dma_start3A_88 = tpu.memref_squeeze %dma_start3A_87 : memref<1x640xf32, #tpu.memory_space<vmem>> -> memref<640xf32, #tpu.memory_space<vmem>>
      %dma_start3A_89 = tpu.memref_slice %arg8[%run_scoped3A_64, %mul3A_63] : memref<16x10240xf32, #tpu.memory_space<vmem_shared>> -> memref<1x640xf32, #tpu.memory_space<vmem_shared>>
      %dma_start3A_90 = tpu.memref_squeeze %dma_start3A_89 : memref<1x640xf32, #tpu.memory_space<vmem_shared>> -> memref<640xf32, #tpu.memory_space<vmem_shared>>
      %dma_start3A_91 = arith.constant 0 : i32
      %dma_start3A_92 = tpu.memref_slice %arg6[%run_scoped3A_65, %dma_start3A_91] : memref<16x640xf32, #tpu.memory_space<vmem>> -> memref<1x640xf32, #tpu.memory_space<vmem>>
      %dma_start3A_93 = tpu.memref_squeeze %dma_start3A_92 : memref<1x640xf32, #tpu.memory_space<vmem>> -> memref<640xf32, #tpu.memory_space<vmem>>
      %dma_start3A_94 = tpu.memref_slice %arg8[%run_scoped3A_64, %mul3A_63] : memref<16x10240xf32, #tpu.memory_space<vmem_shared>> -> memref<1x640xf32, #tpu.memory_space<vmem_shared>>
      %dma_start3A_95 = tpu.memref_squeeze %dma_start3A_94 : memref<1x640xf32, #tpu.memory_space<vmem_shared>> -> memref<640xf32, #tpu.memory_space<vmem_shared>>
      tpu.enqueue_dma source(%dma_start3A_95 : memref<640xf32, #tpu.memory_space<vmem_shared>>) target(%dma_start3A_93 : memref<640xf32, #tpu.memory_space<vmem>>) target_semaphore(%run_scoped3A_86 : memref<!tpu.dma_semaphore, #tpu.memory_space<semaphore_mem>>)
      %dma_wait3A = arith.constant 0 : i32
      %dma_wait3A_96 = tpu.memref_slice %arg6[%run_scoped3A_65, %dma_wait3A] : memref<16x640xf32, #tpu.memory_space<vmem>> -> memref<1x640xf32, #tpu.memory_space<vmem>>
      %dma_wait3A_97 = tpu.memref_squeeze %dma_wait3A_96 : memref<1x640xf32, #tpu.memory_space<vmem>> -> memref<640xf32, #tpu.memory_space<vmem>>
      %dma_wait3A_98 = tpu.memref_slice %arg8[%run_scoped3A_64, %mul3A_63] : memref<16x10240xf32, #tpu.memory_space<vmem_shared>> -> memref<1x640xf32, #tpu.memory_space<vmem_shared>>
      %dma_wait3A_99 = tpu.memref_squeeze %dma_wait3A_98 : memref<1x640xf32, #tpu.memory_space<vmem_shared>> -> memref<640xf32, #tpu.memory_space<vmem_shared>>
      %dma_wait3A_100 = arith.constant 0 : i32
      %dma_wait3A_101 = tpu.memref_slice %arg6[%run_scoped3A_65, %dma_wait3A_100] : memref<16x640xf32, #tpu.memory_space<vmem>> -> memref<1x640xf32, #tpu.memory_space<vmem>>
      %dma_wait3A_102 = tpu.memref_squeeze %dma_wait3A_101 : memref<1x640xf32, #tpu.memory_space<vmem>> -> memref<640xf32, #tpu.memory_space<vmem>>
      %dma_wait3A_103 = tpu.memref_slice %arg8[%run_scoped3A_64, %mul3A_63] : memref<16x10240xf32, #tpu.memory_space<vmem_shared>> -> memref<1x640xf32, #tpu.memory_space<vmem_shared>>
      %dma_wait3A_104 = tpu.memref_squeeze %dma_wait3A_103 : memref<1x640xf32, #tpu.memory_space<vmem_shared>> -> memref<640xf32, #tpu.memory_space<vmem_shared>>
      tpu.wait_dma2 semaphore(%run_scoped3A_86 : memref<!tpu.dma_semaphore, #tpu.memory_space<semaphore_mem>>) src(%dma_wait3A_104 : memref<640xf32, #tpu.memory_space<vmem_shared>>) dst(%dma_wait3A_102 : memref<640xf32, #tpu.memory_space<vmem>>)
      tpu.yield
    }) : () -> ()
    %mul3A_66 = arith.constant 640 : i32
    %mul3A_67 = arith.muli %arg1, %mul3A_66 : i32
    %run_scoped3A_68 = arith.constant 13 : i32
    %run_scoped3A_69 = arith.constant 13 : i32
    "tpu.region"() ({
      %run_scoped3A_86 = tpu.sem_alloc : memref<!tpu.dma_semaphore, #tpu.memory_space<semaphore_mem>>
      %dma_start3A = arith.constant 0 : i32
      %dma_start3A_87 = tpu.memref_slice %arg6[%run_scoped3A_69, %dma_start3A] : memref<16x640xf32, #tpu.memory_space<vmem>> -> memref<1x640xf32, #tpu.memory_space<vmem>>
      %dma_start3A_88 = tpu.memref_squeeze %dma_start3A_87 : memref<1x640xf32, #tpu.memory_space<vmem>> -> memref<640xf32, #tpu.memory_space<vmem>>
      %dma_start3A_89 = tpu.memref_slice %arg8[%run_scoped3A_68, %mul3A_67] : memref<16x10240xf32, #tpu.memory_space<vmem_shared>> -> memref<1x640xf32, #tpu.memory_space<vmem_shared>>
      %dma_start3A_90 = tpu.memref_squeeze %dma_start3A_89 : memref<1x640xf32, #tpu.memory_space<vmem_shared>> -> memref<640xf32, #tpu.memory_space<vmem_shared>>
      %dma_start3A_91 = arith.constant 0 : i32
      %dma_start3A_92 = tpu.memref_slice %arg6[%run_scoped3A_69, %dma_start3A_91] : memref<16x640xf32, #tpu.memory_space<vmem>> -> memref<1x640xf32, #tpu.memory_space<vmem>>
      %dma_start3A_93 = tpu.memref_squeeze %dma_start3A_92 : memref<1x640xf32, #tpu.memory_space<vmem>> -> memref<640xf32, #tpu.memory_space<vmem>>
      %dma_start3A_94 = tpu.memref_slice %arg8[%run_scoped3A_68, %mul3A_67] : memref<16x10240xf32, #tpu.memory_space<vmem_shared>> -> memref<1x640xf32, #tpu.memory_space<vmem_shared>>
      %dma_start3A_95 = tpu.memref_squeeze %dma_start3A_94 : memref<1x640xf32, #tpu.memory_space<vmem_shared>> -> memref<640xf32, #tpu.memory_space<vmem_shared>>
      tpu.enqueue_dma source(%dma_start3A_95 : memref<640xf32, #tpu.memory_space<vmem_shared>>) target(%dma_start3A_93 : memref<640xf32, #tpu.memory_space<vmem>>) target_semaphore(%run_scoped3A_86 : memref<!tpu.dma_semaphore, #tpu.memory_space<semaphore_mem>>)
      %dma_wait3A = arith.constant 0 : i32
      %dma_wait3A_96 = tpu.memref_slice %arg6[%run_scoped3A_69, %dma_wait3A] : memref<16x640xf32, #tpu.memory_space<vmem>> -> memref<1x640xf32, #tpu.memory_space<vmem>>
      %dma_wait3A_97 = tpu.memref_squeeze %dma_wait3A_96 : memref<1x640xf32, #tpu.memory_space<vmem>> -> memref<640xf32, #tpu.memory_space<vmem>>
      %dma_wait3A_98 = tpu.memref_slice %arg8[%run_scoped3A_68, %mul3A_67] : memref<16x10240xf32, #tpu.memory_space<vmem_shared>> -> memref<1x640xf32, #tpu.memory_space<vmem_shared>>
      %dma_wait3A_99 = tpu.memref_squeeze %dma_wait3A_98 : memref<1x640xf32, #tpu.memory_space<vmem_shared>> -> memref<640xf32, #tpu.memory_space<vmem_shared>>
      %dma_wait3A_100 = arith.constant 0 : i32
      %dma_wait3A_101 = tpu.memref_slice %arg6[%run_scoped3A_69, %dma_wait3A_100] : memref<16x640xf32, #tpu.memory_space<vmem>> -> memref<1x640xf32, #tpu.memory_space<vmem>>
      %dma_wait3A_102 = tpu.memref_squeeze %dma_wait3A_101 : memref<1x640xf32, #tpu.memory_space<vmem>> -> memref<640xf32, #tpu.memory_space<vmem>>
      %dma_wait3A_103 = tpu.memref_slice %arg8[%run_scoped3A_68, %mul3A_67] : memref<16x10240xf32, #tpu.memory_space<vmem_shared>> -> memref<1x640xf32, #tpu.memory_space<vmem_shared>>
      %dma_wait3A_104 = tpu.memref_squeeze %dma_wait3A_103 : memref<1x640xf32, #tpu.memory_space<vmem_shared>> -> memref<640xf32, #tpu.memory_space<vmem_shared>>
      tpu.wait_dma2 semaphore(%run_scoped3A_86 : memref<!tpu.dma_semaphore, #tpu.memory_space<semaphore_mem>>) src(%dma_wait3A_104 : memref<640xf32, #tpu.memory_space<vmem_shared>>) dst(%dma_wait3A_102 : memref<640xf32, #tpu.memory_space<vmem>>)
      tpu.yield
    }) : () -> ()
    %mul3A_70 = arith.constant 640 : i32
    %mul3A_71 = arith.muli %arg1, %mul3A_70 : i32
    %run_scoped3A_72 = arith.constant 14 : i32
    %run_scoped3A_73 = arith.constant 14 : i32
    "tpu.region"() ({
      %run_scoped3A_86 = tpu.sem_alloc : memref<!tpu.dma_semaphore, #tpu.memory_space<semaphore_mem>>
      %dma_start3A = arith.constant 0 : i32
      %dma_start3A_87 = tpu.memref_slice %arg6[%run_scoped3A_73, %dma_start3A] : memref<16x640xf32, #tpu.memory_space<vmem>> -> memref<1x640xf32, #tpu.memory_space<vmem>>
      %dma_start3A_88 = tpu.memref_squeeze %dma_start3A_87 : memref<1x640xf32, #tpu.memory_space<vmem>> -> memref<640xf32, #tpu.memory_space<vmem>>
      %dma_start3A_89 = tpu.memref_slice %arg8[%run_scoped3A_72, %mul3A_71] : memref<16x10240xf32, #tpu.memory_space<vmem_shared>> -> memref<1x640xf32, #tpu.memory_space<vmem_shared>>
      %dma_start3A_90 = tpu.memref_squeeze %dma_start3A_89 : memref<1x640xf32, #tpu.memory_space<vmem_shared>> -> memref<640xf32, #tpu.memory_space<vmem_shared>>
      %dma_start3A_91 = arith.constant 0 : i32
      %dma_start3A_92 = tpu.memref_slice %arg6[%run_scoped3A_73, %dma_start3A_91] : memref<16x640xf32, #tpu.memory_space<vmem>> -> memref<1x640xf32, #tpu.memory_space<vmem>>
      %dma_start3A_93 = tpu.memref_squeeze %dma_start3A_92 : memref<1x640xf32, #tpu.memory_space<vmem>> -> memref<640xf32, #tpu.memory_space<vmem>>
      %dma_start3A_94 = tpu.memref_slice %arg8[%run_scoped3A_72, %mul3A_71] : memref<16x10240xf32, #tpu.memory_space<vmem_shared>> -> memref<1x640xf32, #tpu.memory_space<vmem_shared>>
      %dma_start3A_95 = tpu.memref_squeeze %dma_start3A_94 : memref<1x640xf32, #tpu.memory_space<vmem_shared>> -> memref<640xf32, #tpu.memory_space<vmem_shared>>
      tpu.enqueue_dma source(%dma_start3A_95 : memref<640xf32, #tpu.memory_space<vmem_shared>>) target(%dma_start3A_93 : memref<640xf32, #tpu.memory_space<vmem>>) target_semaphore(%run_scoped3A_86 : memref<!tpu.dma_semaphore, #tpu.memory_space<semaphore_mem>>)
      %dma_wait3A = arith.constant 0 : i32
      %dma_wait3A_96 = tpu.memref_slice %arg6[%run_scoped3A_73, %dma_wait3A] : memref<16x640xf32, #tpu.memory_space<vmem>> -> memref<1x640xf32, #tpu.memory_space<vmem>>
      %dma_wait3A_97 = tpu.memref_squeeze %dma_wait3A_96 : memref<1x640xf32, #tpu.memory_space<vmem>> -> memref<640xf32, #tpu.memory_space<vmem>>
      %dma_wait3A_98 = tpu.memref_slice %arg8[%run_scoped3A_72, %mul3A_71] : memref<16x10240xf32, #tpu.memory_space<vmem_shared>> -> memref<1x640xf32, #tpu.memory_space<vmem_shared>>
      %dma_wait3A_99 = tpu.memref_squeeze %dma_wait3A_98 : memref<1x640xf32, #tpu.memory_space<vmem_shared>> -> memref<640xf32, #tpu.memory_space<vmem_shared>>
      %dma_wait3A_100 = arith.constant 0 : i32
      %dma_wait3A_101 = tpu.memref_slice %arg6[%run_scoped3A_73, %dma_wait3A_100] : memref<16x640xf32, #tpu.memory_space<vmem>> -> memref<1x640xf32, #tpu.memory_space<vmem>>
      %dma_wait3A_102 = tpu.memref_squeeze %dma_wait3A_101 : memref<1x640xf32, #tpu.memory_space<vmem>> -> memref<640xf32, #tpu.memory_space<vmem>>
      %dma_wait3A_103 = tpu.memref_slice %arg8[%run_scoped3A_72, %mul3A_71] : memref<16x10240xf32, #tpu.memory_space<vmem_shared>> -> memref<1x640xf32, #tpu.memory_space<vmem_shared>>
      %dma_wait3A_104 = tpu.memref_squeeze %dma_wait3A_103 : memref<1x640xf32, #tpu.memory_space<vmem_shared>> -> memref<640xf32, #tpu.memory_space<vmem_shared>>
      tpu.wait_dma2 semaphore(%run_scoped3A_86 : memref<!tpu.dma_semaphore, #tpu.memory_space<semaphore_mem>>) src(%dma_wait3A_104 : memref<640xf32, #tpu.memory_space<vmem_shared>>) dst(%dma_wait3A_102 : memref<640xf32, #tpu.memory_space<vmem>>)
      tpu.yield
    }) : () -> ()
    %mul3A_74 = arith.constant 640 : i32
    %mul3A_75 = arith.muli %arg1, %mul3A_74 : i32
    %run_scoped3A_76 = arith.constant 15 : i32
    %run_scoped3A_77 = arith.constant 15 : i32
    "tpu.region"() ({
      %run_scoped3A_86 = tpu.sem_alloc : memref<!tpu.dma_semaphore, #tpu.memory_space<semaphore_mem>>
      %dma_start3A = arith.constant 0 : i32
      %dma_start3A_87 = tpu.memref_slice %arg6[%run_scoped3A_77, %dma_start3A] : memref<16x640xf32, #tpu.memory_space<vmem>> -> memref<1x640xf32, #tpu.memory_space<vmem>>
      %dma_start3A_88 = tpu.memref_squeeze %dma_start3A_87 : memref<1x640xf32, #tpu.memory_space<vmem>> -> memref<640xf32, #tpu.memory_space<vmem>>
      %dma_start3A_89 = tpu.memref_slice %arg8[%run_scoped3A_76, %mul3A_75] : memref<16x10240xf32, #tpu.memory_space<vmem_shared>> -> memref<1x640xf32, #tpu.memory_space<vmem_shared>>
      %dma_start3A_90 = tpu.memref_squeeze %dma_start3A_89 : memref<1x640xf32, #tpu.memory_space<vmem_shared>> -> memref<640xf32, #tpu.memory_space<vmem_shared>>
      %dma_start3A_91 = arith.constant 0 : i32
      %dma_start3A_92 = tpu.memref_slice %arg6[%run_scoped3A_77, %dma_start3A_91] : memref<16x640xf32, #tpu.memory_space<vmem>> -> memref<1x640xf32, #tpu.memory_space<vmem>>
      %dma_start3A_93 = tpu.memref_squeeze %dma_start3A_92 : memref<1x640xf32, #tpu.memory_space<vmem>> -> memref<640xf32, #tpu.memory_space<vmem>>
      %dma_start3A_94 = tpu.memref_slice %arg8[%run_scoped3A_76, %mul3A_75] : memref<16x10240xf32, #tpu.memory_space<vmem_shared>> -> memref<1x640xf32, #tpu.memory_space<vmem_shared>>
      %dma_start3A_95 = tpu.memref_squeeze %dma_start3A_94 : memref<1x640xf32, #tpu.memory_space<vmem_shared>> -> memref<640xf32, #tpu.memory_space<vmem_shared>>
      tpu.enqueue_dma source(%dma_start3A_95 : memref<640xf32, #tpu.memory_space<vmem_shared>>) target(%dma_start3A_93 : memref<640xf32, #tpu.memory_space<vmem>>) target_semaphore(%run_scoped3A_86 : memref<!tpu.dma_semaphore, #tpu.memory_space<semaphore_mem>>)
      %dma_wait3A = arith.constant 0 : i32
      %dma_wait3A_96 = tpu.memref_slice %arg6[%run_scoped3A_77, %dma_wait3A] : memref<16x640xf32, #tpu.memory_space<vmem>> -> memref<1x640xf32, #tpu.memory_space<vmem>>
      %dma_wait3A_97 = tpu.memref_squeeze %dma_wait3A_96 : memref<1x640xf32, #tpu.memory_space<vmem>> -> memref<640xf32, #tpu.memory_space<vmem>>
      %dma_wait3A_98 = tpu.memref_slice %arg8[%run_scoped3A_76, %mul3A_75] : memref<16x10240xf32, #tpu.memory_space<vmem_shared>> -> memref<1x640xf32, #tpu.memory_space<vmem_shared>>
      %dma_wait3A_99 = tpu.memref_squeeze %dma_wait3A_98 : memref<1x640xf32, #tpu.memory_space<vmem_shared>> -> memref<640xf32, #tpu.memory_space<vmem_shared>>
      %dma_wait3A_100 = arith.constant 0 : i32
      %dma_wait3A_101 = tpu.memref_slice %arg6[%run_scoped3A_77, %dma_wait3A_100] : memref<16x640xf32, #tpu.memory_space<vmem>> -> memref<1x640xf32, #tpu.memory_space<vmem>>
      %dma_wait3A_102 = tpu.memref_squeeze %dma_wait3A_101 : memref<1x640xf32, #tpu.memory_space<vmem>> -> memref<640xf32, #tpu.memory_space<vmem>>
      %dma_wait3A_103 = tpu.memref_slice %arg8[%run_scoped3A_76, %mul3A_75] : memref<16x10240xf32, #tpu.memory_space<vmem_shared>> -> memref<1x640xf32, #tpu.memory_space<vmem_shared>>
      %dma_wait3A_104 = tpu.memref_squeeze %dma_wait3A_103 : memref<1x640xf32, #tpu.memory_space<vmem_shared>> -> memref<640xf32, #tpu.memory_space<vmem_shared>>
      tpu.wait_dma2 semaphore(%run_scoped3A_86 : memref<!tpu.dma_semaphore, #tpu.memory_space<semaphore_mem>>) src(%dma_wait3A_104 : memref<640xf32, #tpu.memory_space<vmem_shared>>) dst(%dma_wait3A_102 : memref<640xf32, #tpu.memory_space<vmem>>)
      tpu.yield
    }) : () -> ()
    %scan3A_78 = arith.constant 0 : i32
    %scan3A_79 = arith.constant 0 : i32
    %scan3A_80 = arith.constant 40 : i32
    %scan3A_81 = arith.addi %scan3A_79, %scan3A_80 : i32
    %scan3A_82 = arith.constant 1 : i32
    scf.for %scan3A_86 = %scan3A_79 to %scan3A_81 step %scan3A_82  : i32 {
      %mul3A_87 = arith.constant 16 : i32
      %mul3A_88 = arith.muli %scan3A_86, %mul3A_87 : i32
      %get3A = arith.constant 0 : i32
      %get3A_89 = arith.index_cast %get3A : i32 to index
      %get3A_90 = arith.index_cast %mul3A_88 : i32 to index
      %get3A_91 = tpu.vector_load %arg6[%get3A_89, %get3A_90] {strides = array<i32>} : memref<16x640xf32, #tpu.memory_space<vmem>>, vector<16xf32>,
      %mul3A_92 = arith.constant 16 : i32
      %mul3A_93 = arith.muli %scan3A_86, %mul3A_92 : i32
      %get3A_94 = arith.constant 1 : i32
      %get3A_95 = arith.index_cast %get3A_94 : i32 to index
      %get3A_96 = arith.index_cast %mul3A_93 : i32 to index
      %get3A_97 = tpu.vector_load %arg6[%get3A_95, %get3A_96] {strides = array<i32>} : memref<16x640xf32, #tpu.memory_space<vmem>>, vector<16xf32>,
      %add3A_98 = arith.addf %get3A_91, %get3A_97 : vector<16xf32>
      %mul3A_99 = arith.constant 16 : i32
      %mul3A_100 = arith.muli %scan3A_86, %mul3A_99 : i32
      %get3A_101 = arith.constant 2 : i32
      %get3A_102 = arith.index_cast %get3A_101 : i32 to index
      %get3A_103 = arith.index_cast %mul3A_100 : i32 to index
      %get3A_104 = tpu.vector_load %arg6[%get3A_102, %get3A_103] {strides = array<i32>} : memref<16x640xf32, #tpu.memory_space<vmem>>, vector<16xf32>,
      %add3A_105 = arith.addf %add3A_98, %get3A_104 : vector<16xf32>
      %mul3A_106 = arith.constant 16 : i32
      %mul3A_107 = arith.muli %scan3A_86, %mul3A_106 : i32
      %get3A_108 = arith.constant 3 : i32
      %get3A_109 = arith.index_cast %get3A_108 : i32 to index
      %get3A_110 = arith.index_cast %mul3A_107 : i32 to index
      %get3A_111 = tpu.vector_load %arg6[%get3A_109, %get3A_110] {strides = array<i32>} : memref<16x640xf32, #tpu.memory_space<vmem>>, vector<16xf32>,
      %add3A_112 = arith.addf %add3A_105, %get3A_111 : vector<16xf32>
      %mul3A_113 = arith.constant 16 : i32
      %mul3A_114 = arith.muli %scan3A_86, %mul3A_113 : i32
      %get3A_115 = arith.constant 4 : i32
      %get3A_116 = arith.index_cast %get3A_115 : i32 to index
      %get3A_117 = arith.index_cast %mul3A_114 : i32 to index
      %get3A_118 = tpu.vector_load %arg6[%get3A_116, %get3A_117] {strides = array<i32>} : memref<16x640xf32, #tpu.memory_space<vmem>>, vector<16xf32>,
      %add3A_119 = arith.addf %add3A_112, %get3A_118 : vector<16xf32>
      %mul3A_120 = arith.constant 16 : i32
      %mul3A_121 = arith.muli %scan3A_86, %mul3A_120 : i32
      %get3A_122 = arith.constant 5 : i32
      %get3A_123 = arith.index_cast %get3A_122 : i32 to index
      %get3A_124 = arith.index_cast %mul3A_121 : i32 to index
      %get3A_125 = tpu.vector_load %arg6[%get3A_123, %get3A_124] {strides = array<i32>} : memref<16x640xf32, #tpu.memory_space<vmem>>, vector<16xf32>,
      %add3A_126 = arith.addf %add3A_119, %get3A_125 : vector<16xf32>
      %mul3A_127 = arith.constant 16 : i32
      %mul3A_128 = arith.muli %scan3A_86, %mul3A_127 : i32
      %get3A_129 = arith.constant 6 : i32
      %get3A_130 = arith.index_cast %get3A_129 : i32 to index
      %get3A_131 = arith.index_cast %mul3A_128 : i32 to index
      %get3A_132 = tpu.vector_load %arg6[%get3A_130, %get3A_131] {strides = array<i32>} : memref<16x640xf32, #tpu.memory_space<vmem>>, vector<16xf32>,
      %add3A_133 = arith.addf %add3A_126, %get3A_132 : vector<16xf32>
      %mul3A_134 = arith.constant 16 : i32
      %mul3A_135 = arith.muli %scan3A_86, %mul3A_134 : i32
      %get3A_136 = arith.constant 7 : i32
      %get3A_137 = arith.index_cast %get3A_136 : i32 to index
      %get3A_138 = arith.index_cast %mul3A_135 : i32 to index
      %get3A_139 = tpu.vector_load %arg6[%get3A_137, %get3A_138] {strides = array<i32>} : memref<16x640xf32, #tpu.memory_space<vmem>>, vector<16xf32>,
      %add3A_140 = arith.addf %add3A_133, %get3A_139 : vector<16xf32>
      %mul3A_141 = arith.constant 16 : i32
      %mul3A_142 = arith.muli %scan3A_86, %mul3A_141 : i32
      %get3A_143 = arith.constant 8 : i32
      %get3A_144 = arith.index_cast %get3A_143 : i32 to index
      %get3A_145 = arith.index_cast %mul3A_142 : i32 to index
      %get3A_146 = tpu.vector_load %arg6[%get3A_144, %get3A_145] {strides = array<i32>} : memref<16x640xf32, #tpu.memory_space<vmem>>, vector<16xf32>,
      %add3A_147 = arith.addf %add3A_140, %get3A_146 : vector<16xf32>
      %mul3A_148 = arith.constant 16 : i32
      %mul3A_149 = arith.muli %scan3A_86, %mul3A_148 : i32
      %get3A_150 = arith.constant 9 : i32
      %get3A_151 = arith.index_cast %get3A_150 : i32 to index
      %get3A_152 = arith.index_cast %mul3A_149 : i32 to index
      %get3A_153 = tpu.vector_load %arg6[%get3A_151, %get3A_152] {strides = array<i32>} : memref<16x640xf32, #tpu.memory_space<vmem>>, vector<16xf32>,
      %add3A_154 = arith.addf %add3A_147, %get3A_153 : vector<16xf32>
      %mul3A_155 = arith.constant 16 : i32
      %mul3A_156 = arith.muli %scan3A_86, %mul3A_155 : i32
      %get3A_157 = arith.constant 10 : i32
      %get3A_158 = arith.index_cast %get3A_157 : i32 to index
      %get3A_159 = arith.index_cast %mul3A_156 : i32 to index
      %get3A_160 = tpu.vector_load %arg6[%get3A_158, %get3A_159] {strides = array<i32>} : memref<16x640xf32, #tpu.memory_space<vmem>>, vector<16xf32>,
      %add3A_161 = arith.addf %add3A_154, %get3A_160 : vector<16xf32>
      %mul3A_162 = arith.constant 16 : i32
      %mul3A_163 = arith.muli %scan3A_86, %mul3A_162 : i32
      %get3A_164 = arith.constant 11 : i32
      %get3A_165 = arith.index_cast %get3A_164 : i32 to index
      %get3A_166 = arith.index_cast %mul3A_163 : i32 to index
      %get3A_167 = tpu.vector_load %arg6[%get3A_165, %get3A_166] {strides = array<i32>} : memref<16x640xf32, #tpu.memory_space<vmem>>, vector<16xf32>,
      %add3A_168 = arith.addf %add3A_161, %get3A_167 : vector<16xf32>
      %mul3A_169 = arith.constant 16 : i32
      %mul3A_170 = arith.muli %scan3A_86, %mul3A_169 : i32
      %get3A_171 = arith.constant 12 : i32
      %get3A_172 = arith.index_cast %get3A_171 : i32 to index
      %get3A_173 = arith.index_cast %mul3A_170 : i32 to index
      %get3A_174 = tpu.vector_load %arg6[%get3A_172, %get3A_173] {strides = array<i32>} : memref<16x640xf32, #tpu.memory_space<vmem>>, vector<16xf32>,
      %add3A_175 = arith.addf %add3A_168, %get3A_174 : vector<16xf32>
      %mul3A_176 = arith.constant 16 : i32
      %mul3A_177 = arith.muli %scan3A_86, %mul3A_176 : i32
      %get3A_178 = arith.constant 13 : i32
      %get3A_179 = arith.index_cast %get3A_178 : i32 to index
      %get3A_180 = arith.index_cast %mul3A_177 : i32 to index
      %get3A_181 = tpu.vector_load %arg6[%get3A_179, %get3A_180] {strides = array<i32>} : memref<16x640xf32, #tpu.memory_space<vmem>>, vector<16xf32>,
      %add3A_182 = arith.addf %add3A_175, %get3A_181 : vector<16xf32>
      %mul3A_183 = arith.constant 16 : i32
      %mul3A_184 = arith.muli %scan3A_86, %mul3A_183 : i32
      %get3A_185 = arith.constant 14 : i32
      %get3A_186 = arith.index_cast %get3A_185 : i32 to index
      %get3A_187 = arith.index_cast %mul3A_184 : i32 to index
      %get3A_188 = tpu.vector_load %arg6[%get3A_186, %get3A_187] {strides = array<i32>} : memref<16x640xf32, #tpu.memory_space<vmem>>, vector<16xf32>,
      %add3A_189 = arith.addf %add3A_182, %get3A_188 : vector<16xf32>
      %mul3A_190 = arith.constant 16 : i32
      %mul3A_191 = arith.muli %scan3A_86, %mul3A_190 : i32
      %get3A_192 = arith.constant 15 : i32
      %get3A_193 = arith.index_cast %get3A_192 : i32 to index
      %get3A_194 = arith.index_cast %mul3A_191 : i32 to index
      %get3A_195 = tpu.vector_load %arg6[%get3A_193, %get3A_194] {strides = array<i32>} : memref<16x640xf32, #tpu.memory_space<vmem>>, vector<16xf32>,
      %add3A_196 = arith.addf %add3A_189, %get3A_195 : vector<16xf32>
      %mul3A_197 = arith.constant 16 : i32
      %mul3A_198 = arith.muli %scan3A_86, %mul3A_197 : i32
      %swap3A = arith.index_cast %mul3A_198 : i32 to index
      %swap3A_199 = tpu.vector_load %arg7[%swap3A] {strides = array<i32>} : memref<640xf32, #tpu.memory_space<vmem>>, vector<16xf32>,
      tpu.vector_store %arg7[%swap3A], %add3A_196 {strides = array<i32>} : memref<640xf32, #tpu.memory_space<vmem>>, vector<16xf32>,
    }
    %scan3A_83 = arith.constant 40 : i32
    %mul3A_84 = arith.constant 640 : i32
    %mul3A_85 = arith.muli %arg1, %mul3A_84 : i32
    "tpu.region"() ({
      %run_scoped3A_86 = tpu.sem_alloc : memref<!tpu.dma_semaphore, #tpu.memory_space<semaphore_mem>>
      %dma_start3A = tpu.memref_slice %arg3[%arg0, %mul3A_85] : memref<2x10240xf32, #tpu.memory_space<hbm>> -> memref<1x640xf32, #tpu.memory_space<hbm>>
      %dma_start3A_87 = tpu.memref_squeeze %dma_start3A : memref<1x640xf32, #tpu.memory_space<hbm>> -> memref<640xf32, #tpu.memory_space<hbm>>
      %dma_start3A_88 = tpu.memref_slice %arg3[%arg0, %mul3A_85] : memref<2x10240xf32, #tpu.memory_space<hbm>> -> memref<1x640xf32, #tpu.memory_space<hbm>>
      %dma_start3A_89 = tpu.memref_squeeze %dma_start3A_88 : memref<1x640xf32, #tpu.memory_space<hbm>> -> memref<640xf32, #tpu.memory_space<hbm>>
      tpu.enqueue_dma source(%arg7 : memref<640xf32, #tpu.memory_space<vmem>>) target(%dma_start3A_89 : memref<640xf32, #tpu.memory_space<hbm>>) target_semaphore(%run_scoped3A_86 : memref<!tpu.dma_semaphore, #tpu.memory_space<semaphore_mem>>)
      %dma_wait3A = tpu.memref_slice %arg3[%arg0, %mul3A_85] : memref<2x10240xf32, #tpu.memory_space<hbm>> -> memref<1x640xf32, #tpu.memory_space<hbm>>
      %dma_wait3A_90 = tpu.memref_squeeze %dma_wait3A : memref<1x640xf32, #tpu.memory_space<hbm>> -> memref<640xf32, #tpu.memory_space<hbm>>
      %dma_wait3A_91 = tpu.memref_slice %arg3[%arg0, %mul3A_85] : memref<2x10240xf32, #tpu.memory_space<hbm>> -> memref<1x640xf32, #tpu.memory_space<hbm>>
      %dma_wait3A_92 = tpu.memref_squeeze %dma_wait3A_91 : memref<1x640xf32, #tpu.memory_space<hbm>> -> memref<640xf32, #tpu.memory_space<hbm>>
      tpu.wait_dma2 semaphore(%run_scoped3A_86 : memref<!tpu.dma_semaphore, #tpu.memory_space<semaphore_mem>>) src(%arg7 : memref<640xf32, #tpu.memory_space<vmem>>) dst(%dma_wait3A_92 : memref<640xf32, #tpu.memory_space<hbm>>)
      tpu.yield
    }) : () -> ()
    return
  }
}

module attributes {stable_mosaic.version = 14 : i64} {
  func.func @_tc1_body(%arg0: i32, %arg1: memref<2000x128xbf16, #tpu.memory_space<vmem>>, %arg2: memref<128x64xbf16, #tpu.memory_space<vmem>>, %arg3: memref<2x2000x1xf32, #tpu.memory_space<vmem>>, %arg4: memref<2000x64xbf16, #tpu.memory_space<vmem>>, %arg5: memref<2000x1xf32, #tpu.memory_space<vmem>>) attributes {dimension_semantics = [#tpu.dimension_semantics<arbitrary>], iteration_bounds = array<i64: 5>, scalar_prefetch = 0 : i64, scratch_operands = 0 : i64, tpu.core_type = #tpu.core_type<tc>, window_params = [{transform_indices = @transform_0, window_bounds = array<i64: 2000, 128>}, {pipeline_mode = #tpu.pipeline_mode<synchronous>, transform_indices = @transform_1, window_bounds = array<i64: 128, 64>}, {transform_indices = @transform_2, window_bounds = array<i64: 2, 2000, 1>}, {transform_indices = @transform_3, window_bounds = array<i64: 2000, 64>}, {transform_indices = @transform_4, window_bounds = array<i64: 2000, 1>}]} {
    %get3A = arith.constant 0 : index
    %get3A_0 = arith.constant 0 : index
    %get3A_1 = arith.constant 0 : index
    %get3A_2 = vector.load %arg3[%get3A, %get3A_0, %get3A_1] : memref<2x2000x1xf32, #tpu.memory_space<vmem>>, vector<1x2000x1xf32>
    %get3A_3 = vector.shape_cast %get3A_2 : vector<1x2000x1xf32> to vector<2000x1xf32>
    %get3A_4 = arith.constant 1 : index
    %get3A_5 = arith.constant 0 : index
    %get3A_6 = arith.constant 0 : index
    %get3A_7 = vector.load %arg3[%get3A_4, %get3A_5, %get3A_6] : memref<2x2000x1xf32, #tpu.memory_space<vmem>>, vector<1x2000x1xf32>
    %get3A_8 = vector.shape_cast %get3A_7 : vector<1x2000x1xf32> to vector<2000x1xf32>
    %add3A = arith.addf %get3A_3, %get3A_8 : vector<2000x1xf32>
    %add3A_9 = arith.constant 1.000000e+00 : f32
    %add3A_10 = vector.broadcast %add3A_9 : f32 to vector<2000x1xf32>
    %add3A_11 = arith.addf %add3A, %add3A_10 : vector<2000x1xf32>
    %rsqrt3A = math.rsqrt %add3A_11 : vector<2000x1xf32>
    %get3A_12 = arith.constant 0 : index
    %get3A_13 = arith.constant 0 : index
    %get3A_14 = vector.load %arg1[%get3A_12, %get3A_13] : memref<2000x128xbf16, #tpu.memory_space<vmem>>, vector<2000x128xbf16>
    %get3A_15 = arith.constant 0 : index
    %get3A_16 = arith.constant 0 : index
    %get3A_17 = vector.load %arg2[%get3A_15, %get3A_16] : memref<128x64xbf16, #tpu.memory_space<vmem>>, vector<128x64xbf16>
    %dot_general3A = arith.constant dense<0.000000e+00> : vector<2000x64xf32>
    %dot_general3A_18 = tpu.matmul %get3A_14, %get3A_17, %dot_general3A {dimension_numbers = #tpu.dot_dimension_numbers<[1], [0], [0], [1], [0, 0, 1, 1], [], []>, transpose_lhs_hint = false} : vector<2000x128xbf16>, vector<128x64xbf16>, vector<2000x64xf32> -> vector<2000x64xf32>
    %mul3A = vector.broadcast %rsqrt3A : vector<2000x1xf32> to vector<2000x64xf32>
    %mul3A_19 = arith.mulf %dot_general3A_18, %mul3A : vector<2000x64xf32>
    %convert_element_type3A = arith.truncf %mul3A_19 : vector<2000x64xf32> to vector<2000x64xbf16>
    %swap3A = arith.constant 0 : index
    %swap3A_20 = arith.constant 0 : index
    %swap3A_21 = vector.load %arg4[%swap3A, %swap3A_20] : memref<2000x64xbf16, #tpu.memory_space<vmem>>, vector<2000x64xbf16>
    tpu.vector_store %arg4[%swap3A, %swap3A_20], %convert_element_type3A {strides = array<i32>} : memref<2000x64xbf16, #tpu.memory_space<vmem>>, vector<2000x64xbf16>,
    %swap3A_22 = arith.constant 0 : index
    %swap3A_23 = arith.constant 0 : index
    %swap3A_24 = vector.load %arg5[%swap3A_22, %swap3A_23] : memref<2000x1xf32, #tpu.memory_space<vmem>>, vector<2000x1xf32>
    tpu.vector_store %arg5[%swap3A_22, %swap3A_23], %rsqrt3A {strides = array<i32>} : memref<2000x1xf32, #tpu.memory_space<vmem>>, vector<2000x1xf32>,
    return
  }
  func.func @transform_0(%arg0: i32) -> (i32, i32) {
    %c0_i32 = arith.constant 0 : i32
    %c0_i32_0 = arith.constant 0 : i32
    return %arg0, %c0_i32 : i32, i32
  }
  func.func @transform_1(%arg0: i32) -> (i32, i32) {
    %c0_i32 = arith.constant 0 : i32
    %c0_i32_0 = arith.constant 0 : i32
    %c0_i32_1 = arith.constant 0 : i32
    return %c0_i32, %c0_i32_0 : i32, i32
  }
  func.func @transform_2(%arg0: i32) -> (i32, i32, i32) {
    %c0_i32 = arith.constant 0 : i32
    %c0_i32_0 = arith.constant 0 : i32
    %c0_i32_1 = arith.constant 0 : i32
    return %c0_i32, %arg0, %c0_i32_0 : i32, i32, i32
  }
  func.func @transform_3(%arg0: i32) -> (i32, i32) {
    %c0_i32 = arith.constant 0 : i32
    %c0_i32_0 = arith.constant 0 : i32
    return %arg0, %c0_i32 : i32, i32
  }
  func.func @transform_4(%arg0: i32) -> (i32, i32) {
    %c0_i32 = arith.constant 0 : i32
    %c0_i32_0 = arith.constant 0 : i32
    return %arg0, %c0_i32 : i32, i32
  }
}

module attributes {stable_mosaic.version = 14 : i64} {
  func.func @_tc2_body(%arg0: i32, %arg1: memref<2x2000x64xbf16, #tpu.memory_space<vmem>>, %arg2: memref<2000x64xbf16, #tpu.memory_space<vmem>>, %arg3: memref<2000x1xf32, #tpu.memory_space<vmem>>, %arg4: memref<2000x64xf32, #tpu.memory_space<vmem>>, %arg5: memref<1x64xf32, #tpu.memory_space<vmem>>, %arg6: memref<64x64xf32, #tpu.memory_space<vmem>>, %arg7: memref<64x64xf32, #tpu.memory_space<vmem>>, %arg8: memref<64x64xf32, #tpu.memory_space<vmem>>, %arg9: memref<64x64xf32, #tpu.memory_space<vmem>>, %arg10: memref<64x64xf32, #tpu.memory_space<vmem>>, %arg11: memref<64x64xf32, #tpu.memory_space<vmem>>, %arg12: memref<1x64xf32, #tpu.memory_space<vmem>>, %arg13: memref<1x64xf32, #tpu.memory_space<vmem>>, %arg14: memref<1x64xf32, #tpu.memory_space<vmem>>, %arg15: memref<1x64xf32, #tpu.memory_space<vmem>>, %arg16: memref<1x64xf32, #tpu.memory_space<vmem>>, %arg17: memref<1x64xf32, #tpu.memory_space<vmem>>, %arg18: memref<2000x64xf32, #tpu.memory_space<vmem>>) attributes {dimension_semantics = [#tpu.dimension_semantics<arbitrary>], iteration_bounds = array<i64: 5>, scalar_prefetch = 0 : i64, scratch_operands = 0 : i64, tpu.core_type = #tpu.core_type<tc>, window_params = [{transform_indices = @transform_0, window_bounds = array<i64: 2, 2000, 64>}, {transform_indices = @transform_1, window_bounds = array<i64: 2000, 64>}, {transform_indices = @transform_2, window_bounds = array<i64: 2000, 1>}, {transform_indices = @transform_3, window_bounds = array<i64: 2000, 64>}, {pipeline_mode = #tpu.pipeline_mode<synchronous>, transform_indices = @transform_4, window_bounds = array<i64: 1, 64>}, {pipeline_mode = #tpu.pipeline_mode<synchronous>, transform_indices = @transform_5, window_bounds = array<i64: 64, 64>}, {pipeline_mode = #tpu.pipeline_mode<synchronous>, transform_indices = @transform_6, window_bounds = array<i64: 64, 64>}, {pipeline_mode = #tpu.pipeline_mode<synchronous>, transform_indices = @transform_7, window_bounds = array<i64: 64, 64>}, {pipeline_mode = #tpu.pipeline_mode<synchronous>, transform_indices = @transform_8, window_bounds = array<i64: 64, 64>}, {pipeline_mode = #tpu.pipeline_mode<synchronous>, transform_indices = @transform_9, window_bounds = array<i64: 64, 64>}, {pipeline_mode = #tpu.pipeline_mode<synchronous>, transform_indices = @transform_10, window_bounds = array<i64: 64, 64>}, {pipeline_mode = #tpu.pipeline_mode<synchronous>, transform_indices = @transform_11, window_bounds = array<i64: 1, 64>}, {pipeline_mode = #tpu.pipeline_mode<synchronous>, transform_indices = @transform_12, window_bounds = array<i64: 1, 64>}, {pipeline_mode = #tpu.pipeline_mode<synchronous>, transform_indices = @transform_13, window_bounds = array<i64: 1, 64>}, {pipeline_mode = #tpu.pipeline_mode<synchronous>, transform_indices = @transform_14, window_bounds = array<i64: 1, 64>}, {pipeline_mode = #tpu.pipeline_mode<synchronous>, transform_indices = @transform_15, window_bounds = array<i64: 1, 64>}, {pipeline_mode = #tpu.pipeline_mode<synchronous>, transform_indices = @transform_16, window_bounds = array<i64: 1, 64>}, {transform_indices = @transform_17, window_bounds = array<i64: 2000, 64>}]} {
    %get3A = arith.constant 0 : index
    %get3A_0 = arith.constant 0 : index
    %get3A_1 = vector.load %arg3[%get3A, %get3A_0] : memref<2000x1xf32, #tpu.memory_space<vmem>>, vector<2000x1xf32>
    %get3A_2 = arith.constant 0 : index
    %get3A_3 = arith.constant 0 : index
    %get3A_4 = arith.constant 0 : index
    %get3A_5 = vector.load %arg1[%get3A_2, %get3A_3, %get3A_4] : memref<2x2000x64xbf16, #tpu.memory_space<vmem>>, vector<1x2000x64xbf16>
    %get3A_6 = vector.shape_cast %get3A_5 : vector<1x2000x64xbf16> to vector<2000x64xbf16>
    %convert_element_type3A = arith.extf %get3A_6 : vector<2000x64xbf16> to vector<2000x64xf32>
    %get3A_7 = arith.constant 1 : index
    %get3A_8 = arith.constant 0 : index
    %get3A_9 = arith.constant 0 : index
    %get3A_10 = vector.load %arg1[%get3A_7, %get3A_8, %get3A_9] : memref<2x2000x64xbf16, #tpu.memory_space<vmem>>, vector<1x2000x64xbf16>
    %get3A_11 = vector.shape_cast %get3A_10 : vector<1x2000x64xbf16> to vector<2000x64xbf16>
    %convert_element_type3A_12 = arith.extf %get3A_11 : vector<2000x64xbf16> to vector<2000x64xf32>
    %add3A = arith.addf %convert_element_type3A, %convert_element_type3A_12 : vector<2000x64xf32>
    %get3A_13 = arith.constant 0 : index
    %get3A_14 = arith.constant 0 : index
    %get3A_15 = vector.load %arg2[%get3A_13, %get3A_14] : memref<2000x64xbf16, #tpu.memory_space<vmem>>, vector<2000x64xbf16>
    %convert_element_type3A_16 = arith.extf %get3A_15 : vector<2000x64xbf16> to vector<2000x64xf32>
    %add3A_17 = arith.addf %add3A, %convert_element_type3A_16 : vector<2000x64xf32>
    %mul3A = vector.broadcast %get3A_1 : vector<2000x1xf32> to vector<2000x64xf32>
    %mul3A_18 = arith.mulf %mul3A, %add3A_17 : vector<2000x64xf32>
    %get3A_19 = arith.constant 0 : index
    %get3A_20 = arith.constant 0 : index
    %get3A_21 = vector.load %arg5[%get3A_19, %get3A_20] : memref<1x64xf32, #tpu.memory_space<vmem>>, vector<1x64xf32>
    %add3A_22 = vector.broadcast %get3A_21 : vector<1x64xf32> to vector<2000x64xf32>
    %add3A_23 = arith.addf %mul3A_18, %add3A_22 : vector<2000x64xf32>
    %get3A_24 = arith.constant 0 : index
    %get3A_25 = arith.constant 0 : index
    %get3A_26 = vector.load %arg4[%get3A_24, %get3A_25] : memref<2000x64xf32, #tpu.memory_space<vmem>>, vector<2000x64xf32>
    %get3A_27 = arith.constant 0 : index
    %get3A_28 = arith.constant 0 : index
    %get3A_29 = vector.load %arg6[%get3A_27, %get3A_28] : memref<64x64xf32, #tpu.memory_space<vmem>>, vector<64x64xf32>
    %dot_general3A = arith.constant dense<0.000000e+00> : vector<2000x64xf32>
    %dot_general3A_30 = tpu.matmul %add3A_23, %get3A_29, %dot_general3A {dimension_numbers = #tpu.dot_dimension_numbers<[1], [0], [0], [1], [0, 0, 1, 1], [], []>, transpose_lhs_hint = false} : vector<2000x64xf32>, vector<64x64xf32>, vector<2000x64xf32> -> vector<2000x64xf32>
    %get3A_31 = arith.constant 0 : index
    %get3A_32 = arith.constant 0 : index
    %get3A_33 = vector.load %arg12[%get3A_31, %get3A_32] : memref<1x64xf32, #tpu.memory_space<vmem>>, vector<1x64xf32>
    %add3A_34 = vector.broadcast %get3A_33 : vector<1x64xf32> to vector<2000x64xf32>
    %add3A_35 = arith.addf %dot_general3A_30, %add3A_34 : vector<2000x64xf32>
    %get3A_36 = arith.constant 0 : index
    %get3A_37 = arith.constant 0 : index
    %get3A_38 = vector.load %arg7[%get3A_36, %get3A_37] : memref<64x64xf32, #tpu.memory_space<vmem>>, vector<64x64xf32>
    %dot_general3A_39 = arith.constant dense<0.000000e+00> : vector<2000x64xf32>
    %dot_general3A_40 = tpu.matmul %add3A_23, %get3A_38, %dot_general3A_39 {dimension_numbers = #tpu.dot_dimension_numbers<[1], [0], [0], [1], [0, 0, 1, 1], [], []>, transpose_lhs_hint = false} : vector<2000x64xf32>, vector<64x64xf32>, vector<2000x64xf32> -> vector<2000x64xf32>
    %get3A_41 = arith.constant 0 : index
    %get3A_42 = arith.constant 0 : index
    %get3A_43 = vector.load %arg13[%get3A_41, %get3A_42] : memref<1x64xf32, #tpu.memory_space<vmem>>, vector<1x64xf32>
    %add3A_44 = vector.broadcast %get3A_43 : vector<1x64xf32> to vector<2000x64xf32>
    %add3A_45 = arith.addf %dot_general3A_40, %add3A_44 : vector<2000x64xf32>
    %get3A_46 = arith.constant 0 : index
    %get3A_47 = arith.constant 0 : index
    %get3A_48 = vector.load %arg8[%get3A_46, %get3A_47] : memref<64x64xf32, #tpu.memory_space<vmem>>, vector<64x64xf32>
    %dot_general3A_49 = arith.constant dense<0.000000e+00> : vector<2000x64xf32>
    %dot_general3A_50 = tpu.matmul %add3A_23, %get3A_48, %dot_general3A_49 {dimension_numbers = #tpu.dot_dimension_numbers<[1], [0], [0], [1], [0, 0, 1, 1], [], []>, transpose_lhs_hint = false} : vector<2000x64xf32>, vector<64x64xf32>, vector<2000x64xf32> -> vector<2000x64xf32>
    %get3A_51 = arith.constant 0 : index
    %get3A_52 = arith.constant 0 : index
    %get3A_53 = vector.load %arg14[%get3A_51, %get3A_52] : memref<1x64xf32, #tpu.memory_space<vmem>>, vector<1x64xf32>
    %add3A_54 = vector.broadcast %get3A_53 : vector<1x64xf32> to vector<2000x64xf32>
    %add3A_55 = arith.addf %dot_general3A_50, %add3A_54 : vector<2000x64xf32>
    %get3A_56 = arith.constant 0 : index
    %get3A_57 = arith.constant 0 : index
    %get3A_58 = vector.load %arg9[%get3A_56, %get3A_57] : memref<64x64xf32, #tpu.memory_space<vmem>>, vector<64x64xf32>
    %dot_general3A_59 = arith.constant dense<0.000000e+00> : vector<2000x64xf32>
    %dot_general3A_60 = tpu.matmul %get3A_26, %get3A_58, %dot_general3A_59 {dimension_numbers = #tpu.dot_dimension_numbers<[1], [0], [0], [1], [0, 0, 1, 1], [], []>, transpose_lhs_hint = false} : vector<2000x64xf32>, vector<64x64xf32>, vector<2000x64xf32> -> vector<2000x64xf32>
    %get3A_61 = arith.constant 0 : index
    %get3A_62 = arith.constant 0 : index
    %get3A_63 = vector.load %arg15[%get3A_61, %get3A_62] : memref<1x64xf32, #tpu.memory_space<vmem>>, vector<1x64xf32>
    %add3A_64 = vector.broadcast %get3A_63 : vector<1x64xf32> to vector<2000x64xf32>
    %add3A_65 = arith.addf %dot_general3A_60, %add3A_64 : vector<2000x64xf32>
    %get3A_66 = arith.constant 0 : index
    %get3A_67 = arith.constant 0 : index
    %get3A_68 = vector.load %arg10[%get3A_66, %get3A_67] : memref<64x64xf32, #tpu.memory_space<vmem>>, vector<64x64xf32>
    %dot_general3A_69 = arith.constant dense<0.000000e+00> : vector<2000x64xf32>
    %dot_general3A_70 = tpu.matmul %get3A_26, %get3A_68, %dot_general3A_69 {dimension_numbers = #tpu.dot_dimension_numbers<[1], [0], [0], [1], [0, 0, 1, 1], [], []>, transpose_lhs_hint = false} : vector<2000x64xf32>, vector<64x64xf32>, vector<2000x64xf32> -> vector<2000x64xf32>
    %get3A_71 = arith.constant 0 : index
    %get3A_72 = arith.constant 0 : index
    %get3A_73 = vector.load %arg16[%get3A_71, %get3A_72] : memref<1x64xf32, #tpu.memory_space<vmem>>, vector<1x64xf32>
    %add3A_74 = vector.broadcast %get3A_73 : vector<1x64xf32> to vector<2000x64xf32>
    %add3A_75 = arith.addf %dot_general3A_70, %add3A_74 : vector<2000x64xf32>
    %get3A_76 = arith.constant 0 : index
    %get3A_77 = arith.constant 0 : index
    %get3A_78 = vector.load %arg11[%get3A_76, %get3A_77] : memref<64x64xf32, #tpu.memory_space<vmem>>, vector<64x64xf32>
    %dot_general3A_79 = arith.constant dense<0.000000e+00> : vector<2000x64xf32>
    %dot_general3A_80 = tpu.matmul %get3A_26, %get3A_78, %dot_general3A_79 {dimension_numbers = #tpu.dot_dimension_numbers<[1], [0], [0], [1], [0, 0, 1, 1], [], []>, transpose_lhs_hint = false} : vector<2000x64xf32>, vector<64x64xf32>, vector<2000x64xf32> -> vector<2000x64xf32>
    %get3A_81 = arith.constant 0 : index
    %get3A_82 = arith.constant 0 : index
    %get3A_83 = vector.load %arg17[%get3A_81, %get3A_82] : memref<1x64xf32, #tpu.memory_space<vmem>>, vector<1x64xf32>
    %add3A_84 = vector.broadcast %get3A_83 : vector<1x64xf32> to vector<2000x64xf32>
    %add3A_85 = arith.addf %dot_general3A_80, %add3A_84 : vector<2000x64xf32>
    %add3A_86 = arith.addf %add3A_35, %add3A_65 : vector<2000x64xf32>
    %logistic3A = arith.negf %add3A_86 : vector<2000x64xf32>
    %logistic3A_87 = math.exp %logistic3A : vector<2000x64xf32>
    %logistic3A_88 = arith.constant 1.000000e+00 : f32
    %logistic3A_89 = vector.broadcast %logistic3A_88 : f32 to vector<2000x64xf32>
    %logistic3A_90 = arith.addf %logistic3A_89, %logistic3A_87 : vector<2000x64xf32>
    %logistic3A_91 = arith.divf %logistic3A_89, %logistic3A_90 : vector<2000x64xf32>
    %add3A_92 = arith.addf %add3A_45, %add3A_75 : vector<2000x64xf32>
    %logistic3A_93 = arith.negf %add3A_92 : vector<2000x64xf32>
    %logistic3A_94 = math.exp %logistic3A_93 : vector<2000x64xf32>
    %logistic3A_95 = arith.constant 1.000000e+00 : f32
    %logistic3A_96 = vector.broadcast %logistic3A_95 : f32 to vector<2000x64xf32>
    %logistic3A_97 = arith.addf %logistic3A_96, %logistic3A_94 : vector<2000x64xf32>
    %logistic3A_98 = arith.divf %logistic3A_96, %logistic3A_97 : vector<2000x64xf32>
    %mul3A_99 = arith.mulf %logistic3A_91, %add3A_85 : vector<2000x64xf32>
    %add3A_100 = arith.addf %add3A_55, %mul3A_99 : vector<2000x64xf32>
    %tanh3A = math.tanh %add3A_100 : vector<2000x64xf32>
    %sub3A = arith.constant 1.000000e+00 : f32
    %sub3A_101 = vector.broadcast %sub3A : f32 to vector<2000x64xf32>
    %sub3A_102 = arith.subf %sub3A_101, %logistic3A_98 : vector<2000x64xf32>
    %mul3A_103 = arith.mulf %sub3A_102, %tanh3A : vector<2000x64xf32>
    %mul3A_104 = arith.mulf %logistic3A_98, %get3A_26 : vector<2000x64xf32>
    %add3A_105 = arith.addf %mul3A_103, %mul3A_104 : vector<2000x64xf32>
    %swap3A = arith.constant 0 : index
    %swap3A_106 = arith.constant 0 : index
    %swap3A_107 = vector.load %arg18[%swap3A, %swap3A_106] : memref<2000x64xf32, #tpu.memory_space<vmem>>, vector<2000x64xf32>
    tpu.vector_store %arg18[%swap3A, %swap3A_106], %add3A_105 {strides = array<i32>} : memref<2000x64xf32, #tpu.memory_space<vmem>>, vector<2000x64xf32>,
    return
  }
  func.func @transform_0(%arg0: i32) -> (i32, i32, i32) {
    %c0_i32 = arith.constant 0 : i32
    %c0_i32_0 = arith.constant 0 : i32
    %c0_i32_1 = arith.constant 0 : i32
    return %c0_i32, %arg0, %c0_i32_0 : i32, i32, i32
  }
  func.func @transform_1(%arg0: i32) -> (i32, i32) {
    %c0_i32 = arith.constant 0 : i32
    %c0_i32_0 = arith.constant 0 : i32
    return %arg0, %c0_i32 : i32, i32
  }
  func.func @transform_2(%arg0: i32) -> (i32, i32) {
    %c0_i32 = arith.constant 0 : i32
    %c0_i32_0 = arith.constant 0 : i32
    return %arg0, %c0_i32 : i32, i32
  }
  func.func @transform_3(%arg0: i32) -> (i32, i32) {
    %c0_i32 = arith.constant 0 : i32
    %c0_i32_0 = arith.constant 0 : i32
    return %arg0, %c0_i32 : i32, i32
  }
  func.func @transform_4(%arg0: i32) -> (i32, i32) {
    %c0_i32 = arith.constant 0 : i32
    %c0_i32_0 = arith.constant 0 : i32
    %c0_i32_1 = arith.constant 0 : i32
    return %c0_i32, %c0_i32_0 : i32, i32
  }
  func.func @transform_5(%arg0: i32) -> (i32, i32) {
    %c0_i32 = arith.constant 0 : i32
    %c0_i32_0 = arith.constant 0 : i32
    %c0_i32_1 = arith.constant 0 : i32
    return %c0_i32, %c0_i32_0 : i32, i32
  }
  func.func @transform_6(%arg0: i32) -> (i32, i32) {
    %c0_i32 = arith.constant 0 : i32
    %c0_i32_0 = arith.constant 0 : i32
    %c0_i32_1 = arith.constant 0 : i32
    return %c0_i32, %c0_i32_0 : i32, i32
  }
  func.func @transform_7(%arg0: i32) -> (i32, i32) {
    %c0_i32 = arith.constant 0 : i32
    %c0_i32_0 = arith.constant 0 : i32
    %c0_i32_1 = arith.constant 0 : i32
    return %c0_i32, %c0_i32_0 : i32, i32
  }
  func.func @transform_8(%arg0: i32) -> (i32, i32) {
    %c0_i32 = arith.constant 0 : i32
    %c0_i32_0 = arith.constant 0 : i32
    %c0_i32_1 = arith.constant 0 : i32
    return %c0_i32, %c0_i32_0 : i32, i32
  }
  func.func @transform_9(%arg0: i32) -> (i32, i32) {
    %c0_i32 = arith.constant 0 : i32
    %c0_i32_0 = arith.constant 0 : i32
    %c0_i32_1 = arith.constant 0 : i32
    return %c0_i32, %c0_i32_0 : i32, i32
  }
  func.func @transform_10(%arg0: i32) -> (i32, i32) {
    %c0_i32 = arith.constant 0 : i32
    %c0_i32_0 = arith.constant 0 : i32
    %c0_i32_1 = arith.constant 0 : i32
    return %c0_i32, %c0_i32_0 : i32, i32
  }
  func.func @transform_11(%arg0: i32) -> (i32, i32) {
    %c0_i32 = arith.constant 0 : i32
    %c0_i32_0 = arith.constant 0 : i32
    %c0_i32_1 = arith.constant 0 : i32
    return %c0_i32, %c0_i32_0 : i32, i32
  }
  func.func @transform_12(%arg0: i32) -> (i32, i32) {
    %c0_i32 = arith.constant 0 : i32
    %c0_i32_0 = arith.constant 0 : i32
    %c0_i32_1 = arith.constant 0 : i32
    return %c0_i32, %c0_i32_0 : i32, i32
  }
  func.func @transform_13(%arg0: i32) -> (i32, i32) {
    %c0_i32 = arith.constant 0 : i32
    %c0_i32_0 = arith.constant 0 : i32
    %c0_i32_1 = arith.constant 0 : i32
    return %c0_i32, %c0_i32_0 : i32, i32
  }
  func.func @transform_14(%arg0: i32) -> (i32, i32) {
    %c0_i32 = arith.constant 0 : i32
    %c0_i32_0 = arith.constant 0 : i32
    %c0_i32_1 = arith.constant 0 : i32
    return %c0_i32, %c0_i32_0 : i32, i32
  }
  func.func @transform_15(%arg0: i32) -> (i32, i32) {
    %c0_i32 = arith.constant 0 : i32
    %c0_i32_0 = arith.constant 0 : i32
    %c0_i32_1 = arith.constant 0 : i32
    return %c0_i32, %c0_i32_0 : i32, i32
  }
  func.func @transform_16(%arg0: i32) -> (i32, i32) {
    %c0_i32 = arith.constant 0 : i32
    %c0_i32_0 = arith.constant 0 : i32
    %c0_i32_1 = arith.constant 0 : i32
    return %c0_i32, %c0_i32_0 : i32, i32
  }
  func.func @transform_17(%arg0: i32) -> (i32, i32) {
    %c0_i32 = arith.constant 0 : i32
    %c0_i32_0 = arith.constant 0 : i32
    return %arg0, %c0_i32 : i32, i32
  }
}

</mosaic_0001>

<sc_bundles>
// kernel: kernel.6.cloned.1.call-start
scs
__scs_entry_jumppad:
0x0: {  	(pc) =	sbr.rel $0x88, $3  }
0x1: {  	(tag) =	ssettag $0x0;
	lr =	simm.s32 $0x1  }
0x2: {  	[smem:$0x3F98] =	sst lr;
	_ =	strace $0xD0000000  }
0x3: {  	_ = 	snop  }
0x4: {  	_ = 	snop  }
0x5: {  	_ = 	snop  }
0x6: {  	_ = 	snop  }
0x7: {  	_ = 	snop  }
__scs_overlays_trampoline_lowered:
0x8: {  	[smem:$0x3FA7] =	sst s0  }
0x9: {  	[smem:$0x3FA8] =	sst s1  }
0xa: {  	[smem:$0x3FA9] =	sst s2  }
0xb: {  	[smem:$0x3FAA] =	sst s3  }
0xc: {  	[smem:$0x3FAB] =	sst s4  }
0xd: {  	[smem:$0x3FAC] =	sst s5  }
0xe: {  	[smem:$0x3FAD] =	sst s6  }
0xf: {  	[smem:$0x3FAE] =	sst s7  }
0x10: {  	[smem:$0x3FAF] =	sst s8  }
0x11: {  	[smem:$0x3FB0] =	sst s9;
	s0 =	simm.s32 @!p0 $0x0  }
0x12: {  	s1 =	sld [smem:$0x3F96];
	s0 =	simm.s32 @p0 $0x1  }
0x13: {  	[smem:$0x3FB1] =	sst s0;
	s0 =	simm.s32 @!p1 $0x0  }
0x14: {  	s2 =	sld [smem:$0x3F95];
	s0 =	simm.s32 @p1 $0x1  }
0x15: {  	[smem:$0x3FB2] =	sst s0;
	s0 =	simm.s32 @!p2 $0x0  }
0x16: {  	s3 =	sld [smem:$0x3FDB];
	s0 =	simm.s32 @p2 $0x1  }
0x17: {  	s4 =	simm.s32 $0x1BF5;
	[smem:$0x3FB4] =	sst s0  }
0x18: {  	s0 =	sld [smem:$0x3F97];
	_ =	swait.ge [sflag:s4], $0x0  }
0x19: {  	s7 =	sld [smem:$0x3F98]  }
0x1a: {  	s8 =	sadd.s32 $0xFFFFE003, lr  }
0x1b: {  	s9 =	sadd.s32 $0xFFFFFEF7, lr;
	s5 =	simm.s32 $0xFFFFFFFF;
	p2 =	slt.u32 s8, $0xFFFFF086  }
0x1c: {  	p1 =	slt.u32 s9, $0xF7A;
	s5 =	simm.s32 @!p2 $0x0  }
0x1d: {  	s5 =	simm.s32 @p1 $0x1;
	p0 =	seq.s32 s7, s2  }
0x1e: {  	s7 =	smul.u32 @!p0 $0xF7A, s2;
	p2 =	seq.s32 @!p0 s5, $0x0  }
0x1f: {  	s9 =	smul.u32 $0xF7A, s1;
	s8 =	simm.s32 @!p0 $0x1BF5;
	p2 =	por !p2, p0  }
0x20: {  	[sflag:s8] =	ssyncset.s32 @!p0 $0xFFFFF086;
	s6 =	sadd.s32 @!p0 s3, s7;
	s7 =	simm.s32 @!p0 $0x108  }
0x21: {  	s3 =	sadd.s32 s3, s9;
	s6 =	sadd.s32 @!p0 $0x88, s6;
	s7 =	simm.s32 @p2 $0x1082  }
0x22: {  	[simem:s7], [sflag:s8] =	dma.local @!p0 [hbm:s6], $0xF7A  }
0x23: {  	s9 =	sor.u32 $0xD0000000, s2;
	s6 =	simm.s32 $0x108;
	_ =	swait.ge @!p0 [sflag:s8], $0x0  }
0x24: {  	s3 =	sadd.s32 $0x88, s3;
	s6 =	simm.s32 @!p1 $0x1082;
	[sflag:s4] =	ssyncset.s32 $0xFFFFF086  }
0x25: {  	[simem:s6], [sflag:s4] =	dma.local [hbm:s3], $0xF7A  }
0x26: {  	[smem:$0x3F98] =	sst s1;
	(tag) =	ssettag s2;
	_ =	strace s9  }
0x27: {  	s1 =	sld [smem:$0x3FA8]  }
0x28: {  	s2 =	sld [smem:$0x3FA9]  }
0x29: {  	s4 =	sld [smem:$0x3FAB]  }
0x2a: {  	p0 =	seq.s32 s5, $0x0;
	s5 =	sld [smem:$0x3FAC]  }
0x2b: {  	s6 =	sld [smem:$0x3FAD]  }
0x2c: {  	s7 =	sld [smem:$0x3FAE]  }
0x2d: {  	s3 =	simm.s32 $0x108;
	s8 =	sld [smem:$0x3FAF]  }
0x2e: {  	s3 =	simm.s32 @!p0 $0x1082;
	s9 =	sld [smem:$0x3FB0]  }
0x2f: {  	lr =	sadd.s32 s0, s3;
	s0 =	sld [smem:$0x3FA7]  }
0x30: {  	s3 =	sld [smem:$0x3FAA]  }
0x31: {  	[smem:$0x3FB3] =	sst s10  }
0x32: {  	s10 =	sld [smem:$0x3FB1];
	_ =	sdelay $0x3  }
0x33: {  	p0 =	seq.s32 s10, $0x1;
	s10 =	sld [smem:$0x3FB3];
	_ =	sdelay $0x3  }
0x34: {  	[smem:$0x3FB3] =	sst s10  }
0x35: {  	s10 =	sld [smem:$0x3FB2];
	_ =	sdelay $0x3  }
0x36: {  	p1 =	seq.s32 s10, $0x1;
	s10 =	sld [smem:$0x3FB3];
	_ =	sdelay $0x3  }
0x37: {  	[smem:$0x3FB3] =	sst s10  }
0x38: {  	s10 =	sld [smem:$0x3FB4]  }
0x39: {  	_ = 	snop;
	(pc) =	sbr.ind lr, $3  }
0x3a: {  	_ = 	snop  }
0x3b: {  	_ = 	snop  }
0x3c: {  	p2 =	seq.s32 s10, $0x1;
	s10 =	sld [smem:$0x3FB3]  }
0x3d: {  	_ =	shalt  }
0x3e: {  	_ =	shalt  }
0x3f: {  	_ =	shalt  }
0x40: {  	_ =	shalt  }
0x41: {  	_ =	shalt  }
0x42: {  	_ =	shalt  }
0x43: {  	_ =	shalt  }
0x44: {  	_ =	shalt  }
0x45: {  	_ =	shalt  }
0x46: {  	_ =	shalt  }
0x47: {  	_ =	shalt  }
0x48: {  	_ =	shalt  }
0x49: {  	_ =	shalt  }
0x4a: {  	_ =	shalt  }
0x4b: {  	_ =	shalt  }
0x4c: {  	_ =	shalt  }
0x4d: {  	_ =	shalt  }
0x4e: {  	_ =	shalt  }
0x4f: {  	_ =	shalt  }
0x50: {  	_ =	shalt  }
0x51: {  	_ =	shalt  }
0x52: {  	_ =	shalt  }
0x53: {  	_ =	shalt  }
0x54: {  	_ =	shalt  }
0x55: {  	_ =	shalt  }
0x56: {  	_ =	shalt  }
0x57: {  	_ =	shalt  }
0x58: {  	_ =	shalt  }
0x59: {  	_ =	shalt  }
0x5a: {  	_ =	shalt  }
0x5b: {  	_ =	shalt  }
0x5c: {  	_ =	shalt  }
0x5d: {  	_ =	shalt  }
0x5e: {  	_ =	shalt  }
0x5f: {  	_ =	shalt  }
0x60: {  	_ =	shalt  }
0x61: {  	_ =	shalt  }
0x62: {  	_ =	shalt  }
0x63: {  	_ =	shalt  }
0x64: {  	_ =	shalt  }
0x65: {  	_ =	shalt  }
0x66: {  	_ =	shalt  }
0x67: {  	_ =	shalt  }
0x68: {  	_ =	shalt  }
0x69: {  	_ =	shalt  }
0x6a: {  	_ =	shalt  }
0x6b: {  	_ =	shalt  }
0x6c: {  	_ =	shalt  }
0x6d: {  	_ =	shalt  }
0x6e: {  	_ =	shalt  }
0x6f: {  	_ =	shalt  }
0x70: {  	_ =	shalt  }
0x71: {  	_ =	shalt  }
0x72: {  	_ =	shalt  }
0x73: {  	_ =	shalt  }
0x74: {  	_ =	shalt  }
0x75: {  	_ =	shalt  }
0x76: {  	_ =	shalt  }
0x77: {  	_ =	shalt  }
0x78: {  	_ =	shalt  }
0x79: {  	_ =	shalt  }
0x7a: {  	_ =	shalt  }
0x7b: {  	_ =	shalt  }
0x7c: {  	_ =	shalt  }
0x7d: {  	_ =	shalt  }
0x7e: {  	_ =	shalt  }
0x7f: {  	_ =	shalt  }
0x80: {  	_ =	shalt  }
0x81: {  	_ =	shalt  }
0x82: {  	_ =	shalt  }
0x83: {  	_ =	shalt  }
0x84: {  	_ =	shalt  }
0x85: {  	_ =	shalt  }
0x86: {  	_ =	shalt  }
0x87: {  	_ =	shalt  }
.Lfunc_end0:
.L_simem_size_0:
called_computation_lowered:
.L_overlay_start_0:
0x88: {  	s2 =	sld [smem:$0x3FD9]  }
0x89: {  	s3 =	sld [smem:$0x3FFE];
	_ =	sdelay $0x1  }
0x8a: {  	s1 =	srdreg.scid  }
0x8b: {  	s0 =	sand.u32 $0x1, s1  }
0x8c: {  	s17 =	sshll.u32 s0, $0xA;
	s2 =	sadd.s32 s3, s2  }
0x8d: {  	s2 =	sadd.s32 s2, s17  }
0x8e: {  	[smem:$0x3FBF] =	sst s2  }
0x8f: {  	_ = 	snop  }
0x90: {  	s2 =	sld [smem:$0x3FD0];
	(tm) =	ssettm $0x1  }
0x91: {  	s18 =	sld [smem:$0x3FFB];
	_ =	sdelay $0x3  }
0x92: {  	_ =	strace s18  }
0x93: {  	s3 =	sld [smem:$0x3FFC];
	_ =	sdelay $0x3  }
0x94: {  	_ =	strace s3  }
0x95: {  	s3 =	sld [smem:$0x3FFD];
	_ =	sdelay $0x3  }
0x96: {  	_ =	strace s3  }
0x97: {  	_ =	strace $0x8FFFFFFF  }
0x98: {  	s19 =	sld [smem:$0x3FDB];
	_ =	sdelay $0x1  }
0x99: {  	s4 =	simm.s32 $_scs_section_size  }
0x9a: {  	s5 =	simm.s32 $_size__tile_overlayer_lowered;
	s6 =	simm.s32 $_tile_overlayer_lowered  }
0x9b: {  	s22 =	simm.s32 $0x1BFF;
	s21 =	sshll.u32 s6, $0x1;
	s3 =	sadd.s32 s4, s19  }
0x9c: {  	s7 =	simm.s32 $0x0;
	s20 =	sshll.u32 s5, $0x1;
	s5 =	sadd.s32 s21, s3  }
0x9d: {  	[timem:s7], [sflag:s22] =	dma.local [hbm:s5], s20  }
0x9e: {  	_ =	swait.ge [sflag:s22], s20  }
0x9f: {  	s4 =	ssub.s32 $0x0, s20;
	[sflag:s22] =	ssyncset.done $0x0  }
0xa0: {  	[sflag:s22] =	ssyncadd.s32 s4;
	_ =	sdelay $0x1  }
0xa1: {  	s23 =	simm.s32 $0x1B8B  }
0xa2: {  	_ =	swait.ge [sflag:s23], $0x1  }
0xa3: {  	[sflag:s23] =	ssyncset.done $0x0  }
0xa4: {  	s25 =	simm.s32 $0x1B8E;
	s24 =	sld [smem:$0x3FFE];
	[sflag:s23] =	ssyncadd.s32 $0xFFFFFFFF  }
0xa5: {  	s26 =	simm.s32 $execute0_lowered;
	[smem:$0x3FD2] =	sst s25  }
0xa6: {  	s5 =	sshll.u32 s26, $0x1;
	_ =	strace $0x80000046;
	[dreg:$0x1] =	wrdreg $0xFFFFFFFF  }
0xa7: {  	s28 =	simm.s32 $_size_execute0_lowered;
	s3 =	sadd.s32 s3, s5;
	[dreg:$0x0] =	wrdreg $0x0  }
0xa8: {  	s5 =	sshll.u32 s28, $0x1;
	[dreg:$0x2] =	wrdreg s3  }
0xa9: {  	[dreg:$0x3] =	wrdreg s5  }
0xaa: {  	[dreg:$0x4] =	wrdreg $0xC0  }
0xab: {  	_ =	task [dreg:s7], $0x5FFFF  }
0xac: {  	[dreg:$0x1] =	wrdreg $0xFFFFFFFF  }
0xad: {  	[dreg:$0x0] =	wrdreg $0x60  }
0xae: {  	[dreg:$0x2] =	wrdreg s2  }
0xaf: {  	[dreg:$0x3] =	wrdreg s24  }
0xb0: {  	[dreg:$0x4] =	wrdreg $0x7A000  }
0xb1: {  	[dreg:$0x5] =	wrdreg $0x9  }
0xb2: {  	_ =	task.clear_ibuf [dreg:s7], $0x6FFFF;
	_ =	strace $0x90000046  }
0xb3: {  	s29 =	simm.s32 $0x9;
	_ =	strace $0x80000048  }
0xb4: {  	_ =	swait.ge [sflag:s29], $0x1  }
0xb5: {  	[sflag:s29] =	ssyncadd.s32 $0xFFFFFFFF  }
0xb6: {  	_ =	strace $0x90000048  }
0xb7: {  	_ =	sfence  }
0xb8: {  	s30 =	sld [smem:$0x0];
	_ =	sdelay $0x2  }
0xb9: {  	s31 =	sshll.u32 s1, $0xD;
	s1 =	sshrl.u32 s1, $0x2  }
0xba: {  	s3 =	sand.u32 $0x4000, s31;
	s1 =	sadd.s32 s1, s30  }
0xbb: {  	s0 =	sor.u32 s3, s0;
	s1 =	sshll.u32 s1, $0x11  }
0xbc: {  	s0 =	sor.u32 s1, s0  }
0xbd: {  	s0 =	sadd.s32 $0x8F2B, s0  }
0xbe: {  	[sflag:s0] =	ssyncadd.remote.s32 $0x1  }
0xbf: {  	_ =	sfence.sel $0xFFFF  }
0xc0: {  	[dreg:$0x0] =	wrdreg $0xFFFFFFFF;
	(pc) =	sbr.abs _section_cstart, $3  }
0xc1: {  	[dreg:$0x1] =	wrdreg $0xFFFFFFFF  }
0xc2: {  	_ =	task.clear_ibuf [dreg:s7], $0x2FFFF;
	_ =	strace $0x9FFFFFFF  }
0xc3: {  	(tm) =	ssettm $0x7FFFFFFF  }
tec
execute0_lowered:
.L_overlay_start_1:
0x0: {  	(tag) =	ssettag $0x1  }
0x1: {  	s0 =	rddreg [dreg:$0x0]  }
0x2: {  	s4 =	srdreg.scid;
	s10 =	stileid.u32  }
0x3: {  	s1 =	rddreg [dreg:$0x1];
	s4 =	sand.u32 $0x1, s4;
	s5 =	smul.u32 $0x500, s10  }
0x4: {  	s3 =	rddreg [dreg:$0x2];
	s9 =	smul.u32 $0x5000, s10;
	s7 =	sshll.u32 s4, $0x7  }
0x5: {  	s2 =	simm.s32 $0x0;
	s4 =	ssub.s32 $0x2, s4;
	s5 =	sor.u32 s7, s5  }
0x6: {  	s26 =	sshrl.u32 s4, $0x1;
	s11 =	sshrl.u32 s9, $0x2;
	s5 =	sshrl.u32 s5, $0x3  }
0x7: {  	s1 =	sadd.s32 s5, s1;
	s5 =	ssub.s32 s4, s26;
	s4 =	sadd.s32 s11, s3  }
0x8: {  	[smem:$0x7FF] =	sst s2;
	s12 =	sadd.s32 $0x80, s4  }
0x9: {  	_ =	strace $0x80000047;
	s13 =	sadd.s32 $0x100, s4;
	[dreg:$0x6] =	wrdreg s12  }
0xa: {  	s14 =	sadd.s32 $0x180, s4;
	[dreg:$0x7] =	wrdreg s13  }
0xb: {  	s15 =	sadd.s32 $0x200, s4;
	[dreg:$0x8] =	wrdreg s14  }
0xc: {  	s16 =	sadd.s32 $0x280, s4;
	[dreg:$0x9] =	wrdreg s15  }
0xd: {  	s6 =	sshrl.u32 s10, $0x2;
	s17 =	sadd.s32 $0x300, s4;
	[dreg:$0xa] =	wrdreg s16  }
0xe: {  	s8 =	sshll.u32 s10, $0x8;
	s18 =	sadd.s32 $0x380, s4;
	[dreg:$0xb] =	wrdreg s17  }
0xf: {  	s24 =	sshrl.u32 s10, $0x3;
	s19 =	sadd.s32 $0x14000, s4;
	[dreg:$0xc] =	wrdreg s18  }
0x10: {  	s6 =	smul.u32 $0x13C00, s6;
	s20 =	sadd.s32 $0x14080, s4;
	[dreg:$0xd] =	wrdreg s19  }
0x11: {  	s8 =	sand.u32 $0x300, s8;
	s21 =	sadd.s32 $0x14100, s4;
	[dreg:$0xe] =	wrdreg s20  }
0x12: {  	s25 =	smul.u32 $0x50000, s24;
	s22 =	sadd.s32 $0x14180, s4;
	[dreg:$0xf] =	wrdreg s21  }
0x13: {  	s6 =	sor.u32 s6, s8;
	s23 =	sadd.s32 $0x14200, s4;
	[dreg:$0x10] =	wrdreg s22  }
0x14: {  	s8 =	sshll.u32 s10, $0x7;
	s24 =	sadd.s32 $0x14280, s4;
	[dreg:$0x11] =	wrdreg s23  }
0x15: {  	s10 =	sshrl.u32 s25, $0x2;
	s25 =	sadd.s32 $0x14300, s4;
	[dreg:$0x12] =	wrdreg s24  }
0x16: {  	s6 =	sor.u32 s7, s6;
	s26 =	sadd.s32 $0x14380, s4;
	[dreg:$0x13] =	wrdreg s25  }
0x17: {  	s7 =	sadd.s32 s10, s3;
	s3 =	sadd.s32 $0x1C00, s1;
	[dreg:$0x14] =	wrdreg s26  }
0x18: {  	s9 =	sadd.s32 $0xC00, s4;
	[dreg:$0x15] =	wrdreg s3  }
0x19: {  	s10 =	sadd.s32 $0x1000, s4;
	[dreg:$0x19] =	wrdreg s9  }
0x1a: {  	s11 =	sadd.s32 $0x480, s4;
	[dreg:$0x1a] =	wrdreg s10  }
0x1b: {  	s6 =	sshrl.u32 s6, $0x3;
	s1 =	sadd.s32 $0x680, s4;
	[dreg:$0x1b] =	wrdreg s11  }
0x1c: {  	s0 =	sadd.s32 s0, s6;
	[smem:$0x7E6] =	sst s1  }
0x1d: {  	s6 =	smax.u32 s5, $0x1;
	[dreg:$0x4] =	wrdreg s0  }
0x1e: {  	s12 =	sadd.s32 $0x880, s4;
	[dreg:$0x16] =	wrdreg s6  }
0x1f: {  	s13 =	sadd.s32 $0xC80, s4;
	[dreg:$0x1c] =	wrdreg s12  }
0x20: {  	s14 =	sadd.s32 $0x1080, s4;
	[dreg:$0x1d] =	wrdreg s13  }
0x21: {  	s15 =	sadd.s32 $0x500, s4;
	[dreg:$0x1e] =	wrdreg s14  }
0x22: {  	s16 =	sadd.s32 $0x900, s4;
	[dreg:$0x1f] =	wrdreg s15  }
0x23: {  	s17 =	sadd.s32 $0xD00, s4;
	[smem:$0x7DB] =	sst s16  }
0x24: {  	s18 =	sadd.s32 $0x1100, s4;
	[smem:$0x7DC] =	sst s17  }
0x25: {  	s19 =	sadd.s32 $0x580, s4;
	[smem:$0x7DD] =	sst s18  }
0x26: {  	s20 =	sadd.s32 $0x980, s4;
	[smem:$0x7DE] =	sst s19  }
0x27: {  	s21 =	sadd.s32 $0xD80, s4;
	[smem:$0x7DF] =	sst s20  }
0x28: {  	s22 =	sadd.s32 $0x1180, s4;
	[smem:$0x7E0] =	sst s21  }
0x29: {  	s23 =	sadd.s32 $0x600, s4;
	[smem:$0x7E1] =	sst s22  }
0x2a: {  	s24 =	sadd.s32 $0xA00, s4;
	[smem:$0x7E2] =	sst s23  }
0x2b: {  	s25 =	sadd.s32 $0xE00, s4;
	[smem:$0x7E3] =	sst s24  }
0x2c: {  	s26 =	sadd.s32 $0x1200, s4;
	[smem:$0x7E4] =	sst s25  }
0x2d: {  	s3 =	sadd.s32 $0xA80, s4;
	[smem:$0x7E5] =	sst s26  }
0x2e: {  	s5 =	sadd.s32 $0xE80, s4;
	[smem:$0x7E7] =	sst s3  }
0x2f: {  	s9 =	sadd.s32 $0xF00, s4;
	[smem:$0x7E8] =	sst s5  }
0x30: {  	s10 =	sadd.s32 $0x1300, s4;
	[smem:$0x7EC] =	sst s9  }
0x31: {  	s11 =	sadd.s32 $0x780, s4;
	[smem:$0x7ED] =	sst s10  }
0x32: {  	s0 =	sand.u32 $0x380, s8;
	s8 =	sadd.s32 $0x800, s4;
	[smem:$0x7EE] =	sst s11  }
0x33: {  	s6 =	sadd.s32 $0x1280, s4;
	[dreg:$0x18] =	wrdreg s8  }
0x34: {  	s12 =	sadd.s32 $0xB80, s4;
	[smem:$0x7E9] =	sst s6  }
0x35: {  	s13 =	sadd.s32 $0xF80, s4;
	[smem:$0x7EF] =	sst s12  }
0x36: {  	s14 =	sadd.s32 $0x1380, s4;
	[smem:$0x7F0] =	sst s13  }
0x37: {  	s15 =	sadd.s32 $0x14400, s4;
	[smem:$0x7F1] =	sst s14  }
0x38: {  	s16 =	sadd.s32 $0x14800, s4;
	[smem:$0x7F2] =	sst s15  }
0x39: {  	s17 =	sadd.s32 $0x14C00, s4;
	[smem:$0x7F3] =	sst s16  }
0x3a: {  	s30 =	simm.s32 $0x80;
	s18 =	sadd.s32 $0x15000, s4;
	[smem:$0x7F4] =	sst s17  }
0x3b: {  	s31 =	simm.s32 $0x400;
	s19 =	sadd.s32 $0x14480, s4;
	[smem:$0x7F5] =	sst s18  }
0x3c: {  	s28 =	sadd.s32 $0x14F80, s4;
	s20 =	sadd.s32 $0x14880, s4;
	[smem:$0x7F6] =	sst s19  }
0x3d: {  	s29 =	sadd.s32 $0x15380, s4;
	s21 =	sadd.s32 $0x14C80, s4;
	[smem:$0x7F7] =	sst s20  }
0x3e: {  	s1 =	simm.s32 $0x2780;
	s22 =	sadd.s32 $0x15080, s4;
	[smem:$0x7F8] =	sst s21  }
0x3f: {  	s23 =	sadd.s32 $0x14500, s4;
	s24 =	sadd.s32 $0x14900, s4;
	[smem:$0x7F9] =	sst s22  }
0x40: {  	s25 =	sadd.s32 $0x14D00, s4;
	s26 =	sadd.s32 $0x15100, s4;
	[smem:$0x7FA] =	sst s23  }
0x41: {  	s9 =	sadd.s32 $0x14580, s4;
	s10 =	sadd.s32 $0x14980, s4;
	[smem:$0x7FB] =	sst s24  }
0x42: {  	s11 =	sadd.s32 $0x14D80, s4;
	s0 =	sadd.s32 s0, s7;
	[smem:$0x7FC] =	sst s25  }
0x43: {  	s7 =	sadd.s32 $0x400, s4;
	s8 =	sadd.s32 $0xB00, s4;
	[smem:$0x7FD] =	sst s26  }
0x44: {  	s12 =	sadd.s32 $0x15180, s4;
	s13 =	sadd.s32 $0x14600, s4;
	s14 =	sadd.s32 $0x14A00, s4  }
0x45: {  	s15 =	sadd.s32 $0x14E00, s4;
	s16 =	sadd.s32 $0x15200, s4;
	s17 =	sadd.s32 $0x14680, s4  }
0x46: {  	s18 =	sadd.s32 $0x14A80, s4;
	s19 =	sadd.s32 $0x14E80, s4;
	s20 =	sadd.s32 $0x15280, s4  }
0x47: {  	s21 =	sadd.s32 $0x14700, s4;
	s22 =	sadd.s32 $0x14B00, s4;
	[dreg:$0x5] =	wrdreg s0  }
0x48: {  	s23 =	sadd.s32 $0x14F00, s4;
	s24 =	sadd.s32 $0x15300, s4;
	[dreg:$0x17] =	wrdreg s7  }
0x49: {  	s25 =	sadd.s32 $0x14780, s4;
	s7 =	sadd.s32 $0x700, s4;
	[smem:$0x7EB] =	sst s8  }
0x4a: {  	v0 =	vimm.f32 $0.0e+00;
	v1 =	vimm.f32 $1.000000000e+00;
	s26 =	sadd.s32 $0x14B80, s4;
	s0 =	simm.s32 $0x1;
	[smem:$0x7EA] =	sst s7  }
.LBB2_1:
0x4b: {  	s3 =	simm.s32 $0x40;
	s5 =	simm.s32 $0x0  }
.LBB2_2:
0x4c: {  	p0 =	sne.s32 s3, $0x9FC0;
	[tilespmem:s5+$0x2780] =	vst v0;
	s5 =	smov.u32 s3;
	s3 =	sadd.s32 $0x40, s3  }
.Ltmp0:
0x4d: {  	(pc) =	sbr.rel @p0 .LBB2_2-.Ltmp0, $2  }
0x4e: {  	_ =	sdelay $0x2  }
0x4f: {  	s5 =	sshra.s32 s5, $0x2  }
0x50: {  	[tilespmem:s5+$0x2780] =	vst v0;
	s3 =	simm.s32 $0x0;
	s8 =	rddreg [dreg:$0x4]  }
0x51: {  	[tilespmem:s3], [sflag:$0x1] =	stream.strided.gather [hbm4b:s8+s30], $0x2780, s31, s30, $0x38;
	[tilespmem:$0xA200] =	vst v63  }
0x52: {  	_ =	swait.ge [sflag:s0], $0x2780  }
0x53: {  	[sflag:s0] =	ssyncset.done $0x0  }
0x54: {  	[sflag:s0] =	ssyncadd.s32 $0xFFFFD880  }
.LBB2_4:
0x55: {  	s5 =	sshra.s32 s3, $0x2  }
0x56: {  	v2 =	vld [tilespmem:s5+$0x0];
	_ =	sdelay $0x7  }
0x57: {  	[tilespmem:v2+s1+$0x0] =	vst.idx.add.f32.msk $0xffff, v1  }
0x58: {  	v2 =	vld [tilespmem:s5+$0x10];
	_ =	sdelay $0x7  }
0x59: {  	[tilespmem:v2+s1+$0x0] =	vst.idx.add.f32.msk $0xffff, v1  }
0x5a: {  	v2 =	vld [tilespmem:s5+$0x20];
	_ =	sdelay $0x7  }
0x5b: {  	[tilespmem:v2+s1+$0x0] =	vst.idx.add.f32.msk $0xffff, v1  }
0x5c: {  	v2 =	vld [tilespmem:s5+$0x30];
	_ =	sdelay $0x7  }
0x5d: {  	[tilespmem:v2+s1+$0x0] =	vst.idx.add.f32.msk $0xffff, v1  }
0x5e: {  	v2 =	vld [tilespmem:s5+$0x40];
	_ =	sdelay $0x2  }
0x5f: {  	p0 =	sne.s32 s3, $0x9B00  }
.Ltmp1:
0x60: {  	_ = 	snop;
	(pc) =	sbr.rel @p0 .LBB2_4-.Ltmp1, $2  }
0x61: {  	_ =	sdelay $0x2  }
0x62: {  	s3 =	sadd.s32 $0x140, s3;
	[tilespmem:v2+s1+$0x0] =	vst.idx.add.f32.msk $0xffff, v1  }
0x63: {  	s3 =	rddreg [dreg:$0x5]  }
0x64: {  	[spmem:s3] =	stream.strided.scatter [tilespmem:s1], [sflag:$0x1], $0x2800, s31, s30, $0x38;
	[tilespmem:$0xA200] =	vst v63  }
0x65: {  	_ =	swait.ge [sflag:s0], $0x2800  }
0x66: {  	[sflag:s0] =	ssyncset.done $0x0  }
0x67: {  	[sflag:s0] =	ssyncadd.s32 $0xFFFFD800  }
0x68: {  	s7 =	simm.s32 $0x4F80;
	[bflag:$0x0] =	sbarrier.arrive $0xFFFF  }
0x69: {  	[tilespmem:s7], [sflag:$0x1] =	stream.linear.gather [spmem:s4], $0x80, $0x38;
	[tilespmem:$0xA200] =	vst v63  }
0x6a: {  	s5 =	simm.s32 $0x5380;
	s8 =	rddreg [dreg:$0x17]  }
0x6b: {  	[tilespmem:s5], [sflag:$0x1] =	stream.linear.gather [spmem:s8], $0x80, $0x38;
	[tilespmem:$0xA200] =	vst v63  }
0x6c: {  	s6 =	simm.s32 $0x5780;
	s5 =	rddreg [dreg:$0x18]  }
0x6d: {  	[tilespmem:s6], [sflag:$0x1] =	stream.linear.gather [spmem:s5], $0x80, $0x38;
	[tilespmem:$0xA200] =	vst v63  }
0x6e: {  	s7 =	rddreg [dreg:$0x19];
	s8 =	simm.s32 $0x5B80  }
0x6f: {  	[tilespmem:s8], [sflag:$0x1] =	stream.linear.gather [spmem:s7], $0x80, $0x38;
	[tilespmem:$0xA200] =	vst v63  }
0x70: {  	s5 =	rddreg [dreg:$0x1a];
	s6 =	simm.s32 $0x5F80  }
0x71: {  	[tilespmem:s6], [sflag:$0x1] =	stream.linear.gather [spmem:s5], $0x80, $0x38;
	[tilespmem:$0xA200] =	vst v63  }
0x72: {  	_ =	swait.ge [sflag:s0], $0x280  }
0x73: {  	[sflag:s0] =	ssyncset.done $0x0  }
0x74: {  	s8 =	simm.s32 $0x5000;
	s7 =	rddreg [dreg:$0x6];
	[sflag:s0] =	ssyncadd.s32 $0xFFFFFD80  }
0x75: {  	[tilespmem:s8], [sflag:$0x1] =	stream.linear.gather [spmem:s7], $0x80, $0x38;
	[tilespmem:$0xA200] =	vst v63  }
0x76: {  	s6 =	simm.s32 $0x5400;
	s5 =	rddreg [dreg:$0x1b]  }
0x77: {  	[tilespmem:s6], [sflag:$0x1] =	stream.linear.gather [spmem:s5], $0x80, $0x38;
	[tilespmem:$0xA200] =	vst v63  }
0x78: {  	s7 =	rddreg [dreg:$0x1c];
	s8 =	simm.s32 $0x5800  }
0x79: {  	[tilespmem:s8], [sflag:$0x1] =	stream.linear.gather [spmem:s7], $0x80, $0x38;
	[tilespmem:$0xA200] =	vst v63  }
0x7a: {  	s5 =	rddreg [dreg:$0x1d];
	s6 =	simm.s32 $0x5C00  }
0x7b: {  	[tilespmem:s6], [sflag:$0x1] =	stream.linear.gather [spmem:s5], $0x80, $0x38;
	[tilespmem:$0xA200] =	vst v63  }
0x7c: {  	s7 =	rddreg [dreg:$0x1e];
	s8 =	simm.s32 $0x6000  }
0x7d: {  	[tilespmem:s8], [sflag:$0x1] =	stream.linear.gather [spmem:s7], $0x80, $0x38;
	[tilespmem:$0xA200] =	vst v63  }
0x7e: {  	_ =	swait.ge [sflag:s0], $0x280  }
0x7f: {  	[sflag:s0] =	ssyncset.done $0x0;
	s5 =	rddreg [dreg:$0x7]  }
0x80: {  	s6 =	simm.s32 $0x5080;
	s7 =	rddreg [dreg:$0x1f];
	[sflag:s0] =	ssyncadd.s32 $0xFFFFFD80  }
0x81: {  	[tilespmem:s6], [sflag:$0x1] =	stream.linear.gather [spmem:s5], $0x80, $0x38;
	[tilespmem:$0xA200] =	vst v63  }
0x82: {  	s8 =	simm.s32 $0x5480;
	s5 =	sld [smem:$0x7DB]  }
0x83: {  	[tilespmem:s8], [sflag:$0x1] =	stream.linear.gather [spmem:s7], $0x80, $0x38;
	[tilespmem:$0xA200] =	vst v63  }
0x84: {  	s6 =	simm.s32 $0x5880;
	s7 =	sld [smem:$0x7DC]  }
0x85: {  	[tilespmem:s6], [sflag:$0x1] =	stream.linear.gather [spmem:s5], $0x80, $0x38;
	[tilespmem:$0xA200] =	vst v63  }
0x86: {  	s8 =	simm.s32 $0x5C80;
	s5 =	sld [smem:$0x7DD]  }
0x87: {  	[tilespmem:s8], [sflag:$0x1] =	stream.linear.gather [spmem:s7], $0x80, $0x38;
	[tilespmem:$0xA200] =	vst v63  }
0x88: {  	s6 =	simm.s32 $0x6080  }
0x89: {  	[tilespmem:s6], [sflag:$0x1] =	stream.linear.gather [spmem:s5], $0x80, $0x38;
	[tilespmem:$0xA200] =	vst v63  }
0x8a: {  	_ =	swait.ge [sflag:s0], $0x280  }
0x8b: {  	[sflag:s0] =	ssyncset.done $0x0;
	s7 =	rddreg [dreg:$0x8]  }
0x8c: {  	s8 =	simm.s32 $0x5100;
	s5 =	sld [smem:$0x7DE];
	[sflag:s0] =	ssyncadd.s32 $0xFFFFFD80  }
0x8d: {  	[tilespmem:s8], [sflag:$0x1] =	stream.linear.gather [spmem:s7], $0x80, $0x38;
	[tilespmem:$0xA200] =	vst v63  }
0x8e: {  	s6 =	simm.s32 $0x5500;
	s7 =	sld [smem:$0x7DF]  }
0x8f: {  	[tilespmem:s6], [sflag:$0x1] =	stream.linear.gather [spmem:s5], $0x80, $0x38;
	[tilespmem:$0xA200] =	vst v63  }
0x90: {  	s8 =	simm.s32 $0x5900;
	s5 =	sld [smem:$0x7E0]  }
0x91: {  	[tilespmem:s8], [sflag:$0x1] =	stream.linear.gather [spmem:s7], $0x80, $0x38;
	[tilespmem:$0xA200] =	vst v63  }
0x92: {  	s6 =	simm.s32 $0x5D00;
	s7 =	sld [smem:$0x7E1]  }
0x93: {  	[tilespmem:s6], [sflag:$0x1] =	stream.linear.gather [spmem:s5], $0x80, $0x38;
	[tilespmem:$0xA200] =	vst v63  }
0x94: {  	s8 =	simm.s32 $0x6100  }
0x95: {  	[tilespmem:s8], [sflag:$0x1] =	stream.linear.gather [spmem:s7], $0x80, $0x38;
	[tilespmem:$0xA200] =	vst v63  }
0x96: {  	_ =	swait.ge [sflag:s0], $0x280  }
0x97: {  	[sflag:s0] =	ssyncset.done $0x0;
	s5 =	rddreg [dreg:$0x9]  }
0x98: {  	s6 =	simm.s32 $0x5180;
	s7 =	sld [smem:$0x7E2];
	[sflag:s0] =	ssyncadd.s32 $0xFFFFFD80  }
0x99: {  	[tilespmem:s6], [sflag:$0x1] =	stream.linear.gather [spmem:s5], $0x80, $0x38;
	[tilespmem:$0xA200] =	vst v63  }
0x9a: {  	s8 =	simm.s32 $0x5580;
	s5 =	sld [smem:$0x7E3]  }
0x9b: {  	[tilespmem:s8], [sflag:$0x1] =	stream.linear.gather [spmem:s7], $0x80, $0x38;
	[tilespmem:$0xA200] =	vst v63  }
0x9c: {  	s6 =	simm.s32 $0x5980;
	s7 =	sld [smem:$0x7E4]  }
0x9d: {  	[tilespmem:s6], [sflag:$0x1] =	stream.linear.gather [spmem:s5], $0x80, $0x38;
	[tilespmem:$0xA200] =	vst v63  }
0x9e: {  	s8 =	simm.s32 $0x5D80;
	s5 =	sld [smem:$0x7E5]  }
0x9f: {  	[tilespmem:s8], [sflag:$0x1] =	stream.linear.gather [spmem:s7], $0x80, $0x38;
	[tilespmem:$0xA200] =	vst v63  }
0xa0: {  	s6 =	simm.s32 $0x6180  }
0xa1: {  	[tilespmem:s6], [sflag:$0x1] =	stream.linear.gather [spmem:s5], $0x80, $0x38;
	[tilespmem:$0xA200] =	vst v63  }
0xa2: {  	_ =	swait.ge [sflag:s0], $0x280  }
0xa3: {  	[sflag:s0] =	ssyncset.done $0x0;
	s7 =	rddreg [dreg:$0xa]  }
0xa4: {  	s8 =	simm.s32 $0x5200;
	s5 =	sld [smem:$0x7E6];
	[sflag:s0] =	ssyncadd.s32 $0xFFFFFD80  }
0xa5: {  	[tilespmem:s8], [sflag:$0x1] =	stream.linear.gather [spmem:s7], $0x80, $0x38;
	[tilespmem:$0xA200] =	vst v63  }
0xa6: {  	s6 =	simm.s32 $0x5600;
	s7 =	sld [smem:$0x7E7]  }
0xa7: {  	[tilespmem:s6], [sflag:$0x1] =	stream.linear.gather [spmem:s5], $0x80, $0x38;
	[tilespmem:$0xA200] =	vst v63  }
0xa8: {  	s8 =	simm.s32 $0x5A00;
	s5 =	sld [smem:$0x7E8]  }
0xa9: {  	[tilespmem:s8], [sflag:$0x1] =	stream.linear.gather [spmem:s7], $0x80, $0x38;
	[tilespmem:$0xA200] =	vst v63  }
0xaa: {  	s6 =	simm.s32 $0x5E00;
	s7 =	sld [smem:$0x7E9]  }
0xab: {  	[tilespmem:s6], [sflag:$0x1] =	stream.linear.gather [spmem:s5], $0x80, $0x38;
	[tilespmem:$0xA200] =	vst v63  }
0xac: {  	s8 =	simm.s32 $0x6200  }
0xad: {  	[tilespmem:s8], [sflag:$0x1] =	stream.linear.gather [spmem:s7], $0x80, $0x38;
	[tilespmem:$0xA200] =	vst v63  }
0xae: {  	_ =	swait.ge [sflag:s0], $0x280  }
0xaf: {  	[sflag:s0] =	ssyncset.done $0x0;
	s5 =	rddreg [dreg:$0xb]  }
0xb0: {  	s6 =	simm.s32 $0x5280;
	s7 =	sld [smem:$0x7EA];
	[sflag:s0] =	ssyncadd.s32 $0xFFFFFD80  }
0xb1: {  	[tilespmem:s6], [sflag:$0x1] =	stream.linear.gather [spmem:s5], $0x80, $0x38;
	[tilespmem:$0xA200] =	vst v63  }
0xb2: {  	s8 =	simm.s32 $0x5680;
	s5 =	sld [smem:$0x7EB]  }
0xb3: {  	[tilespmem:s8], [sflag:$0x1] =	stream.linear.gather [spmem:s7], $0x80, $0x38;
	[tilespmem:$0xA200] =	vst v63  }
0xb4: {  	s6 =	simm.s32 $0x5A80;
	s7 =	sld [smem:$0x7EC]  }
0xb5: {  	[tilespmem:s6], [sflag:$0x1] =	stream.linear.gather [spmem:s5], $0x80, $0x38;
	[tilespmem:$0xA200] =	vst v63  }
0xb6: {  	s8 =	simm.s32 $0x5E80;
	s5 =	sld [smem:$0x7ED]  }
0xb7: {  	[tilespmem:s8], [sflag:$0x1] =	stream.linear.gather [spmem:s7], $0x80, $0x38;
	[tilespmem:$0xA200] =	vst v63  }
0xb8: {  	s6 =	simm.s32 $0x6280  }
0xb9: {  	[tilespmem:s6], [sflag:$0x1] =	stream.linear.gather [spmem:s5], $0x80, $0x38;
	[tilespmem:$0xA200] =	vst v63  }
0xba: {  	_ =	swait.ge [sflag:s0], $0x280  }
0xbb: {  	[sflag:s0] =	ssyncset.done $0x0;
	s7 =	rddreg [dreg:$0xc]  }
0xbc: {  	s8 =	simm.s32 $0x5300;
	s5 =	sld [smem:$0x7EE];
	[sflag:s0] =	ssyncadd.s32 $0xFFFFFD80  }
0xbd: {  	[tilespmem:s8], [sflag:$0x1] =	stream.linear.gather [spmem:s7], $0x80, $0x38;
	[tilespmem:$0xA200] =	vst v63  }
0xbe: {  	s6 =	simm.s32 $0x5700;
	s7 =	sld [smem:$0x7EF]  }
0xbf: {  	[tilespmem:s6], [sflag:$0x1] =	stream.linear.gather [spmem:s5], $0x80, $0x38;
	[tilespmem:$0xA200] =	vst v63  }
0xc0: {  	s8 =	simm.s32 $0x5B00;
	s5 =	sld [smem:$0x7F0]  }
0xc1: {  	[tilespmem:s8], [sflag:$0x1] =	stream.linear.gather [spmem:s7], $0x80, $0x38;
	[tilespmem:$0xA200] =	vst v63  }
0xc2: {  	s6 =	simm.s32 $0x5F00;
	s7 =	sld [smem:$0x7F1]  }
0xc3: {  	[tilespmem:s6], [sflag:$0x1] =	stream.linear.gather [spmem:s5], $0x80, $0x38;
	[tilespmem:$0xA200] =	vst v63  }
0xc4: {  	s8 =	simm.s32 $0x6300  }
0xc5: {  	[tilespmem:s8], [sflag:$0x1] =	stream.linear.gather [spmem:s7], $0x80, $0x38;
	[tilespmem:$0xA200] =	vst v63  }
0xc6: {  	_ =	swait.ge [sflag:s0], $0x280  }
0xc7: {  	[sflag:s0] =	ssyncset.done $0x0;
	s5 =	rddreg [dreg:$0xd]  }
0xc8: {  	s6 =	simm.s32 $0x6380;
	s7 =	sld [smem:$0x7F2];
	[sflag:s0] =	ssyncadd.s32 $0xFFFFFD80  }
0xc9: {  	[tilespmem:s6], [sflag:$0x1] =	stream.linear.gather [spmem:s5], $0x80, $0x38;
	[tilespmem:$0xA200] =	vst v63  }
0xca: {  	s8 =	simm.s32 $0x6780;
	s5 =	sld [smem:$0x7F3]  }
0xcb: {  	[tilespmem:s8], [sflag:$0x1] =	stream.linear.gather [spmem:s7], $0x80, $0x38;
	[tilespmem:$0xA200] =	vst v63  }
0xcc: {  	s6 =	simm.s32 $0x6B80;
	s7 =	sld [smem:$0x7F4]  }
0xcd: {  	[tilespmem:s6], [sflag:$0x1] =	stream.linear.gather [spmem:s5], $0x80, $0x38;
	[tilespmem:$0xA200] =	vst v63  }
0xce: {  	s8 =	simm.s32 $0x6F80;
	s5 =	sld [smem:$0x7F5]  }
0xcf: {  	[tilespmem:s8], [sflag:$0x1] =	stream.linear.gather [spmem:s7], $0x80, $0x38;
	[tilespmem:$0xA200] =	vst v63  }
0xd0: {  	s6 =	simm.s32 $0x7380  }
0xd1: {  	[tilespmem:s6], [sflag:$0x1] =	stream.linear.gather [spmem:s5], $0x80, $0x38;
	[tilespmem:$0xA200] =	vst v63  }
0xd2: {  	_ =	swait.ge [sflag:s0], $0x280  }
0xd3: {  	[sflag:s0] =	ssyncset.done $0x0;
	s7 =	rddreg [dreg:$0xe]  }
0xd4: {  	s8 =	simm.s32 $0x6400;
	s5 =	sld [smem:$0x7F6];
	[sflag:s0] =	ssyncadd.s32 $0xFFFFFD80  }
0xd5: {  	[tilespmem:s8], [sflag:$0x1] =	stream.linear.gather [spmem:s7], $0x80, $0x38;
	[tilespmem:$0xA200] =	vst v63  }
0xd6: {  	s6 =	simm.s32 $0x6800;
	s7 =	sld [smem:$0x7F7]  }
0xd7: {  	[tilespmem:s6], [sflag:$0x1] =	stream.linear.gather [spmem:s5], $0x80, $0x38;
	[tilespmem:$0xA200] =	vst v63  }
0xd8: {  	s8 =	simm.s32 $0x6C00;
	s5 =	sld [smem:$0x7F8]  }
0xd9: {  	[tilespmem:s8], [sflag:$0x1] =	stream.linear.gather [spmem:s7], $0x80, $0x38;
	[tilespmem:$0xA200] =	vst v63  }
0xda: {  	s6 =	simm.s32 $0x7000;
	s7 =	sld [smem:$0x7F9]  }
0xdb: {  	[tilespmem:s6], [sflag:$0x1] =	stream.linear.gather [spmem:s5], $0x80, $0x38;
	[tilespmem:$0xA200] =	vst v63  }
0xdc: {  	s8 =	simm.s32 $0x7400  }
0xdd: {  	[tilespmem:s8], [sflag:$0x1] =	stream.linear.gather [spmem:s7], $0x80, $0x38;
	[tilespmem:$0xA200] =	vst v63  }
0xde: {  	_ =	swait.ge [sflag:s0], $0x280  }
0xdf: {  	[sflag:s0] =	ssyncset.done $0x0;
	s5 =	rddreg [dreg:$0xf]  }
0xe0: {  	s6 =	simm.s32 $0x6480;
	s7 =	sld [smem:$0x7FA];
	[sflag:s0] =	ssyncadd.s32 $0xFFFFFD80  }
0xe1: {  	[tilespmem:s6], [sflag:$0x1] =	stream.linear.gather [spmem:s5], $0x80, $0x38;
	[tilespmem:$0xA200] =	vst v63  }
0xe2: {  	s8 =	simm.s32 $0x6880;
	s5 =	sld [smem:$0x7FB]  }
0xe3: {  	[tilespmem:s8], [sflag:$0x1] =	stream.linear.gather [spmem:s7], $0x80, $0x38;
	[tilespmem:$0xA200] =	vst v63  }
0xe4: {  	s6 =	simm.s32 $0x6C80;
	s7 =	sld [smem:$0x7FC]  }
0xe5: {  	[tilespmem:s6], [sflag:$0x1] =	stream.linear.gather [spmem:s5], $0x80, $0x38;
	[tilespmem:$0xA200] =	vst v63  }
0xe6: {  	s8 =	simm.s32 $0x7080;
	s5 =	sld [smem:$0x7FD]  }
0xe7: {  	[tilespmem:s8], [sflag:$0x1] =	stream.linear.gather [spmem:s7], $0x80, $0x38;
	[tilespmem:$0xA200] =	vst v63  }
0xe8: {  	s6 =	simm.s32 $0x7480  }
0xe9: {  	[tilespmem:s6], [sflag:$0x1] =	stream.linear.gather [spmem:s5], $0x80, $0x38;
	[tilespmem:$0xA200] =	vst v63  }
0xea: {  	_ =	swait.ge [sflag:s0], $0x280  }
0xeb: {  	[sflag:s0] =	ssyncset.done $0x0  }
0xec: {  	s8 =	simm.s32 $0x6500;
	s7 =	rddreg [dreg:$0x10];
	[sflag:s0] =	ssyncadd.s32 $0xFFFFFD80  }
0xed: {  	[tilespmem:s8], [sflag:$0x1] =	stream.linear.gather [spmem:s7], $0x80, $0x38;
	[tilespmem:$0xA200] =	vst v63  }
0xee: {  	s5 =	simm.s32 $0x6900  }
0xef: {  	[tilespmem:s5], [sflag:$0x1] =	stream.linear.gather [spmem:s9], $0x80, $0x38;
	[tilespmem:$0xA200] =	vst v63  }
0xf0: {  	s6 =	simm.s32 $0x6D00  }
0xf1: {  	[tilespmem:s6], [sflag:$0x1] =	stream.linear.gather [spmem:s10], $0x80, $0x38;
	[tilespmem:$0xA200] =	vst v63  }
0xf2: {  	s7 =	simm.s32 $0x7100  }
0xf3: {  	[tilespmem:s7], [sflag:$0x1] =	stream.linear.gather [spmem:s11], $0x80, $0x38;
	[tilespmem:$0xA200] =	vst v63  }
0xf4: {  	s8 =	simm.s32 $0x7500  }
0xf5: {  	[tilespmem:s8], [sflag:$0x1] =	stream.linear.gather [spmem:s12], $0x80, $0x38;
	[tilespmem:$0xA200] =	vst v63  }
0xf6: {  	_ =	swait.ge [sflag:s0], $0x280  }
0xf7: {  	[sflag:s0] =	ssyncset.done $0x0  }
0xf8: {  	s6 =	simm.s32 $0x6580;
	s5 =	rddreg [dreg:$0x11];
	[sflag:s0] =	ssyncadd.s32 $0xFFFFFD80  }
0xf9: {  	[tilespmem:s6], [sflag:$0x1] =	stream.linear.gather [spmem:s5], $0x80, $0x38;
	[tilespmem:$0xA200] =	vst v63  }
0xfa: {  	s7 =	simm.s32 $0x6980  }
0xfb: {  	[tilespmem:s7], [sflag:$0x1] =	stream.linear.gather [spmem:s13], $0x80, $0x38;
	[tilespmem:$0xA200] =	vst v63  }
0xfc: {  	s8 =	simm.s32 $0x6D80  }
0xfd: {  	[tilespmem:s8], [sflag:$0x1] =	stream.linear.gather [spmem:s14], $0x80, $0x38;
	[tilespmem:$0xA200] =	vst v63  }
0xfe: {  	s5 =	simm.s32 $0x7180  }
0xff: {  	[tilespmem:s5], [sflag:$0x1] =	stream.linear.gather [spmem:s15], $0x80, $0x38;
	[tilespmem:$0xA200] =	vst v63  }
0x100: {  	s6 =	simm.s32 $0x7580  }
0x101: {  	[tilespmem:s6], [sflag:$0x1] =	stream.linear.gather [spmem:s16], $0x80, $0x38;
	[tilespmem:$0xA200] =	vst v63  }
0x102: {  	_ =	swait.ge [sflag:s0], $0x280  }
0x103: {  	[sflag:s0] =	ssyncset.done $0x0  }
0x104: {  	s8 =	simm.s32 $0x6600;
	s7 =	rddreg [dreg:$0x12];
	[sflag:s0] =	ssyncadd.s32 $0xFFFFFD80  }
0x105: {  	[tilespmem:s8], [sflag:$0x1] =	stream.linear.gather [spmem:s7], $0x80, $0x38;
	[tilespmem:$0xA200] =	vst v63  }
0x106: {  	s5 =	simm.s32 $0x6A00  }
0x107: {  	[tilespmem:s5], [sflag:$0x1] =	stream.linear.gather [spmem:s17], $0x80, $0x38;
	[tilespmem:$0xA200] =	vst v63  }
0x108: {  	s6 =	simm.s32 $0x6E00  }
0x109: {  	[tilespmem:s6], [sflag:$0x1] =	stream.linear.gather [spmem:s18], $0x80, $0x38;
	[tilespmem:$0xA200] =	vst v63  }
0x10a: {  	s7 =	simm.s32 $0x7200  }
0x10b: {  	[tilespmem:s7], [sflag:$0x1] =	stream.linear.gather [spmem:s19], $0x80, $0x38;
	[tilespmem:$0xA200] =	vst v63  }
0x10c: {  	s8 =	simm.s32 $0x7600  }
0x10d: {  	[tilespmem:s8], [sflag:$0x1] =	stream.linear.gather [spmem:s20], $0x80, $0x38;
	[tilespmem:$0xA200] =	vst v63  }
0x10e: {  	_ =	swait.ge [sflag:s0], $0x280  }
0x10f: {  	[sflag:s0] =	ssyncset.done $0x0  }
0x110: {  	s6 =	simm.s32 $0x6680;
	s5 =	rddreg [dreg:$0x13];
	[sflag:s0] =	ssyncadd.s32 $0xFFFFFD80  }
0x111: {  	[tilespmem:s6], [sflag:$0x1] =	stream.linear.gather [spmem:s5], $0x80, $0x38;
	[tilespmem:$0xA200] =	vst v63  }
0x112: {  	s7 =	simm.s32 $0x6A80  }
0x113: {  	[tilespmem:s7], [sflag:$0x1] =	stream.linear.gather [spmem:s21], $0x80, $0x38;
	[tilespmem:$0xA200] =	vst v63  }
0x114: {  	s8 =	simm.s32 $0x6E80  }
0x115: {  	[tilespmem:s8], [sflag:$0x1] =	stream.linear.gather [spmem:s22], $0x80, $0x38;
	[tilespmem:$0xA200] =	vst v63  }
0x116: {  	s5 =	simm.s32 $0x7280  }
0x117: {  	[tilespmem:s5], [sflag:$0x1] =	stream.linear.gather [spmem:s23], $0x80, $0x38;
	[tilespmem:$0xA200] =	vst v63  }
0x118: {  	s6 =	simm.s32 $0x7680  }
0x119: {  	[tilespmem:s6], [sflag:$0x1] =	stream.linear.gather [spmem:s24], $0x80, $0x38;
	[tilespmem:$0xA200] =	vst v63  }
0x11a: {  	_ =	swait.ge [sflag:s0], $0x280  }
0x11b: {  	[sflag:s0] =	ssyncset.done $0x0  }
0x11c: {  	s8 =	simm.s32 $0x6700;
	s7 =	rddreg [dreg:$0x14];
	[sflag:s0] =	ssyncadd.s32 $0xFFFFFD80  }
0x11d: {  	[tilespmem:s8], [sflag:$0x1] =	stream.linear.gather [spmem:s7], $0x80, $0x38;
	[tilespmem:$0xA200] =	vst v63  }
0x11e: {  	s6 =	simm.s32 $0x6B00  }
0x11f: {  	[tilespmem:s6], [sflag:$0x1] =	stream.linear.gather [spmem:s25], $0x80, $0x38;
	[tilespmem:$0xA200] =	vst v63  }
0x120: {  	s7 =	simm.s32 $0x6F00  }
0x121: {  	[tilespmem:s7], [sflag:$0x1] =	stream.linear.gather [spmem:s26], $0x80, $0x38;
	[tilespmem:$0xA200] =	vst v63  }
0x122: {  	s8 =	simm.s32 $0x7300  }
0x123: {  	[tilespmem:s8], [sflag:$0x1] =	stream.linear.gather [spmem:s28], $0x80, $0x38;
	[tilespmem:$0xA200] =	vst v63  }
0x124: {  	s5 =	simm.s32 $0x7700  }
0x125: {  	[tilespmem:s5], [sflag:$0x1] =	stream.linear.gather [spmem:s29], $0x80, $0x38;
	[tilespmem:$0xA200] =	vst v63  }
0x126: {  	s6 =	simm.s32 $0x0;
	_ =	swait.ge [sflag:s0], $0x280  }
0x127: {  	s3 =	sand.u32 $0x1C00, s6;
	s7 =	sand.u32 $0x70, s6;
	[sflag:s0] =	ssyncset.done $0x0  }
0x128: {  	s3 =	sor.u32 s7, s3;
	[sflag:s0] =	ssyncadd.s32 $0xFFFFFD80  }
0x129: {  	v2 =	vld [tilespmem:s3+$0x5000]  }
0x12a: {  	v3 =	vld [tilespmem:s3+$0x4F80];
	_ =	sdelay $0x1  }
0x12b: {  	v4 =	vld [tilespmem:s3+$0x5080];
	_ =	sdelay $0x1  }
0x12c: {  	v5 =	vld [tilespmem:s3+$0x5100]  }
0x12d: {  	v2 =	vadd.f32 v2, v3  }
0x12e: {  	v3 =	vld [tilespmem:s3+$0x5180]  }
0x12f: {  	v2 =	vadd.f32 v4, v2  }
0x130: {  	v56 =	vld [tilespmem:s3+$0x5200]  }
0x131: {  	v2 =	vadd.f32 v5, v2  }
0x132: {  	v57 =	vld [tilespmem:s3+$0x5280]  }
0x133: {  	v2 =	vadd.f32 v3, v2  }
0x134: {  	v3 =	vld [tilespmem:s3+$0x5300]  }
0x135: {  	v2 =	vadd.f32 v56, v2  }
0x136: {  	v58 =	vld [tilespmem:s3+$0x6380]  }
0x137: {  	v2 =	vadd.f32 v57, v2  }
0x138: {  	v59 =	vld [tilespmem:s3+$0x6400]  }
0x139: {  	v2 =	vadd.f32 v3, v2  }
0x13a: {  	v3 =	vld [tilespmem:s3+$0x6480]  }
0x13b: {  	v2 =	vadd.f32 v58, v2  }
0x13c: {  	v60 =	vld [tilespmem:s3+$0x6500]  }
0x13d: {  	v2 =	vadd.f32 v59, v2  }
0x13e: {  	v61 =	vld [tilespmem:s3+$0x6580]  }
0x13f: {  	v2 =	vadd.f32 v3, v2  }
0x140: {  	v3 =	vld [tilespmem:s3+$0x6600]  }
0x141: {  	v2 =	vadd.f32 v60, v2  }
0x142: {  	v62 =	vld [tilespmem:s3+$0x6680]  }
0x143: {  	v2 =	vadd.f32 v61, v2  }
0x144: {  	v63 =	vld [tilespmem:s3+$0x6700]  }
0x145: {  	v2 =	vadd.f32 v3, v2;
	_ =	sdelay $0x1  }
0x146: {  	v2 =	vadd.f32 v62, v2;
	_ =	sdelay $0x1  }
0x147: {  	s6 =	simm.s32 $0x80;
	s8 =	simm.s32 $0x10;
	v2 =	vadd.f32 v63, v2  }
0x148: {  	s7 =	sand.u32 $0x1C00, s6;
	s5 =	sand.u32 $0x70, s8;
	s3 =	simm.s32 $0x7780  }
0x149: {  	s5 =	sor.u32 s5, s7;
	s7 =	simm.s32 $0x20;
	[tilespmem:s3+$0x0] =	vst v2  }
.LBB2_6:
0x14a: {  	p0 =	sne.s32 s7, $0x270;
	v2 =	vld [tilespmem:s5+$0x5000]  }
0x14b: {  	v3 =	vld [tilespmem:s5+$0x4F80];
	_ =	sdelay $0x1  }
0x14c: {  	v4 =	vld [tilespmem:s5+$0x5080];
	_ =	sdelay $0x1  }
0x14d: {  	v5 =	vld [tilespmem:s5+$0x5100]  }
0x14e: {  	v2 =	vadd.f32 v2, v3  }
0x14f: {  	v3 =	vld [tilespmem:s5+$0x5180]  }
0x150: {  	v2 =	vadd.f32 v4, v2  }
0x151: {  	v4 =	vld [tilespmem:s5+$0x5200]  }
0x152: {  	v2 =	vadd.f32 v5, v2  }
0x153: {  	v5 =	vld [tilespmem:s5+$0x5280]  }
0x154: {  	v2 =	vadd.f32 v3, v2  }
0x155: {  	v3 =	vld [tilespmem:s5+$0x5300]  }
0x156: {  	v2 =	vadd.f32 v4, v2  }
0x157: {  	v4 =	vld [tilespmem:s5+$0x6380]  }
0x158: {  	v2 =	vadd.f32 v5, v2  }
0x159: {  	v5 =	vld [tilespmem:s5+$0x6400]  }
0x15a: {  	v2 =	vadd.f32 v3, v2  }
0x15b: {  	v3 =	vld [tilespmem:s5+$0x6480]  }
0x15c: {  	v2 =	vadd.f32 v4, v2  }
0x15d: {  	v4 =	vld [tilespmem:s5+$0x6500]  }
0x15e: {  	v2 =	vadd.f32 v5, v2  }
0x15f: {  	v5 =	vld [tilespmem:s5+$0x6580]  }
0x160: {  	v2 =	vadd.f32 v3, v2  }
0x161: {  	v3 =	vld [tilespmem:s5+$0x6600]  }
0x162: {  	v2 =	vadd.f32 v4, v2  }
0x163: {  	v4 =	vld [tilespmem:s5+$0x6680]  }
0x164: {  	v2 =	vadd.f32 v5, v2  }
0x165: {  	v5 =	vld [tilespmem:s5+$0x6700]  }
0x166: {  	v2 =	vadd.f32 v3, v2;
	_ =	sdelay $0x1  }
.Ltmp2:
0x167: {  	v2 =	vadd.f32 v4, v2;
	(pc) =	sbr.rel @p0 .LBB2_6-.Ltmp2, $4  }
0x168: {  	_ = 	snop  }
0x169: {  	s6 =	sadd.s32 $0x80, s6;
	v2 =	vadd.f32 v5, v2  }
0x16a: {  	s3 =	sadd.s32 $0x10, s3;
	s8 =	sand.u32 $0x1C00, s6;
	s5 =	sand.u32 $0x70, s7  }
0x16b: {  	s7 =	sadd.s32 $0x10, s7;
	s5 =	sor.u32 s5, s8;
	[tilespmem:s3+$0x0] =	vst v2  }
0x16c: {  	v2 =	vld [tilespmem:s5+$0x5000]  }
0x16d: {  	v3 =	vld [tilespmem:s5+$0x4F80];
	_ =	sdelay $0x1  }
0x16e: {  	v4 =	vld [tilespmem:s5+$0x5080];
	_ =	sdelay $0x1  }
0x16f: {  	v5 =	vld [tilespmem:s5+$0x5100]  }
0x170: {  	v2 =	vadd.f32 v2, v3  }
0x171: {  	v3 =	vld [tilespmem:s5+$0x5180]  }
0x172: {  	v2 =	vadd.f32 v4, v2  }
0x173: {  	v56 =	vld [tilespmem:s5+$0x5200]  }
0x174: {  	v2 =	vadd.f32 v5, v2  }
0x175: {  	v57 =	vld [tilespmem:s5+$0x5280]  }
0x176: {  	v2 =	vadd.f32 v3, v2  }
0x177: {  	v3 =	vld [tilespmem:s5+$0x5300]  }
0x178: {  	v2 =	vadd.f32 v56, v2  }
0x179: {  	v58 =	vld [tilespmem:s5+$0x6380]  }
0x17a: {  	v2 =	vadd.f32 v57, v2  }
0x17b: {  	v59 =	vld [tilespmem:s5+$0x6400]  }
0x17c: {  	v2 =	vadd.f32 v3, v2  }
0x17d: {  	v3 =	vld [tilespmem:s5+$0x6480]  }
0x17e: {  	v2 =	vadd.f32 v58, v2  }
0x17f: {  	v60 =	vld [tilespmem:s5+$0x6500]  }
0x180: {  	v2 =	vadd.f32 v59, v2  }
0x181: {  	v61 =	vld [tilespmem:s5+$0x6580]  }
0x182: {  	v2 =	vadd.f32 v3, v2  }
0x183: {  	v3 =	vld [tilespmem:s5+$0x6600]  }
0x184: {  	v2 =	vadd.f32 v60, v2  }
0x185: {  	v62 =	vld [tilespmem:s5+$0x6680]  }
0x186: {  	v2 =	vadd.f32 v61, v2  }
0x187: {  	v63 =	vld [tilespmem:s5+$0x6700]  }
0x188: {  	v2 =	vadd.f32 v3, v2;
	_ =	sdelay $0x1  }
0x189: {  	v2 =	vadd.f32 v62, v2;
	_ =	sdelay $0x1  }
0x18a: {  	v2 =	vadd.f32 v63, v2  }
0x18b: {  	s3 =	sadd.s32 $0x10, s3  }
0x18c: {  	s7 =	simm.s32 $0x100;
	s6 =	simm.s32 $0x7780;
	s5 =	rddreg [dreg:$0x15];
	[tilespmem:s3+$0x0] =	vst v2  }
0x18d: {  	[hbm4b:s5+s30] =	stream.strided.scatter [tilespmem:s6], [sflag:$0x1], $0x280, s7, s30, $0x38;
	[tilespmem:$0xA200] =	vst v63  }
0x18e: {  	_ =	swait.ge [sflag:s0], $0x280  }
0x18f: {  	s2 =	sadd.s32 $0x1, s2;
	s8 =	rddreg [dreg:$0x16]  }
0x190: {  	p0 =	sne.s32 s2, s8  }
.Ltmp3:
0x191: {  	_ = 	snop;
	(pc) =	sbr.rel @p0 .LBB2_1-.Ltmp3, $3  }
0x192: {  	_ =	sdelay $0x1  }
0x193: {  	[sflag:s0] =	ssyncset.done $0x0  }
0x194: {  	[sflag:s0] =	ssyncadd.s32 $0xFFFFFD80  }
0x195: {  	_ =	sfence.sel $0x180000  }
0x196: {  	[bflag:$0x0] =	sbarrier.arrive $0xFFFF  }
0x197: {  	_ =	strace $0x90000047  }
0x198: {  	s0 =	stileid.u32;
	[bflag:$0x2] =	sbarrier.arrive $0xFFFF  }
0x199: {  	p0 =	sne.s32 s0, $0x0;
	s0 =	rddreg [dreg:$0x3]  }
0x19a: {  	s0 =	sadd.s32 @!p0 $0x100000, s0  }
0x19b: {  	[sflag:s0] =	ssyncadd.tile.s32 @!p0 $0x1;
	_ =	shalt  }
.Lfunc_end2:
_tile_overlayer_lowered:
.L_overlay_start_2:
0x19c: {  	(tag) =	ssettag $0x2  }
0x19d: {  	s0 =	rddreg [dreg:$0x0];
	s2 =	stileid.u32  }
0x19e: {  	s1 =	rddreg [dreg:$0x1];
	p0 =	sne.s32 s2, $0x0  }
0x19f: {  	s3 =	rddreg [dreg:$0x2];
	[bflag:$0x3] =	sbarrier.arrive $0xFFFF;
	s2 =	simm.s32 @!p0 $0x1C01  }
0x1a0: {  	[timem:s3], [sflag:s2] =	dma.local @!p0 [hbm:s0], s1  }
0x1a1: {  	s0 =	simm.s32 @!p0 $0x1  }
0x1a2: {  	_ =	swait.ge @!p0 [sflag:s0], s1  }
0x1a3: {  	s1 =	ssub.s32 @!p0 $0x0, s1;
	[sflag:s0] =	ssyncset.done @!p0 $0x0  }
0x1a4: {  	[sflag:s0] =	ssyncadd.s32 @!p0 s1  }
0x1a5: {  	[bflag:$0x3] =	sbarrier.arrive $0xFFFF  }
0x1a6: {  	_ =	shalt  }

// kernel: kernel.9.cloned.1.call-start
scs
__scs_entry_jumppad:
0x0: {  	(pc) =	sbr.rel $0x88, $3  }
0x1: {  	(tag) =	ssettag $0x0;
	lr =	simm.s32 $0x1  }
0x2: {  	[smem:$0x3F98] =	sst lr;
	_ =	strace $0xD0000000  }
0x3: {  	_ = 	snop  }
0x4: {  	_ = 	snop  }
0x5: {  	_ = 	snop  }
0x6: {  	_ = 	snop  }
0x7: {  	_ = 	snop  }
__scs_overlays_trampoline_lowered:
0x8: {  	[smem:$0x3FA7] =	sst s0  }
0x9: {  	[smem:$0x3FA8] =	sst s1  }
0xa: {  	[smem:$0x3FA9] =	sst s2  }
0xb: {  	[smem:$0x3FAA] =	sst s3  }
0xc: {  	[smem:$0x3FAB] =	sst s4  }
0xd: {  	[smem:$0x3FAC] =	sst s5  }
0xe: {  	[smem:$0x3FAD] =	sst s6  }
0xf: {  	[smem:$0x3FAE] =	sst s7  }
0x10: {  	[smem:$0x3FAF] =	sst s8  }
0x11: {  	[smem:$0x3FB0] =	sst s9;
	s0 =	simm.s32 @!p0 $0x0  }
0x12: {  	s1 =	sld [smem:$0x3F96];
	s0 =	simm.s32 @p0 $0x1  }
0x13: {  	[smem:$0x3FB1] =	sst s0;
	s0 =	simm.s32 @!p1 $0x0  }
0x14: {  	s2 =	sld [smem:$0x3F95];
	s0 =	simm.s32 @p1 $0x1  }
0x15: {  	[smem:$0x3FB2] =	sst s0;
	s0 =	simm.s32 @!p2 $0x0  }
0x16: {  	s3 =	sld [smem:$0x3FDB];
	s0 =	simm.s32 @p2 $0x1  }
0x17: {  	s4 =	simm.s32 $0x1BF5;
	[smem:$0x3FB4] =	sst s0  }
0x18: {  	s0 =	sld [smem:$0x3F97];
	_ =	swait.ge [sflag:s4], $0x0  }
0x19: {  	s7 =	sld [smem:$0x3F98]  }
0x1a: {  	s8 =	sadd.s32 $0xFFFFE003, lr  }
0x1b: {  	s9 =	sadd.s32 $0xFFFFFEF7, lr;
	s5 =	simm.s32 $0xFFFFFFFF;
	p2 =	slt.u32 s8, $0xFFFFF086  }
0x1c: {  	p1 =	slt.u32 s9, $0xF7A;
	s5 =	simm.s32 @!p2 $0x0  }
0x1d: {  	s5 =	simm.s32 @p1 $0x1;
	p0 =	seq.s32 s7, s2  }
0x1e: {  	s7 =	smul.u32 @!p0 $0xF7A, s2;
	p2 =	seq.s32 @!p0 s5, $0x0  }
0x1f: {  	s9 =	smul.u32 $0xF7A, s1;
	s8 =	simm.s32 @!p0 $0x1BF5;
	p2 =	por !p2, p0  }
0x20: {  	[sflag:s8] =	ssyncset.s32 @!p0 $0xFFFFF086;
	s6 =	sadd.s32 @!p0 s3, s7;
	s7 =	simm.s32 @!p0 $0x108  }
0x21: {  	s3 =	sadd.s32 s3, s9;
	s6 =	sadd.s32 @!p0 $0x88, s6;
	s7 =	simm.s32 @p2 $0x1082  }
0x22: {  	[simem:s7], [sflag:s8] =	dma.local @!p0 [hbm:s6], $0xF7A  }
0x23: {  	s9 =	sor.u32 $0xD0000000, s2;
	s6 =	simm.s32 $0x108;
	_ =	swait.ge @!p0 [sflag:s8], $0x0  }
0x24: {  	s3 =	sadd.s32 $0x88, s3;
	s6 =	simm.s32 @!p1 $0x1082;
	[sflag:s4] =	ssyncset.s32 $0xFFFFF086  }
0x25: {  	[simem:s6], [sflag:s4] =	dma.local [hbm:s3], $0xF7A  }
0x26: {  	[smem:$0x3F98] =	sst s1;
	(tag) =	ssettag s2;
	_ =	strace s9  }
0x27: {  	s1 =	sld [smem:$0x3FA8]  }
0x28: {  	s2 =	sld [smem:$0x3FA9]  }
0x29: {  	s4 =	sld [smem:$0x3FAB]  }
0x2a: {  	p0 =	seq.s32 s5, $0x0;
	s5 =	sld [smem:$0x3FAC]  }
0x2b: {  	s6 =	sld [smem:$0x3FAD]  }
0x2c: {  	s7 =	sld [smem:$0x3FAE]  }
0x2d: {  	s3 =	simm.s32 $0x108;
	s8 =	sld [smem:$0x3FAF]  }
0x2e: {  	s3 =	simm.s32 @!p0 $0x1082;
	s9 =	sld [smem:$0x3FB0]  }
0x2f: {  	lr =	sadd.s32 s0, s3;
	s0 =	sld [smem:$0x3FA7]  }
0x30: {  	s3 =	sld [smem:$0x3FAA]  }
0x31: {  	[smem:$0x3FB3] =	sst s10  }
0x32: {  	s10 =	sld [smem:$0x3FB1];
	_ =	sdelay $0x3  }
0x33: {  	p0 =	seq.s32 s10, $0x1;
	s10 =	sld [smem:$0x3FB3];
	_ =	sdelay $0x3  }
0x34: {  	[smem:$0x3FB3] =	sst s10  }
0x35: {  	s10 =	sld [smem:$0x3FB2];
	_ =	sdelay $0x3  }
0x36: {  	p1 =	seq.s32 s10, $0x1;
	s10 =	sld [smem:$0x3FB3];
	_ =	sdelay $0x3  }
0x37: {  	[smem:$0x3FB3] =	sst s10  }
0x38: {  	s10 =	sld [smem:$0x3FB4]  }
0x39: {  	_ = 	snop;
	(pc) =	sbr.ind lr, $3  }
0x3a: {  	_ = 	snop  }
0x3b: {  	_ = 	snop  }
0x3c: {  	p2 =	seq.s32 s10, $0x1;
	s10 =	sld [smem:$0x3FB3]  }
0x3d: {  	_ =	shalt  }
0x3e: {  	_ =	shalt  }
0x3f: {  	_ =	shalt  }
0x40: {  	_ =	shalt  }
0x41: {  	_ =	shalt  }
0x42: {  	_ =	shalt  }
0x43: {  	_ =	shalt  }
0x44: {  	_ =	shalt  }
0x45: {  	_ =	shalt  }
0x46: {  	_ =	shalt  }
0x47: {  	_ =	shalt  }
0x48: {  	_ =	shalt  }
0x49: {  	_ =	shalt  }
0x4a: {  	_ =	shalt  }
0x4b: {  	_ =	shalt  }
0x4c: {  	_ =	shalt  }
0x4d: {  	_ =	shalt  }
0x4e: {  	_ =	shalt  }
0x4f: {  	_ =	shalt  }
0x50: {  	_ =	shalt  }
0x51: {  	_ =	shalt  }
0x52: {  	_ =	shalt  }
0x53: {  	_ =	shalt  }
0x54: {  	_ =	shalt  }
0x55: {  	_ =	shalt  }
0x56: {  	_ =	shalt  }
0x57: {  	_ =	shalt  }
0x58: {  	_ =	shalt  }
0x59: {  	_ =	shalt  }
0x5a: {  	_ =	shalt  }
0x5b: {  	_ =	shalt  }
0x5c: {  	_ =	shalt  }
0x5d: {  	_ =	shalt  }
0x5e: {  	_ =	shalt  }
0x5f: {  	_ =	shalt  }
0x60: {  	_ =	shalt  }
0x61: {  	_ =	shalt  }
0x62: {  	_ =	shalt  }
0x63: {  	_ =	shalt  }
0x64: {  	_ =	shalt  }
0x65: {  	_ =	shalt  }
0x66: {  	_ =	shalt  }
0x67: {  	_ =	shalt  }
0x68: {  	_ =	shalt  }
0x69: {  	_ =	shalt  }
0x6a: {  	_ =	shalt  }
0x6b: {  	_ =	shalt  }
0x6c: {  	_ =	shalt  }
0x6d: {  	_ =	shalt  }
0x6e: {  	_ =	shalt  }
0x6f: {  	_ =	shalt  }
0x70: {  	_ =	shalt  }
0x71: {  	_ =	shalt  }
0x72: {  	_ =	shalt  }
0x73: {  	_ =	shalt  }
0x74: {  	_ =	shalt  }
0x75: {  	_ =	shalt  }
0x76: {  	_ =	shalt  }
0x77: {  	_ =	shalt  }
0x78: {  	_ =	shalt  }
0x79: {  	_ =	shalt  }
0x7a: {  	_ =	shalt  }
0x7b: {  	_ =	shalt  }
0x7c: {  	_ =	shalt  }
0x7d: {  	_ =	shalt  }
0x7e: {  	_ =	shalt  }
0x7f: {  	_ =	shalt  }
0x80: {  	_ =	shalt  }
0x81: {  	_ =	shalt  }
0x82: {  	_ =	shalt  }
0x83: {  	_ =	shalt  }
0x84: {  	_ =	shalt  }
0x85: {  	_ =	shalt  }
0x86: {  	_ =	shalt  }
0x87: {  	_ =	shalt  }
.Lfunc_end0:
.L_simem_size_0:
called_computation.1_lowered:
.L_overlay_start_0:
0x88: {  	s2 =	sld [smem:$0x3FD9]  }
0x89: {  	s3 =	sld [smem:$0x3FFE];
	_ =	sdelay $0x1  }
0x8a: {  	s1 =	srdreg.scid  }
0x8b: {  	s0 =	sand.u32 $0x1, s1  }
0x8c: {  	s17 =	sshll.u32 s0, $0xA;
	s2 =	sadd.s32 s3, s2  }
0x8d: {  	s2 =	sadd.s32 s2, s17  }
0x8e: {  	[smem:$0x3FBF] =	sst s2  }
0x8f: {  	_ = 	snop  }
0x90: {  	s2 =	sld [smem:$0x3FD0];
	(tm) =	ssettm $0x1  }
0x91: {  	s18 =	sld [smem:$0x3FFB];
	_ =	sdelay $0x3  }
0x92: {  	_ =	strace s18  }
0x93: {  	s3 =	sld [smem:$0x3FFC];
	_ =	sdelay $0x3  }
0x94: {  	_ =	strace s3  }
0x95: {  	s3 =	sld [smem:$0x3FFD];
	_ =	sdelay $0x3  }
0x96: {  	_ =	strace s3  }
0x97: {  	_ =	strace $0x8FFFFFFF  }
0x98: {  	s19 =	sld [smem:$0x3FDB];
	_ =	sdelay $0x1  }
0x99: {  	s4 =	simm.s32 $_scs_section_size  }
0x9a: {  	s5 =	simm.s32 $_size__tile_overlayer_lowered;
	s6 =	simm.s32 $_tile_overlayer_lowered  }
0x9b: {  	s22 =	simm.s32 $0x1BFF;
	s21 =	sshll.u32 s6, $0x1;
	s3 =	sadd.s32 s4, s19  }
0x9c: {  	s7 =	simm.s32 $0x0;
	s20 =	sshll.u32 s5, $0x1;
	s5 =	sadd.s32 s21, s3  }
0x9d: {  	[timem:s7], [sflag:s22] =	dma.local [hbm:s5], s20  }
0x9e: {  	_ =	swait.ge [sflag:s22], s20  }
0x9f: {  	s4 =	ssub.s32 $0x0, s20;
	[sflag:s22] =	ssyncset.done $0x0  }
0xa0: {  	[sflag:s22] =	ssyncadd.s32 s4;
	_ =	sdelay $0x1  }
0xa1: {  	s23 =	simm.s32 $0x1B8B  }
0xa2: {  	_ =	swait.ge [sflag:s23], $0x1  }
0xa3: {  	[sflag:s23] =	ssyncset.done $0x0  }
0xa4: {  	s25 =	simm.s32 $0x1B8E;
	s24 =	sld [smem:$0x3FFE];
	[sflag:s23] =	ssyncadd.s32 $0xFFFFFFFF  }
0xa5: {  	s26 =	simm.s32 $execute0_lowered;
	[smem:$0x3FD2] =	sst s25  }
0xa6: {  	s5 =	sshll.u32 s26, $0x1;
	_ =	strace $0x80000049;
	[dreg:$0x1] =	wrdreg $0xFFFFFFFF  }
0xa7: {  	s28 =	simm.s32 $_size_execute0_lowered;
	s3 =	sadd.s32 s3, s5;
	[dreg:$0x0] =	wrdreg $0x0  }
0xa8: {  	s5 =	sshll.u32 s28, $0x1;
	[dreg:$0x2] =	wrdreg s3  }
0xa9: {  	[dreg:$0x3] =	wrdreg s5  }
0xaa: {  	[dreg:$0x4] =	wrdreg $0xC0  }
0xab: {  	_ =	task [dreg:s7], $0x5FFFF  }
0xac: {  	[dreg:$0x1] =	wrdreg $0xFFFFFFFF  }
0xad: {  	[dreg:$0x0] =	wrdreg $0x60  }
0xae: {  	[dreg:$0x2] =	wrdreg s2  }
0xaf: {  	[dreg:$0x3] =	wrdreg s24  }
0xb0: {  	[dreg:$0x4] =	wrdreg $0xCBC00  }
0xb1: {  	[dreg:$0x5] =	wrdreg $0x9  }
0xb2: {  	_ =	task.clear_ibuf [dreg:s7], $0x6FFFF;
	_ =	strace $0x90000049  }
0xb3: {  	s29 =	simm.s32 $0x9;
	_ =	strace $0x8000004B  }
0xb4: {  	_ =	swait.ge [sflag:s29], $0x1  }
0xb5: {  	[sflag:s29] =	ssyncadd.s32 $0xFFFFFFFF  }
0xb6: {  	_ =	strace $0x9000004B  }
0xb7: {  	_ =	sfence  }
0xb8: {  	s30 =	sld [smem:$0x0];
	_ =	sdelay $0x2  }
0xb9: {  	s31 =	sshll.u32 s1, $0xD;
	s1 =	sshrl.u32 s1, $0x2  }
0xba: {  	s3 =	sand.u32 $0x4000, s31;
	s1 =	sadd.s32 s1, s30  }
0xbb: {  	s0 =	sor.u32 s3, s0;
	s1 =	sshll.u32 s1, $0x11  }
0xbc: {  	s0 =	sor.u32 s1, s0  }
0xbd: {  	s0 =	sadd.s32 $0x8F2B, s0  }
0xbe: {  	[sflag:s0] =	ssyncadd.remote.s32 $0x1  }
0xbf: {  	_ =	sfence.sel $0xFFFF  }
0xc0: {  	[dreg:$0x0] =	wrdreg $0xFFFFFFFF;
	(pc) =	sbr.abs _section_cstart, $3  }
0xc1: {  	[dreg:$0x1] =	wrdreg $0xFFFFFFFF  }
0xc2: {  	_ =	task.clear_ibuf [dreg:s7], $0x2FFFF;
	_ =	strace $0x9FFFFFFF  }
0xc3: {  	(tm) =	ssettm $0x7FFFFFFF  }
tec
execute0_lowered:
.L_overlay_start_1:
0x0: {  	(tag) =	ssettag $0x1  }
0x1: {  	s1 =	rddreg [dreg:$0x0]  }
0x2: {  	s0 =	srdreg.scid;
	s2 =	rddreg [dreg:$0x1]  }
0x3: {  	s8 =	stileid.u32;
	s3 =	rddreg [dreg:$0x2]  }
0x4: {  	s4 =	simm.s32 $0x0;
	s11 =	simm.s32 $0x4EC0;
	s12 =	simm.s32 $0x3  }
0x5: {  	s13 =	simm.s32 $0x2760;
	s14 =	simm.s32 $0x1F4;
	s16 =	simm.s32 $0x8D40  }
0x6: {  	s17 =	simm.s32 $0x1;
	s19 =	simm.s32 $0x2;
	s31 =	simm.s32 $0x1D88  }
0x7: {  	s15 =	simm.s32 $0x44E8;
	s18 =	simm.s32 $0x2178;
	s20 =	simm.s32 $0x46E0  }
0x8: {  	s21 =	simm.s32 $0x2370;
	s22 =	simm.s32 $0x48D8;
	s23 =	simm.s32 $0x2568  }
0x9: {  	s24 =	simm.s32 $0x4AD0;
	s25 =	simm.s32 $0x4CC8;
	s5 =	smul.u32 $0xA000, s8  }
0xa: {  	s0 =	sand.u32 $0x1, s0;
	s6 =	sshll.u32 s8, $0x1;
	s8 =	smul.u32 $0x14000, s8  }
0xb: {  	s26 =	simm.s32 $0x0;
	[smem:$0x7FF] =	sst s4;
	s7 =	smul.u32 $0xA0000, s0  }
0xc: {  	s6 =	sor.u32 s0, s6;
	_ =	strace $0x8000004A;
	s0 =	ssub.s32 $0x2, s0  }
0xd: {  	s6 =	smul.u32 $0x4EC, s6;
	s28 =	sshrl.u32 s0, $0x1;
	s29 =	sshrl.u32 s8, $0x2  }
0xe: {  	s7 =	sadd.s32 s5, s7;
	s5 =	sshrl.u32 s5, $0x1;
	s0 =	ssub.s32 s0, s28  }
0xf: {  	s30 =	sadd.s32 s29, s3;
	s7 =	sshrl.u32 s7, $0x4;
	s9 =	sadd.s32 s6, s2  }
0x10: {  	s5 =	sadd.s32 s5, s3;
	s6 =	sadd.s32 $0x2800, s30;
	s10 =	smax.u32 s0, $0x1  }
0x11: {  	s0 =	simm.s32 $0x1F80;
	s2 =	sadd.s32 s7, s2;
	s7 =	sadd.s32 $0xC400, s9  }
0x12: {  	v0 =	vimm.bf16 $0.0e+00;
	s8 =	sadd.s32 $0x2600, s9;
	s9 =	sadd.s32 $0x16200, s2;
	s2 =	simm.s32 $0x42F0  }
.LBB2_1:
0x13: {  	s28 =	simm.s32 $0x80;
	s29 =	simm.s32 $0x0  }
.LBB2_2:
0x14: {  	p0 =	sne.s32 s28, $0x9F80;
	[tilespmem:s29+$0x4EC0] =	vst v0;
	s30 =	smov.u32 s28;
	s28 =	sadd.s32 $0x80, s28  }
.Ltmp0:
0x15: {  	[tilespmem:s29+$0x4ED0] =	vst v0;
	(pc) =	sbr.rel @p0 .LBB2_2-.Ltmp0, $2  }
0x16: {  	_ =	sdelay $0x2  }
0x17: {  	s29 =	sshra.s32 s30, $0x2  }
0x18: {  	[tilespmem:s29+$0x4EC0] =	vst v0  }
0x19: {  	[tilespmem:s29+$0x4ED0] =	vst v0  }
0x1a: {  	[spmem:s5] =	stream.linear.scatter [tilespmem:s11], [sflag:$0x3], $0x2800, $0x38;
	[tilespmem:$0x11BC0] =	vst v63  }
0x1b: {  	_ =	swait.ge [sflag:s12], $0x2800  }
0x1c: {  	[sflag:s12] =	ssyncset.done $0x0  }
0x1d: {  	[sflag:s12] =	ssyncadd.s32 $0xFFFFD800  }
0x1e: {  	[spmem:s6] =	stream.linear.scatter [tilespmem:s11], [sflag:$0x3], $0x2800, $0x38;
	[tilespmem:$0x11BC0] =	vst v63  }
0x1f: {  	_ =	swait.ge [sflag:s12], $0x2800  }
0x20: {  	[sflag:s12] =	ssyncset.done $0x0  }
0x21: {  	[sflag:s12] =	ssyncadd.s32 $0xFFFFD800  }
0x22: {  	[bflag:$0x0] =	sbarrier.arrive $0xFFFF  }
0x23: {  	[tilespmem:s4], [sflag:$0x3] =	stream.linear.gather [hbm4b:s7+s4], $0x2760, $0x38;
	[tilespmem:$0x11BC0] =	vst v63  }
0x24: {  	_ =	swait.ge [sflag:s12], $0x2760  }
0x25: {  	[sflag:s12] =	ssyncset.done $0x0  }
0x26: {  	[sflag:s12] =	ssyncadd.s32 $0xFFFFD8A0  }
0x27: {  	[tilespmem:s13], [sflag:$0x3] =	stream.linear.gather [hbm4b:s8+s4], $0x2760, $0x38;
	[tilespmem:$0x11BC0] =	vst v63  }
0x28: {  	_ =	swait.ge [sflag:s12], $0x2760  }
0x29: {  	[sflag:s12] =	ssyncset.done $0x0  }
0x2a: {  	[sflag:s12] =	ssyncadd.s32 $0xFFFFD8A0  }
0x2b: {  	[tilespmem:s11], [sflag:$0x1] =	stream.indirect.gather [hbm4b:s1+s14], $0x20, s4, s14, $0xb8;
	[tilespmem:$0x11BC0] =	vst v63  }
0x2c: {  	s28 =	simm.s32 $0x1F8  }
0x2d: {  	[tilespmem:s16], [sflag:$0x2] =	stream.indirect.gather [hbm4b:s1+s14], $0x20, s28, s14, $0xb8;
	[tilespmem:$0x11BC0] =	vst v63  }
0x2e: {  	_ =	swait.ge [sflag:s17], $0x3E80  }
0x2f: {  	[sflag:s17] =	ssyncset.done $0x0  }
0x30: {  	[sflag:s17] =	ssyncadd.s32 $0xFFFFC180  }
0x31: {  	[spmem:s3] =	stream.indirect.scatter.add.bf16 [tilespmem:s11], [sflag:$0x3], $0x20, s13, s14, $0xb8;
	[tilespmem:$0x11BC0] =	vst v63  }
0x32: {  	_ =	swait.ge [sflag:s12], $0x3E80  }
0x33: {  	[sflag:s12] =	ssyncset.done $0x0  }
0x34: {  	s29 =	simm.s32 $0x3F0;
	[sflag:s12] =	ssyncadd.s32 $0xFFFFC180  }
0x35: {  	[tilespmem:s11], [sflag:$0x1] =	stream.indirect.gather [hbm4b:s1+s14], $0x20, s29, s14, $0xb8;
	[tilespmem:$0x11BC0] =	vst v63  }
0x36: {  	_ =	swait.ge [sflag:s19], $0x3E80  }
0x37: {  	[sflag:s19] =	ssyncset.done $0x0  }
0x38: {  	s30 =	simm.s32 $0x2958;
	[sflag:s19] =	ssyncadd.s32 $0xFFFFC180  }
0x39: {  	[spmem:s3] =	stream.indirect.scatter.add.bf16 [tilespmem:s16], [sflag:$0x3], $0x20, s30, s14, $0xb8;
	[tilespmem:$0x11BC0] =	vst v63  }
0x3a: {  	_ =	swait.ge [sflag:s12], $0x3E80  }
0x3b: {  	[sflag:s12] =	ssyncset.done $0x0  }
0x3c: {  	s29 =	simm.s32 $0x5E8;
	[sflag:s12] =	ssyncadd.s32 $0xFFFFC180  }
0x3d: {  	[tilespmem:s16], [sflag:$0x2] =	stream.indirect.gather [hbm4b:s1+s14], $0x20, s29, s14, $0xb8;
	[tilespmem:$0x11BC0] =	vst v63  }
0x3e: {  	_ =	swait.ge [sflag:s17], $0x3E80  }
0x3f: {  	[sflag:s17] =	ssyncset.done $0x0  }
0x40: {  	s30 =	simm.s32 $0x2B50;
	[sflag:s17] =	ssyncadd.s32 $0xFFFFC180  }
0x41: {  	[spmem:s3] =	stream.indirect.scatter.add.bf16 [tilespmem:s11], [sflag:$0x3], $0x20, s30, s14, $0xb8;
	[tilespmem:$0x11BC0] =	vst v63  }
0x42: {  	_ =	swait.ge [sflag:s12], $0x3E80  }
0x43: {  	[sflag:s12] =	ssyncset.done $0x0  }
0x44: {  	s29 =	simm.s32 $0x7E0;
	[sflag:s12] =	ssyncadd.s32 $0xFFFFC180  }
0x45: {  	[tilespmem:s11], [sflag:$0x1] =	stream.indirect.gather [hbm4b:s1+s14], $0x20, s29, s14, $0xb8;
	[tilespmem:$0x11BC0] =	vst v63  }
0x46: {  	_ =	swait.ge [sflag:s19], $0x3E80  }
0x47: {  	[sflag:s19] =	ssyncset.done $0x0  }
0x48: {  	s30 =	simm.s32 $0x2D48;
	[sflag:s19] =	ssyncadd.s32 $0xFFFFC180  }
0x49: {  	[spmem:s3] =	stream.indirect.scatter.add.bf16 [tilespmem:s16], [sflag:$0x3], $0x20, s30, s14, $0xb8;
	[tilespmem:$0x11BC0] =	vst v63  }
0x4a: {  	_ =	swait.ge [sflag:s12], $0x3E80  }
0x4b: {  	[sflag:s12] =	ssyncset.done $0x0  }
0x4c: {  	s29 =	simm.s32 $0x9D8;
	[sflag:s12] =	ssyncadd.s32 $0xFFFFC180  }
0x4d: {  	[tilespmem:s16], [sflag:$0x2] =	stream.indirect.gather [hbm4b:s1+s14], $0x20, s29, s14, $0xb8;
	[tilespmem:$0x11BC0] =	vst v63  }
0x4e: {  	_ =	swait.ge [sflag:s17], $0x3E80  }
0x4f: {  	[sflag:s17] =	ssyncset.done $0x0  }
0x50: {  	s30 =	simm.s32 $0x2F40;
	[sflag:s17] =	ssyncadd.s32 $0xFFFFC180  }
0x51: {  	[spmem:s3] =	stream.indirect.scatter.add.bf16 [tilespmem:s11], [sflag:$0x3], $0x20, s30, s14, $0xb8;
	[tilespmem:$0x11BC0] =	vst v63  }
0x52: {  	_ =	swait.ge [sflag:s12], $0x3E80  }
0x53: {  	[sflag:s12] =	ssyncset.done $0x0  }
0x54: {  	s29 =	simm.s32 $0xBD0;
	[sflag:s12] =	ssyncadd.s32 $0xFFFFC180  }
0x55: {  	[tilespmem:s11], [sflag:$0x1] =	stream.indirect.gather [hbm4b:s1+s14], $0x20, s29, s14, $0xb8;
	[tilespmem:$0x11BC0] =	vst v63  }
0x56: {  	_ =	swait.ge [sflag:s19], $0x3E80  }
0x57: {  	[sflag:s19] =	ssyncset.done $0x0  }
0x58: {  	s30 =	simm.s32 $0x3138;
	[sflag:s19] =	ssyncadd.s32 $0xFFFFC180  }
0x59: {  	[spmem:s3] =	stream.indirect.scatter.add.bf16 [tilespmem:s16], [sflag:$0x3], $0x20, s30, s14, $0xb8;
	[tilespmem:$0x11BC0] =	vst v63  }
0x5a: {  	_ =	swait.ge [sflag:s12], $0x3E80  }
0x5b: {  	[sflag:s12] =	ssyncset.done $0x0  }
0x5c: {  	s29 =	simm.s32 $0xDC8;
	[sflag:s12] =	ssyncadd.s32 $0xFFFFC180  }
0x5d: {  	[tilespmem:s16], [sflag:$0x2] =	stream.indirect.gather [hbm4b:s1+s14], $0x20, s29, s14, $0xb8;
	[tilespmem:$0x11BC0] =	vst v63  }
0x5e: {  	_ =	swait.ge [sflag:s17], $0x3E80  }
0x5f: {  	[sflag:s17] =	ssyncset.done $0x0  }
0x60: {  	s30 =	simm.s32 $0x3330;
	[sflag:s17] =	ssyncadd.s32 $0xFFFFC180  }
0x61: {  	[spmem:s3] =	stream.indirect.scatter.add.bf16 [tilespmem:s11], [sflag:$0x3], $0x20, s30, s14, $0xb8;
	[tilespmem:$0x11BC0] =	vst v63  }
0x62: {  	_ =	swait.ge [sflag:s12], $0x3E80  }
0x63: {  	[sflag:s12] =	ssyncset.done $0x0  }
0x64: {  	s29 =	simm.s32 $0xFC0;
	[sflag:s12] =	ssyncadd.s32 $0xFFFFC180  }
0x65: {  	[tilespmem:s11], [sflag:$0x1] =	stream.indirect.gather [hbm4b:s1+s14], $0x20, s29, s14, $0xb8;
	[tilespmem:$0x11BC0] =	vst v63  }
0x66: {  	_ =	swait.ge [sflag:s19], $0x3E80  }
0x67: {  	[sflag:s19] =	ssyncset.done $0x0  }
0x68: {  	s30 =	simm.s32 $0x3528;
	[sflag:s19] =	ssyncadd.s32 $0xFFFFC180  }
0x69: {  	[spmem:s3] =	stream.indirect.scatter.add.bf16 [tilespmem:s16], [sflag:$0x3], $0x20, s30, s14, $0xb8;
	[tilespmem:$0x11BC0] =	vst v63  }
0x6a: {  	_ =	swait.ge [sflag:s12], $0x3E80  }
0x6b: {  	[sflag:s12] =	ssyncset.done $0x0  }
0x6c: {  	s29 =	simm.s32 $0x11B8;
	[sflag:s12] =	ssyncadd.s32 $0xFFFFC180  }
0x6d: {  	[tilespmem:s16], [sflag:$0x2] =	stream.indirect.gather [hbm4b:s1+s14], $0x20, s29, s14, $0xb8;
	[tilespmem:$0x11BC0] =	vst v63  }
0x6e: {  	_ =	swait.ge [sflag:s17], $0x3E80  }
0x6f: {  	[sflag:s17] =	ssyncset.done $0x0  }
0x70: {  	s30 =	simm.s32 $0x3720;
	[sflag:s17] =	ssyncadd.s32 $0xFFFFC180  }
0x71: {  	[spmem:s3] =	stream.indirect.scatter.add.bf16 [tilespmem:s11], [sflag:$0x3], $0x20, s30, s14, $0xb8;
	[tilespmem:$0x11BC0] =	vst v63  }
0x72: {  	_ =	swait.ge [sflag:s12], $0x3E80  }
0x73: {  	[sflag:s12] =	ssyncset.done $0x0  }
0x74: {  	s29 =	simm.s32 $0x13B0;
	[sflag:s12] =	ssyncadd.s32 $0xFFFFC180  }
0x75: {  	[tilespmem:s11], [sflag:$0x1] =	stream.indirect.gather [hbm4b:s1+s14], $0x20, s29, s14, $0xb8;
	[tilespmem:$0x11BC0] =	vst v63  }
0x76: {  	_ =	swait.ge [sflag:s19], $0x3E80  }
0x77: {  	[sflag:s19] =	ssyncset.done $0x0  }
0x78: {  	s30 =	simm.s32 $0x3918;
	[sflag:s19] =	ssyncadd.s32 $0xFFFFC180  }
0x79: {  	[spmem:s3] =	stream.indirect.scatter.add.bf16 [tilespmem:s16], [sflag:$0x3], $0x20, s30, s14, $0xb8;
	[tilespmem:$0x11BC0] =	vst v63  }
0x7a: {  	_ =	swait.ge [sflag:s12], $0x3E80  }
0x7b: {  	[sflag:s12] =	ssyncset.done $0x0  }
0x7c: {  	s29 =	simm.s32 $0x15A8;
	[sflag:s12] =	ssyncadd.s32 $0xFFFFC180  }
0x7d: {  	[tilespmem:s16], [sflag:$0x2] =	stream.indirect.gather [hbm4b:s1+s14], $0x20, s29, s14, $0xb8;
	[tilespmem:$0x11BC0] =	vst v63  }
0x7e: {  	_ =	swait.ge [sflag:s17], $0x3E80  }
0x7f: {  	[sflag:s17] =	ssyncset.done $0x0  }
0x80: {  	s30 =	simm.s32 $0x3B10;
	[sflag:s17] =	ssyncadd.s32 $0xFFFFC180  }
0x81: {  	[spmem:s3] =	stream.indirect.scatter.add.bf16 [tilespmem:s11], [sflag:$0x3], $0x20, s30, s14, $0xb8;
	[tilespmem:$0x11BC0] =	vst v63  }
0x82: {  	_ =	swait.ge [sflag:s12], $0x3E80  }
0x83: {  	[sflag:s12] =	ssyncset.done $0x0  }
0x84: {  	s29 =	simm.s32 $0x17A0;
	[sflag:s12] =	ssyncadd.s32 $0xFFFFC180  }
0x85: {  	[tilespmem:s11], [sflag:$0x1] =	stream.indirect.gather [hbm4b:s1+s14], $0x20, s29, s14, $0xb8;
	[tilespmem:$0x11BC0] =	vst v63  }
0x86: {  	_ =	swait.ge [sflag:s19], $0x3E80  }
0x87: {  	[sflag:s19] =	ssyncset.done $0x0  }
0x88: {  	s30 =	simm.s32 $0x3D08;
	[sflag:s19] =	ssyncadd.s32 $0xFFFFC180  }
0x89: {  	[spmem:s3] =	stream.indirect.scatter.add.bf16 [tilespmem:s16], [sflag:$0x3], $0x20, s30, s14, $0xb8;
	[tilespmem:$0x11BC0] =	vst v63  }
0x8a: {  	_ =	swait.ge [sflag:s12], $0x3E80  }
0x8b: {  	[sflag:s12] =	ssyncset.done $0x0  }
0x8c: {  	s29 =	simm.s32 $0x1998;
	[sflag:s12] =	ssyncadd.s32 $0xFFFFC180  }
0x8d: {  	[tilespmem:s16], [sflag:$0x2] =	stream.indirect.gather [hbm4b:s1+s14], $0x20, s29, s14, $0xb8;
	[tilespmem:$0x11BC0] =	vst v63  }
0x8e: {  	_ =	swait.ge [sflag:s17], $0x3E80  }
0x8f: {  	[sflag:s17] =	ssyncset.done $0x0  }
0x90: {  	s30 =	simm.s32 $0x3F00;
	[sflag:s17] =	ssyncadd.s32 $0xFFFFC180  }
0x91: {  	[spmem:s3] =	stream.indirect.scatter.add.bf16 [tilespmem:s11], [sflag:$0x3], $0x20, s30, s14, $0xb8;
	[tilespmem:$0x11BC0] =	vst v63  }
0x92: {  	_ =	swait.ge [sflag:s12], $0x3E80  }
0x93: {  	[sflag:s12] =	ssyncset.done $0x0  }
0x94: {  	s29 =	simm.s32 $0x1B90;
	[sflag:s12] =	ssyncadd.s32 $0xFFFFC180  }
0x95: {  	[tilespmem:s11], [sflag:$0x1] =	stream.indirect.gather [hbm4b:s1+s14], $0x20, s29, s14, $0xb8;
	[tilespmem:$0x11BC0] =	vst v63  }
0x96: {  	_ =	swait.ge [sflag:s19], $0x3E80  }
0x97: {  	[sflag:s19] =	ssyncset.done $0x0  }
0x98: {  	s30 =	simm.s32 $0x40F8;
	[sflag:s19] =	ssyncadd.s32 $0xFFFFC180  }
0x99: {  	[spmem:s3] =	stream.indirect.scatter.add.bf16 [tilespmem:s16], [sflag:$0x3], $0x20, s30, s14, $0xb8;
	[tilespmem:$0x11BC0] =	vst v63  }
0x9a: {  	_ =	swait.ge [sflag:s12], $0x3E80  }
0x9b: {  	[sflag:s12] =	ssyncset.done $0x0  }
0x9c: {  	[sflag:s12] =	ssyncadd.s32 $0xFFFFC180  }
0x9d: {  	[tilespmem:s16], [sflag:$0x2] =	stream.indirect.gather [hbm4b:s1+s14], $0x20, s31, s14, $0xb8;
	[tilespmem:$0x11BC0] =	vst v63  }
0x9e: {  	_ =	swait.ge [sflag:s17], $0x3E80  }
0x9f: {  	[sflag:s17] =	ssyncset.done $0x0  }
0xa0: {  	[sflag:s17] =	ssyncadd.s32 $0xFFFFC180  }
0xa1: {  	[spmem:s3] =	stream.indirect.scatter.add.bf16 [tilespmem:s11], [sflag:$0x3], $0x20, s2, s14, $0xb8;
	[tilespmem:$0x11BC0] =	vst v63  }
0xa2: {  	_ =	swait.ge [sflag:s12], $0x3E80  }
0xa3: {  	[sflag:s12] =	ssyncset.done $0x0  }
0xa4: {  	[sflag:s12] =	ssyncadd.s32 $0xFFFFC180  }
0xa5: {  	[tilespmem:s11], [sflag:$0x1] =	stream.indirect.gather [hbm4b:s1+s14], $0x20, s0, s14, $0xb8;
	[tilespmem:$0x11BC0] =	vst v63  }
0xa6: {  	_ =	swait.ge [sflag:s19], $0x3E80  }
0xa7: {  	[sflag:s19] =	ssyncset.done $0x0  }
0xa8: {  	[sflag:s19] =	ssyncadd.s32 $0xFFFFC180  }
0xa9: {  	[spmem:s3] =	stream.indirect.scatter.add.bf16 [tilespmem:s16], [sflag:$0x3], $0x20, s15, s14, $0xb8;
	[tilespmem:$0x11BC0] =	vst v63  }
0xaa: {  	_ =	swait.ge [sflag:s12], $0x3E80  }
0xab: {  	[sflag:s12] =	ssyncset.done $0x0  }
0xac: {  	[sflag:s12] =	ssyncadd.s32 $0xFFFFC180  }
0xad: {  	[tilespmem:s16], [sflag:$0x2] =	stream.indirect.gather [hbm4b:s1+s14], $0x20, s18, s14, $0xb8;
	[tilespmem:$0x11BC0] =	vst v63  }
0xae: {  	_ =	swait.ge [sflag:s17], $0x3E80  }
0xaf: {  	[sflag:s17] =	ssyncset.done $0x0  }
0xb0: {  	[sflag:s17] =	ssyncadd.s32 $0xFFFFC180  }
0xb1: {  	[spmem:s3] =	stream.indirect.scatter.add.bf16 [tilespmem:s11], [sflag:$0x3], $0x20, s20, s14, $0xb8;
	[tilespmem:$0x11BC0] =	vst v63  }
0xb2: {  	_ =	swait.ge [sflag:s12], $0x3E80  }
0xb3: {  	[sflag:s12] =	ssyncset.done $0x0  }
0xb4: {  	[sflag:s12] =	ssyncadd.s32 $0xFFFFC180  }
0xb5: {  	[tilespmem:s11], [sflag:$0x1] =	stream.indirect.gather [hbm4b:s1+s14], $0x20, s21, s14, $0xb8;
	[tilespmem:$0x11BC0] =	vst v63  }
0xb6: {  	_ =	swait.ge [sflag:s19], $0x3E80  }
0xb7: {  	[sflag:s19] =	ssyncset.done $0x0  }
0xb8: {  	[sflag:s19] =	ssyncadd.s32 $0xFFFFC180  }
0xb9: {  	[spmem:s3] =	stream.indirect.scatter.add.bf16 [tilespmem:s16], [sflag:$0x3], $0x20, s22, s14, $0xb8;
	[tilespmem:$0x11BC0] =	vst v63  }
0xba: {  	_ =	swait.ge [sflag:s12], $0x3E80  }
0xbb: {  	[sflag:s12] =	ssyncset.done $0x0  }
0xbc: {  	[sflag:s12] =	ssyncadd.s32 $0xFFFFC180  }
0xbd: {  	[tilespmem:s16], [sflag:$0x2] =	stream.indirect.gather [hbm4b:s1+s14], $0x20, s23, s14, $0xb8;
	[tilespmem:$0x11BC0] =	vst v63  }
0xbe: {  	_ =	swait.ge [sflag:s17], $0x3E80  }
0xbf: {  	[sflag:s17] =	ssyncset.done $0x0  }
0xc0: {  	[sflag:s17] =	ssyncadd.s32 $0xFFFFC180  }
0xc1: {  	[spmem:s3] =	stream.indirect.scatter.add.bf16 [tilespmem:s11], [sflag:$0x3], $0x20, s24, s14, $0xb8;
	[tilespmem:$0x11BC0] =	vst v63  }
0xc2: {  	_ =	swait.ge [sflag:s12], $0x3E80  }
0xc3: {  	[sflag:s12] =	ssyncset.done $0x0  }
0xc4: {  	[sflag:s12] =	ssyncadd.s32 $0xFFFFC180  }
0xc5: {  	_ =	swait.ge [sflag:s19], $0x3E80  }
0xc6: {  	[sflag:s19] =	ssyncset.done $0x0  }
0xc7: {  	[sflag:s19] =	ssyncadd.s32 $0xFFFFC180  }
0xc8: {  	[spmem:s3] =	stream.indirect.scatter.add.bf16 [tilespmem:s16], [sflag:$0x3], $0x20, s25, s14, $0xb8;
	[tilespmem:$0x11BC0] =	vst v63  }
0xc9: {  	s29 =	stileid.u32;
	_ =	swait.ge [sflag:s12], $0x3E80  }
0xca: {  	s26 =	sadd.s32 $0x1, s26;
	s28 =	sshll.u32 s29, $0x6;
	[sflag:s12] =	ssyncset.done $0x0  }
0xcb: {  	p0 =	sne.s32 s26, s10;
	s28 =	sor.u32 $0x1C03, s28;
	[sflag:s12] =	ssyncadd.s32 $0xFFFFC180  }
.Ltmp1:
0xcc: {  	s30 =	sshrl.u32 s5, $0x3;
	[bflag:$0x0] =	sbarrier.arrive $0xFFFF;
	(pc) =	sbr.rel @p0 .LBB2_1-.Ltmp1, $4  }
0xcd: {  	[hbm:s9], [sflag:s28] =	dma.local [spmem:s30], $0xA00  }
0xce: {  	_ =	swait.ge [sflag:s12], $0xA00  }
0xcf: {  	[sflag:s12] =	ssyncset.done $0x0  }
0xd0: {  	[sflag:s12] =	ssyncadd.s32 $0xFFFFF600  }
0xd1: {  	_ =	sfence.sel $0x180000  }
0xd2: {  	[bflag:$0x0] =	sbarrier.arrive $0xFFFF  }
0xd3: {  	_ =	strace $0x9000004A  }
0xd4: {  	s0 =	stileid.u32;
	[bflag:$0x2] =	sbarrier.arrive $0xFFFF  }
0xd5: {  	p0 =	sne.s32 s0, $0x0;
	s0 =	rddreg [dreg:$0x3]  }
0xd6: {  	s0 =	sadd.s32 @!p0 $0x100000, s0  }
0xd7: {  	[sflag:s0] =	ssyncadd.tile.s32 @!p0 $0x1;
	_ =	shalt  }
.Lfunc_end2:
_tile_overlayer_lowered:
.L_overlay_start_2:
0xd8: {  	(tag) =	ssettag $0x2  }
0xd9: {  	s0 =	rddreg [dreg:$0x0];
	s2 =	stileid.u32  }
0xda: {  	s1 =	rddreg [dreg:$0x1];
	p0 =	sne.s32 s2, $0x0  }
0xdb: {  	s3 =	rddreg [dreg:$0x2];
	[bflag:$0x3] =	sbarrier.arrive $0xFFFF;
	s2 =	simm.s32 @!p0 $0x1C03  }
0xdc: {  	[timem:s3], [sflag:s2] =	dma.local @!p0 [hbm:s0], s1  }
0xdd: {  	s0 =	simm.s32 @!p0 $0x3  }
0xde: {  	_ =	swait.ge @!p0 [sflag:s0], s1  }
0xdf: {  	s1 =	ssub.s32 @!p0 $0x0, s1;
	[sflag:s0] =	ssyncset.done @!p0 $0x0  }
0xe0: {  	[sflag:s0] =	ssyncadd.s32 @!p0 s1  }
0xe1: {  	[bflag:$0x3] =	sbarrier.arrive $0xFFFF  }
0xe2: {  	_ =	shalt  }

</sc_bundles>
